<compile_context>
chip_gen: v7x
topology: tpu7x:2x2x1
jax: 0.10.2.dev20260603
libtpu: 0.0.44.dev20260713+nightly
codegen_flags: <defaults>
</compile_context>

<pallas_src>
import functools

import jax
import jax.numpy as jnp
from jax import lax
from jax.experimental import pallas as pl
from jax.experimental.pallas import tpu as pltpu
from jax.experimental.pallas import tpu_sc as plsc

N = 10000
E = 320000
D = 128
DE = 16
DIM = 100
G = N // DIM
H1 = 512
OUT = 128

NC, NS = 2, 16
NW = NC * NS
K = 128
NB = 80
NCH = 4
CH = NB // NCH
E_PAD = NW * NB * K
N_ACC = 10240
ZERO_PT = N_ACC // NS


def _gather_sweep_body(h_hbm, src_hbm, dst_hbm, z_hbm, out_x,
                       src_v, dst_v, rb0, rb1, acc, zsem, sem0, sem1):
    c = lax.axis_index("c")
    s = lax.axis_index("s")
    wid = c * NS + s

    zbase = s * ZERO_PT
    pltpu.async_copy(z_hbm, acc.at[pl.ds(zbase, ZERO_PT)], zsem)
    pltpu.make_async_copy(z_hbm, acc.at[pl.ds(zbase, ZERO_PT)], zsem).wait()

    plsc.subcore_barrier()

    def chunk(ci, carry):
        pltpu.sync_copy(src_hbm.at[wid, ci], src_v)
        pltpu.sync_copy(dst_hbm.at[wid, ci], dst_v)
        pltpu.async_copy(h_hbm.at[src_v.at[0]], rb0, sem0)
        pltpu.async_copy(h_hbm.at[src_v.at[1]], rb1, sem1)

        def step(rb, sem, j):
            pltpu.make_async_copy(h_hbm.at[src_v.at[j]], rb, sem).wait()
            pltpu.sync_copy(rb, acc.at[dst_v.at[j]], add=True)

            @pl.when(j + 2 < CH)
            def _():
                pltpu.async_copy(h_hbm.at[src_v.at[j + 2]], rb, sem)

        def pair(i, c2):
            step(rb0, sem0, 2 * i)
            step(rb1, sem1, 2 * i + 1)
            return c2

        lax.fori_loop(0, CH // 2, pair, 0)
        return carry

    lax.fori_loop(0, NCH, chunk, 0)

    plsc.subcore_barrier()

    pltpu.sync_copy(acc.at[pl.ds(zbase, ZERO_PT)],
                    out_x.at[c, pl.ds(zbase, ZERO_PT)])


_sweep = pl.kernel(
    _gather_sweep_body,
    out_type=(jax.ShapeDtypeStruct((NC, N_ACC, D), jnp.float32),),
    mesh=plsc.VectorSubcoreMesh(core_axis_name="c", subcore_axis_name="s"),
    scratch_types=[
        pltpu.VMEM((CH, K), jnp.int32),
        pltpu.VMEM((CH, K), jnp.int32),
        pltpu.VMEM((K, D), jnp.float32),
        pltpu.VMEM((K, D), jnp.float32),
        pltpu.VMEM_SHARED((N_ACC, D), jnp.float32),
        pltpu.SemaphoreType.DMA,
        pltpu.SemaphoreType.DMA,
        pltpu.SemaphoreType.DMA,
    ],
)


def _ea_sweep_body(ea_hbm, dst_hbm, z_hbm, out_ea, dst_v, eb0, eb1, acc,
                   zsem, sem0, sem1):
    c = lax.axis_index("c")
    s = lax.axis_index("s")
    wid = c * NS + s

    zbase = s * ZERO_PT
    pltpu.async_copy(z_hbm, acc.at[pl.ds(zbase, ZERO_PT)], zsem)
    pltpu.make_async_copy(z_hbm, acc.at[pl.ds(zbase, ZERO_PT)], zsem).wait()

    plsc.subcore_barrier()

    def chunk(ci, carry):
        pltpu.sync_copy(dst_hbm.at[wid, ci], dst_v)
        base = ci * CH
        pltpu.async_copy(ea_hbm.at[wid, base], eb0, sem0)
        pltpu.async_copy(ea_hbm.at[wid, base + 1], eb1, sem1)

        def step(eb, sem, j):
            pltpu.make_async_copy(ea_hbm.at[wid, base + j], eb, sem).wait()
            pltpu.sync_copy(eb, acc.at[dst_v.at[j]], add=True)

            @pl.when(j + 2 < CH)
            def _():
                pltpu.async_copy(ea_hbm.at[wid, base + j + 2], eb, sem)

        def pair(i, c2):
            step(eb0, sem0, 2 * i)
            step(eb1, sem1, 2 * i + 1)
            return c2

        lax.fori_loop(0, CH // 2, pair, 0)
        return carry

    lax.fori_loop(0, NCH, chunk, 0)

    plsc.subcore_barrier()

    pltpu.sync_copy(acc.at[pl.ds(zbase, ZERO_PT)],
                    out_ea.at[c, pl.ds(zbase, ZERO_PT)])


_sweep_ea = pl.kernel(
    _ea_sweep_body,
    out_type=(jax.ShapeDtypeStruct((NC, N_ACC, D), jnp.float32),),
    mesh=plsc.VectorSubcoreMesh(core_axis_name="c", subcore_axis_name="s"),
    scratch_types=[
        pltpu.VMEM((CH, K), jnp.int32),
        pltpu.VMEM((K, D), jnp.float32),
        pltpu.VMEM((K, D), jnp.float32),
        pltpu.VMEM_SHARED((N_ACC, D), jnp.float32),
        pltpu.SemaphoreType.DMA,
        pltpu.SemaphoreType.DMA,
        pltpu.SemaphoreType.DMA,
    ],
)



_RB = 1000
_NRB = N // _RB


def _combine1_body(px0, px1, pe0, pe1, h, We, Ws, b, oh, oea):
    ea = pe0[0][:, :DE] + pe1[0][:, :DE]
    r = (px0[0] + px1[0]
         + jnp.dot(ea, We[...], preferred_element_type=jnp.float32)
         + jnp.dot(h[...], Ws[...], preferred_element_type=jnp.float32)
         + b[...])
    oh[...] = jnp.maximum(r, 0.0)
    oea[...] = ea


def _combine2_body(px0, px1, ea, h, We, Ws, b, oh):
    r = (px0[0] + px1[0]
         + jnp.dot(ea[...], We[...], preferred_element_type=jnp.float32)
         + jnp.dot(h[...], Ws[...], preferred_element_type=jnp.float32)
         + b[...])
    oh[...] = jnp.maximum(r, 0.0)


def _part_spec(core, cols):
    return pl.BlockSpec((1, _RB, cols), lambda i, c=core: (c, i, 0))


def _row_spec(cols):
    return pl.BlockSpec((_RB, cols), lambda i: (i, 0))


def _full_spec(rows, cols):
    return pl.BlockSpec((rows, cols), lambda i: (0, 0))


_combine1 = pl.pallas_call(
    _combine1_body,
    grid=(_NRB,),
    in_specs=[
        _part_spec(0, D), _part_spec(1, D),
        _part_spec(0, D), _part_spec(1, D),
        _row_spec(D),
        _full_spec(DE, D), _full_spec(D, D), _full_spec(1, D),
    ],
    out_specs=[_row_spec(D), _row_spec(DE)],
    out_shape=[
        jax.ShapeDtypeStruct((N, D), jnp.float32),
        jax.ShapeDtypeStruct((N, DE), jnp.float32),
    ],
)

_combine2 = pl.pallas_call(
    _combine2_body,
    grid=(_NRB,),
    in_specs=[
        _part_spec(0, D), _part_spec(1, D),
        _row_spec(DE),
        _row_spec(D),
        _full_spec(DE, D), _full_spec(D, D), _full_spec(1, D),
    ],
    out_specs=_row_spec(D),
    out_shape=jax.ShapeDtypeStruct((N, D), jnp.float32),
)

_KB = 1280
_NKB = (DIM * D) // _KB


def _fc_body(g, W1, b1, W2, b2, o, acc):
    k = pl.program_id(0)

    @pl.when(k == 0)
    def _():
        acc[...] = jnp.zeros_like(acc)

    acc[...] += jnp.dot(g[...], W1[...], preferred_element_type=jnp.float32)

    @pl.when(k == _NKB - 1)
    def _():
        t = jnp.maximum(acc[...] + b1[...], 0.0)
        o[...] = (jnp.dot(t, W2[...], preferred_element_type=jnp.float32)
                  + b2[...])


_fc = pl.pallas_call(
    _fc_body,
    grid=(_NKB,),
    in_specs=[
        pl.BlockSpec((G, _KB), lambda k: (0, k)),
        pl.BlockSpec((_KB, H1), lambda k: (k, 0)),
        pl.BlockSpec((1, H1), lambda k: (0, 0)),
        pl.BlockSpec((H1, OUT), lambda k: (0, 0)),
        pl.BlockSpec((1, OUT), lambda k: (0, 0)),
    ],
    out_specs=pl.BlockSpec((G, OUT), lambda k: (0, 0)),
    out_shape=jax.ShapeDtypeStruct((G, OUT), jnp.float32),
    scratch_shapes=[pltpu.VMEM((G, H1), jnp.float32)],
)


def kernel(x, edge_index, edge_attr, We1, Ws1, b1, We2, Ws2, b2,
           W_fc1, b_fc1, W_fc2, b_fc2):
    pad = E_PAD - E
    src = jnp.concatenate(
        [edge_index[0].astype(jnp.int32), jnp.zeros((pad,), jnp.int32)])
    dst = jnp.concatenate(
        [edge_index[1].astype(jnp.int32), jnp.full((pad,), N, jnp.int32)])
    src_r = src.reshape(NW, NCH, CH, K)
    dst_r = dst.reshape(NW, NCH, CH, K)
    ea_r = jnp.pad(edge_attr, ((0, pad), (0, D - DE))).reshape(NW, NB, K, D)

    z_d = jnp.zeros((ZERO_PT, D), jnp.float32)

    (pea,) = _sweep_ea(ea_r, dst_r, z_d)
    (px,) = _sweep(x, src_r, dst_r, z_d)
    h1, ea = _combine1(px, px, pea, pea, x, We1, Ws1, b1.reshape(1, D))
    (ph,) = _sweep(h1, src_r, dst_r, z_d)
    h2 = _combine2(ph, ph, ea, h1, We2, Ws2, b2.reshape(1, D))
    return _fc(h2.reshape(G, DIM * D), W_fc1, b_fc1.reshape(1, H1),
               W_fc2, b_fc2.reshape(1, OUT))

# --- scband reference (transcript-rebuilt; emitter-appended) ---
"""Pipeline reference for scband-encoder-88983132439258 (READ-ONLY COPY).

The authoritative reference and input builder live on the scoring server;
editing this copy changes nothing except your own understanding.
"""

import jax, jax.numpy as jnp
import numpy as np

N = 10000      # n_nodes
E = 320000     # n_edges
D = 128        # d_feat == hidden_channels
DE = 16        # d_edge
DIM = 100      # config['dim'] = nodes per graph
G = N // DIM   # num_graphs = 100
H1 = 512       # fc1 hidden
OUT = 128      # fc2 out


def setup_inputs(seed: int = 0) -> dict:
    key = jax.random.key(seed)
    ks = jax.random.split(key, 16)
    s_d = 1.0 / np.sqrt(D)
    s_e = 1.0 / np.sqrt(DE)
    s_f = 1.0 / np.sqrt(DIM * D)
    s_h = 1.0 / np.sqrt(H1)
    return {
        "x": jax.random.normal(ks[0], (N, D), dtype=jnp.float32),
        "edge_index": jax.random.randint(ks[1], (2, E), 0, N),
        "edge_attr": jax.random.normal(ks[2], (E, DE), dtype=jnp.float32),
        "We1": jax.random.normal(ks[3], (DE, D), dtype=jnp.float32) * s_e,
        "Ws1": jax.random.normal(ks[4], (D, D), dtype=jnp.float32) * s_d,
        "b1": jnp.zeros((D,), dtype=jnp.float32),
        "We2": jax.random.normal(ks[5], (DE, D), dtype=jnp.float32) * s_e,
        "Ws2": jax.random.normal(ks[6], (D, D), dtype=jnp.float32) * s_d,
        "b2": jnp.zeros((D,), dtype=jnp.float32),
        "W_fc1": jax.random.normal(ks[7], (DIM * D, H1), dtype=jnp.float32) * s_f,
        "b_fc1": jnp.zeros((H1,), dtype=jnp.float32),
        "W_fc2": jax.random.normal(ks[8], (H1, OUT), dtype=jnp.float32) * s_h,
        "b_fc2": jnp.zeros((OUT,), dtype=jnp.float32),
    }


def reference(x, edge_index, edge_attr, We1, Ws1, b1, We2, Ws2, b2, W_fc1, b_fc1, W_fc2, b_fc2):
    src = edge_index[0]
    dst = edge_index[1]

    def conv(h, We, Ws, b):
        # edge-attr-aware message passing: gather src features, add projected
        # edge attributes, scatter-add into dst nodes, plus self transform.
        msg = jnp.take(h, src, axis=0) + edge_attr @ We          # [E, D]
        agg = jax.ops.segment_sum(msg, dst, num_segments=N)      # [N, D]
        out = agg + h @ Ws + b
        return jax.nn.relu(out)  # act; dropout is identity (eval mode)

    h = conv(x, We1, Ws1, b1)
    h = conv(h, We2, Ws2, b2)
    h = h.reshape(G, DIM * D)                # (num_graphs, dim * hidden_channels)
    h = jax.nn.relu(h @ W_fc1 + b_fc1)
    out = h @ W_fc2 + b_fc2
    return out

if __name__ == "__main__":
    import jax
    _d = setup_inputs()
    print(jax.jit(kernel)(*tuple(_d.values())))

</pallas_src>

<mosaic_0001>
#map = affine_map<(d0, d1) -> (0, 0)>
#map1 = affine_map<(d0, d1) -> (0, 0, 0, 0)>
#map2 = affine_map<(d0, d1) -> (0, 0, 0)>
module attributes {stable_mosaic.version = 14 : i64} {
  func.func @_gather_sweep_body(%arg0: i32, %arg1: i32, %arg2: memref<10000x128xf32, #tpu.memory_space<hbm>>, %arg3: memref<32x4x20x128xi32, #tpu.memory_space<hbm>>, %arg4: memref<32x4x20x128xi32, #tpu.memory_space<hbm>>, %arg5: memref<640x128xf32, #tpu.memory_space<hbm>>, %arg6: memref<2x10240x128xf32, #tpu.memory_space<hbm>>, %arg7: memref<20x128xi32, #tpu.memory_space<vmem>>, %arg8: memref<20x128xi32, #tpu.memory_space<vmem>>, %arg9: memref<128x128xf32, #tpu.memory_space<vmem>>, %arg10: memref<128x128xf32, #tpu.memory_space<vmem>>, %arg11: memref<10240x128xf32, #tpu.memory_space<vmem_shared>>, %arg12: memref<!tpu.dma_semaphore, #tpu.memory_space<semaphore_mem>>, %arg13: memref<!tpu.dma_semaphore, #tpu.memory_space<semaphore_mem>>, %arg14: memref<!tpu.dma_semaphore, #tpu.memory_space<semaphore_mem>>) attributes {dimension_semantics = [#tpu.dimension_semantics<core_parallel>, #tpu.dimension_semantics<subcore_parallel>], iteration_bounds = array<i64: 2, 16>, scalar_prefetch = 0 : i64, scratch_operands = 8 : i64, tpu.core_type = #tpu.core_type<sc_vector_subcore>, window_params = [{transform_indices = #map}, {transform_indices = #map1}, {transform_indices = #map1}, {transform_indices = #map}, {transform_indices = #map2}]} {
    %mul3A = arith.constant 16 : i32
    %mul3A_0 = arith.muli %arg0, %mul3A : i32
    %add3A = arith.addi %mul3A_0, %arg1 : i32
    %mul3A_1 = arith.constant 640 : i32
    %mul3A_2 = arith.muli %arg1, %mul3A_1 : i32
    %dma_start3A = arith.constant 0 : i32
    %dma_start3A_3 = tpu.memref_slice %arg11[%mul3A_2, %dma_start3A] : memref<10240x128xf32, #tpu.memory_space<vmem_shared>> -> memref<640x128xf32, #tpu.memory_space<vmem_shared>>
    tpu.enqueue_dma source(%arg5 : memref<640x128xf32, #tpu.memory_space<hbm>>) target(%dma_start3A_3 : memref<640x128xf32, #tpu.memory_space<vmem_shared>>) target_semaphore(%arg12 : memref<!tpu.dma_semaphore, #tpu.memory_space<semaphore_mem>>)
    %dma_wait3A = arith.constant 0 : i32
    %dma_wait3A_4 = tpu.memref_slice %arg11[%mul3A_2, %dma_wait3A] : memref<10240x128xf32, #tpu.memory_space<vmem_shared>> -> memref<640x128xf32, #tpu.memory_space<vmem_shared>>
    tpu.wait_dma2 semaphore(%arg12 : memref<!tpu.dma_semaphore, #tpu.memory_space<semaphore_mem>>) src(%arg5 : memref<640x128xf32, #tpu.memory_space<hbm>>) dst(%dma_wait3A_4 : memref<640x128xf32, #tpu.memory_space<vmem_shared>>)
    %barrier3A = arith.constant 0 : index
    tpu.barrier barrier_id(%barrier3A)
    %scan3A = arith.constant 0 : i32
    %scan3A_5 = arith.constant 0 : i32
    %scan3A_6 = arith.constant 4 : i32
    %scan3A_7 = arith.addi %scan3A_5, %scan3A_6 : i32
    %scan3A_8 = arith.constant 1 : i32
    scf.for %scan3A_11 = %scan3A_5 to %scan3A_7 step %scan3A_8  : i32 {
      "tpu.region"() ({
        %run_scoped3A = tpu.sem_alloc : memref<!tpu.dma_semaphore, #tpu.memory_space<semaphore_mem>>
        %dma_start3A_32 = arith.constant 0 : i32
        %dma_start3A_33 = arith.constant 0 : i32
        %dma_start3A_34 = tpu.memref_slice %arg3[%add3A, %scan3A_11, %dma_start3A_32, %dma_start3A_33] : memref<32x4x20x128xi32, #tpu.memory_space<hbm>> -> memref<1x1x20x128xi32, #tpu.memory_space<hbm>>
        %dma_start3A_35 = tpu.memref_squeeze %dma_start3A_34 : memref<1x1x20x128xi32, #tpu.memory_space<hbm>> -> memref<20x128xi32, #tpu.memory_space<hbm>>
        %dma_start3A_36 = arith.constant 0 : i32
        %dma_start3A_37 = arith.constant 0 : i32
        %dma_start3A_38 = tpu.memref_slice %arg3[%add3A, %scan3A_11, %dma_start3A_36, %dma_start3A_37] : memref<32x4x20x128xi32, #tpu.memory_space<hbm>> -> memref<1x1x20x128xi32, #tpu.memory_space<hbm>>
        %dma_start3A_39 = tpu.memref_squeeze %dma_start3A_38 : memref<1x1x20x128xi32, #tpu.memory_space<hbm>> -> memref<20x128xi32, #tpu.memory_space<hbm>>
        tpu.enqueue_dma source(%dma_start3A_39 : memref<20x128xi32, #tpu.memory_space<hbm>>) target(%arg7 : memref<20x128xi32, #tpu.memory_space<vmem>>) target_semaphore(%run_scoped3A : memref<!tpu.dma_semaphore, #tpu.memory_space<semaphore_mem>>)
        %dma_wait3A_40 = arith.constant 0 : i32
        %dma_wait3A_41 = arith.constant 0 : i32
        %dma_wait3A_42 = tpu.memref_slice %arg3[%add3A, %scan3A_11, %dma_wait3A_40, %dma_wait3A_41] : memref<32x4x20x128xi32, #tpu.memory_space<hbm>> -> memref<1x1x20x128xi32, #tpu.memory_space<hbm>>
        %dma_wait3A_43 = tpu.memref_squeeze %dma_wait3A_42 : memref<1x1x20x128xi32, #tpu.memory_space<hbm>> -> memref<20x128xi32, #tpu.memory_space<hbm>>
        %dma_wait3A_44 = arith.constant 0 : i32
        %dma_wait3A_45 = arith.constant 0 : i32
        %dma_wait3A_46 = tpu.memref_slice %arg3[%add3A, %scan3A_11, %dma_wait3A_44, %dma_wait3A_45] : memref<32x4x20x128xi32, #tpu.memory_space<hbm>> -> memref<1x1x20x128xi32, #tpu.memory_space<hbm>>
        %dma_wait3A_47 = tpu.memref_squeeze %dma_wait3A_46 : memref<1x1x20x128xi32, #tpu.memory_space<hbm>> -> memref<20x128xi32, #tpu.memory_space<hbm>>
        tpu.wait_dma2 semaphore(%run_scoped3A : memref<!tpu.dma_semaphore, #tpu.memory_space<semaphore_mem>>) src(%dma_wait3A_47 : memref<20x128xi32, #tpu.memory_space<hbm>>) dst(%arg7 : memref<20x128xi32, #tpu.memory_space<vmem>>)
        tpu.yield
      }) : () -> ()
      "tpu.region"() ({
        %run_scoped3A = tpu.sem_alloc : memref<!tpu.dma_semaphore, #tpu.memory_space<semaphore_mem>>
        %dma_start3A_32 = arith.constant 0 : i32
        %dma_start3A_33 = arith.constant 0 : i32
        %dma_start3A_34 = tpu.memref_slice %arg4[%add3A, %scan3A_11, %dma_start3A_32, %dma_start3A_33] : memref<32x4x20x128xi32, #tpu.memory_space<hbm>> -> memref<1x1x20x128xi32, #tpu.memory_space<hbm>>
        %dma_start3A_35 = tpu.memref_squeeze %dma_start3A_34 : memref<1x1x20x128xi32, #tpu.memory_space<hbm>> -> memref<20x128xi32, #tpu.memory_space<hbm>>
        %dma_start3A_36 = arith.constant 0 : i32
        %dma_start3A_37 = arith.constant 0 : i32
        %dma_start3A_38 = tpu.memref_slice %arg4[%add3A, %scan3A_11, %dma_start3A_36, %dma_start3A_37] : memref<32x4x20x128xi32, #tpu.memory_space<hbm>> -> memref<1x1x20x128xi32, #tpu.memory_space<hbm>>
        %dma_start3A_39 = tpu.memref_squeeze %dma_start3A_38 : memref<1x1x20x128xi32, #tpu.memory_space<hbm>> -> memref<20x128xi32, #tpu.memory_space<hbm>>
        tpu.enqueue_dma source(%dma_start3A_39 : memref<20x128xi32, #tpu.memory_space<hbm>>) target(%arg8 : memref<20x128xi32, #tpu.memory_space<vmem>>) target_semaphore(%run_scoped3A : memref<!tpu.dma_semaphore, #tpu.memory_space<semaphore_mem>>)
        %dma_wait3A_40 = arith.constant 0 : i32
        %dma_wait3A_41 = arith.constant 0 : i32
        %dma_wait3A_42 = tpu.memref_slice %arg4[%add3A, %scan3A_11, %dma_wait3A_40, %dma_wait3A_41] : memref<32x4x20x128xi32, #tpu.memory_space<hbm>> -> memref<1x1x20x128xi32, #tpu.memory_space<hbm>>
        %dma_wait3A_43 = tpu.memref_squeeze %dma_wait3A_42 : memref<1x1x20x128xi32, #tpu.memory_space<hbm>> -> memref<20x128xi32, #tpu.memory_space<hbm>>
        %dma_wait3A_44 = arith.constant 0 : i32
        %dma_wait3A_45 = arith.constant 0 : i32
        %dma_wait3A_46 = tpu.memref_slice %arg4[%add3A, %scan3A_11, %dma_wait3A_44, %dma_wait3A_45] : memref<32x4x20x128xi32, #tpu.memory_space<hbm>> -> memref<1x1x20x128xi32, #tpu.memory_space<hbm>>
        %dma_wait3A_47 = tpu.memref_squeeze %dma_wait3A_46 : memref<1x1x20x128xi32, #tpu.memory_space<hbm>> -> memref<20x128xi32, #tpu.memory_space<hbm>>
        tpu.wait_dma2 semaphore(%run_scoped3A : memref<!tpu.dma_semaphore, #tpu.memory_space<semaphore_mem>>) src(%dma_wait3A_47 : memref<20x128xi32, #tpu.memory_space<hbm>>) dst(%arg8 : memref<20x128xi32, #tpu.memory_space<vmem>>)
        tpu.yield
      }) : () -> ()
      %dma_start3A_12 = arith.constant 0 : i32
      %dma_start3A_13 = arith.constant 0 : i32
      %dma_start3A_14 = tpu.memref_slice %arg7[%dma_start3A_12, %dma_start3A_13] : memref<20x128xi32, #tpu.memory_space<vmem>> -> memref<1x128xi32, #tpu.memory_space<vmem>>
      %dma_start3A_15 = tpu.memref_squeeze %dma_start3A_14 : memref<1x128xi32, #tpu.memory_space<vmem>> -> memref<128xi32, #tpu.memory_space<vmem>>
      %dma_start3A_16 = arith.constant 0 : i32
      %dma_start3A_17 = arith.constant 0 : i32
      %dma_start3A_18 = tpu.memref_slice %arg2[%dma_start3A_16, %dma_start3A_17] : memref<10000x128xf32, #tpu.memory_space<hbm>> -> memref<10000x128xf32, #tpu.memory_space<hbm>>
      tpu.enqueue_indirect_dma source(%dma_start3A_18 : memref<10000x128xf32, #tpu.memory_space<hbm>>) target(%arg9 : memref<128x128xf32, #tpu.memory_space<vmem>>) offsets(%dma_start3A_15 : memref<128xi32, #tpu.memory_space<vmem>>) semaphore(%arg13 : memref<!tpu.dma_semaphore, #tpu.memory_space<semaphore_mem>>)
      %dma_start3A_19 = arith.constant 1 : i32
      %dma_start3A_20 = arith.constant 0 : i32
      %dma_start3A_21 = tpu.memref_slice %arg7[%dma_start3A_19, %dma_start3A_20] : memref<20x128xi32, #tpu.memory_space<vmem>> -> memref<1x128xi32, #tpu.memory_space<vmem>>
      %dma_start3A_22 = tpu.memref_squeeze %dma_start3A_21 : memref<1x128xi32, #tpu.memory_space<vmem>> -> memref<128xi32, #tpu.memory_space<vmem>>
      %dma_start3A_23 = arith.constant 0 : i32
      %dma_start3A_24 = arith.constant 0 : i32
      %dma_start3A_25 = tpu.memref_slice %arg2[%dma_start3A_23, %dma_start3A_24] : memref<10000x128xf32, #tpu.memory_space<hbm>> -> memref<10000x128xf32, #tpu.memory_space<hbm>>
      tpu.enqueue_indirect_dma source(%dma_start3A_25 : memref<10000x128xf32, #tpu.memory_space<hbm>>) target(%arg10 : memref<128x128xf32, #tpu.memory_space<vmem>>) offsets(%dma_start3A_22 : memref<128xi32, #tpu.memory_space<vmem>>) semaphore(%arg14 : memref<!tpu.dma_semaphore, #tpu.memory_space<semaphore_mem>>)
      %scan3A_26 = arith.constant 0 : i32
      %scan3A_27 = arith.constant 0 : i32
      %scan3A_28 = arith.constant 10 : i32
      %scan3A_29 = arith.addi %scan3A_27, %scan3A_28 : i32
      %scan3A_30 = arith.constant 1 : i32
      scf.for %scan3A_32 = %scan3A_27 to %scan3A_29 step %scan3A_30  : i32 {
        %mul3A_33 = arith.constant 2 : i32
        %mul3A_34 = arith.muli %mul3A_33, %scan3A_32 : i32
        %dma_wait3A_35 = arith.constant 0 : i32
        %dma_wait3A_36 = tpu.memref_slice %arg7[%mul3A_34, %dma_wait3A_35] : memref<20x128xi32, #tpu.memory_space<vmem>> -> memref<1x128xi32, #tpu.memory_space<vmem>>
        %dma_wait3A_37 = tpu.memref_squeeze %dma_wait3A_36 : memref<1x128xi32, #tpu.memory_space<vmem>> -> memref<128xi32, #tpu.memory_space<vmem>>
        %dma_wait3A_38 = arith.constant 0 : i32
        %dma_wait3A_39 = arith.constant 0 : i32
        %dma_wait3A_40 = tpu.memref_slice %arg2[%dma_wait3A_38, %dma_wait3A_39] : memref<10000x128xf32, #tpu.memory_space<hbm>> -> memref<10000x128xf32, #tpu.memory_space<hbm>>
        tpu.wait_indirect_dma semaphore(%arg13 : memref<!tpu.dma_semaphore, #tpu.memory_space<semaphore_mem>>) src(%dma_wait3A_40 : memref<10000x128xf32, #tpu.memory_space<hbm>>) dst(%arg9 : memref<128x128xf32, #tpu.memory_space<vmem>>)
        "tpu.region"() ({
          %run_scoped3A = tpu.sem_alloc : memref<!tpu.dma_semaphore, #tpu.memory_space<semaphore_mem>>
          %dma_start3A_62 = arith.constant 0 : i32
          %dma_start3A_63 = tpu.memref_slice %arg8[%mul3A_34, %dma_start3A_62] : memref<20x128xi32, #tpu.memory_space<vmem>> -> memref<1x128xi32, #tpu.memory_space<vmem>>
          %dma_start3A_64 = tpu.memref_squeeze %dma_start3A_63 : memref<1x128xi32, #tpu.memory_space<vmem>> -> memref<128xi32, #tpu.memory_space<vmem>>
          %dma_start3A_65 = arith.constant 0 : i32
          %dma_start3A_66 = arith.constant 0 : i32
          %dma_start3A_67 = tpu.memref_slice %arg11[%dma_start3A_65, %dma_start3A_66] : memref<10240x128xf32, #tpu.memory_space<vmem_shared>> -> memref<10240x128xf32, #tpu.memory_space<vmem_shared>>
          tpu.enqueue_indirect_dma source(%arg9 : memref<128x128xf32, #tpu.memory_space<vmem>>) target(%dma_start3A_67 : memref<10240x128xf32, #tpu.memory_space<vmem_shared>>) offsets(%dma_start3A_64 : memref<128xi32, #tpu.memory_space<vmem>>) semaphore(%run_scoped3A : memref<!tpu.dma_semaphore, #tpu.memory_space<semaphore_mem>>) {add = true}
          %dma_wait3A_68 = arith.constant 0 : i32
          %dma_wait3A_69 = tpu.memref_slice %arg8[%mul3A_34, %dma_wait3A_68] : memref<20x128xi32, #tpu.memory_space<vmem>> -> memref<1x128xi32, #tpu.memory_space<vmem>>
          %dma_wait3A_70 = tpu.memref_squeeze %dma_wait3A_69 : memref<1x128xi32, #tpu.memory_space<vmem>> -> memref<128xi32, #tpu.memory_space<vmem>>
          %dma_wait3A_71 = arith.constant 0 : i32
          %dma_wait3A_72 = arith.constant 0 : i32
          %dma_wait3A_73 = tpu.memref_slice %arg11[%dma_wait3A_71, %dma_wait3A_72] : memref<10240x128xf32, #tpu.memory_space<vmem_shared>> -> memref<10240x128xf32, #tpu.memory_space<vmem_shared>>
          tpu.wait_indirect_dma semaphore(%run_scoped3A : memref<!tpu.dma_semaphore, #tpu.memory_space<semaphore_mem>>) src(%arg9 : memref<128x128xf32, #tpu.memory_space<vmem>>) dst(%dma_wait3A_73 : memref<10240x128xf32, #tpu.memory_space<vmem_shared>>)
          tpu.yield
        }) : () -> ()
        %add3A_41 = arith.constant 2 : i32
        %add3A_42 = arith.addi %mul3A_34, %add3A_41 : i32
        %lt3A = arith.constant 20 : i32
        %lt3A_43 = arith.cmpi slt, %add3A_42, %lt3A : i32
        %convert_element_type3A = arith.extui %lt3A_43 : i1 to i32
        %cond3A = arith.constant 0 : i32
        %cond3A_44 = arith.cmpi ne, %convert_element_type3A, %cond3A : i32
        scf.if %cond3A_44 {
          %add3A_62 = arith.constant 2 : i32
          %add3A_63 = arith.addi %mul3A_34, %add3A_62 : i32
          %dma_start3A_64 = arith.constant 0 : i32
          %dma_start3A_65 = tpu.memref_slice %arg7[%add3A_63, %dma_start3A_64] : memref<20x128xi32, #tpu.memory_space<vmem>> -> memref<1x128xi32, #tpu.memory_space<vmem>>
          %dma_start3A_66 = tpu.memref_squeeze %dma_start3A_65 : memref<1x128xi32, #tpu.memory_space<vmem>> -> memref<128xi32, #tpu.memory_space<vmem>>
          %dma_start3A_67 = arith.constant 0 : i32
          %dma_start3A_68 = arith.constant 0 : i32
          %dma_start3A_69 = tpu.memref_slice %arg2[%dma_start3A_67, %dma_start3A_68] : memref<10000x128xf32, #tpu.memory_space<hbm>> -> memref<10000x128xf32, #tpu.memory_space<hbm>>
          tpu.enqueue_indirect_dma source(%dma_start3A_69 : memref<10000x128xf32, #tpu.memory_space<hbm>>) target(%arg9 : memref<128x128xf32, #tpu.memory_space<vmem>>) offsets(%dma_start3A_66 : memref<128xi32, #tpu.memory_space<vmem>>) semaphore(%arg13 : memref<!tpu.dma_semaphore, #tpu.memory_space<semaphore_mem>>)
        } else {
        }
        %mul3A_45 = arith.constant 2 : i32
        %mul3A_46 = arith.muli %mul3A_45, %scan3A_32 : i32
        %add3A_47 = arith.constant 1 : i32
        %add3A_48 = arith.addi %mul3A_46, %add3A_47 : i32
        %dma_wait3A_49 = arith.constant 0 : i32
        %dma_wait3A_50 = tpu.memref_slice %arg7[%add3A_48, %dma_wait3A_49] : memref<20x128xi32, #tpu.memory_space<vmem>> -> memref<1x128xi32, #tpu.memory_space<vmem>>
        %dma_wait3A_51 = tpu.memref_squeeze %dma_wait3A_50 : memref<1x128xi32, #tpu.memory_space<vmem>> -> memref<128xi32, #tpu.memory_space<vmem>>
        %dma_wait3A_52 = arith.constant 0 : i32
        %dma_wait3A_53 = arith.constant 0 : i32
        %dma_wait3A_54 = tpu.memref_slice %arg2[%dma_wait3A_52, %dma_wait3A_53] : memref<10000x128xf32, #tpu.memory_space<hbm>> -> memref<10000x128xf32, #tpu.memory_space<hbm>>
        tpu.wait_indirect_dma semaphore(%arg14 : memref<!tpu.dma_semaphore, #tpu.memory_space<semaphore_mem>>) src(%dma_wait3A_54 : memref<10000x128xf32, #tpu.memory_space<hbm>>) dst(%arg10 : memref<128x128xf32, #tpu.memory_space<vmem>>)
        "tpu.region"() ({
          %run_scoped3A = tpu.sem_alloc : memref<!tpu.dma_semaphore, #tpu.memory_space<semaphore_mem>>
          %dma_start3A_62 = arith.constant 0 : i32
          %dma_start3A_63 = tpu.memref_slice %arg8[%add3A_48, %dma_start3A_62] : memref<20x128xi32, #tpu.memory_space<vmem>> -> memref<1x128xi32, #tpu.memory_space<vmem>>
          %dma_start3A_64 = tpu.memref_squeeze %dma_start3A_63 : memref<1x128xi32, #tpu.memory_space<vmem>> -> memref<128xi32, #tpu.memory_space<vmem>>
          %dma_start3A_65 = arith.constant 0 : i32
          %dma_start3A_66 = arith.constant 0 : i32
          %dma_start3A_67 = tpu.memref_slice %arg11[%dma_start3A_65, %dma_start3A_66] : memref<10240x128xf32, #tpu.memory_space<vmem_shared>> -> memref<10240x128xf32, #tpu.memory_space<vmem_shared>>
          tpu.enqueue_indirect_dma source(%arg10 : memref<128x128xf32, #tpu.memory_space<vmem>>) target(%dma_start3A_67 : memref<10240x128xf32, #tpu.memory_space<vmem_shared>>) offsets(%dma_start3A_64 : memref<128xi32, #tpu.memory_space<vmem>>) semaphore(%run_scoped3A : memref<!tpu.dma_semaphore, #tpu.memory_space<semaphore_mem>>) {add = true}
          %dma_wait3A_68 = arith.constant 0 : i32
          %dma_wait3A_69 = tpu.memref_slice %arg8[%add3A_48, %dma_wait3A_68] : memref<20x128xi32, #tpu.memory_space<vmem>> -> memref<1x128xi32, #tpu.memory_space<vmem>>
          %dma_wait3A_70 = tpu.memref_squeeze %dma_wait3A_69 : memref<1x128xi32, #tpu.memory_space<vmem>> -> memref<128xi32, #tpu.memory_space<vmem>>
          %dma_wait3A_71 = arith.constant 0 : i32
          %dma_wait3A_72 = arith.constant 0 : i32
          %dma_wait3A_73 = tpu.memref_slice %arg11[%dma_wait3A_71, %dma_wait3A_72] : memref<10240x128xf32, #tpu.memory_space<vmem_shared>> -> memref<10240x128xf32, #tpu.memory_space<vmem_shared>>
          tpu.wait_indirect_dma semaphore(%run_scoped3A : memref<!tpu.dma_semaphore, #tpu.memory_space<semaphore_mem>>) src(%arg10 : memref<128x128xf32, #tpu.memory_space<vmem>>) dst(%dma_wait3A_73 : memref<10240x128xf32, #tpu.memory_space<vmem_shared>>)
          tpu.yield
        }) : () -> ()
        %add3A_55 = arith.constant 2 : i32
        %add3A_56 = arith.addi %add3A_48, %add3A_55 : i32
        %lt3A_57 = arith.constant 20 : i32
        %lt3A_58 = arith.cmpi slt, %add3A_56, %lt3A_57 : i32
        %convert_element_type3A_59 = arith.extui %lt3A_58 : i1 to i32
        %cond3A_60 = arith.constant 0 : i32
        %cond3A_61 = arith.cmpi ne, %convert_element_type3A_59, %cond3A_60 : i32
        scf.if %cond3A_61 {
          %add3A_62 = arith.constant 2 : i32
          %add3A_63 = arith.addi %add3A_48, %add3A_62 : i32
          %dma_start3A_64 = arith.constant 0 : i32
          %dma_start3A_65 = tpu.memref_slice %arg7[%add3A_63, %dma_start3A_64] : memref<20x128xi32, #tpu.memory_space<vmem>> -> memref<1x128xi32, #tpu.memory_space<vmem>>
          %dma_start3A_66 = tpu.memref_squeeze %dma_start3A_65 : memref<1x128xi32, #tpu.memory_space<vmem>> -> memref<128xi32, #tpu.memory_space<vmem>>
          %dma_start3A_67 = arith.constant 0 : i32
          %dma_start3A_68 = arith.constant 0 : i32
          %dma_start3A_69 = tpu.memref_slice %arg2[%dma_start3A_67, %dma_start3A_68] : memref<10000x128xf32, #tpu.memory_space<hbm>> -> memref<10000x128xf32, #tpu.memory_space<hbm>>
          tpu.enqueue_indirect_dma source(%dma_start3A_69 : memref<10000x128xf32, #tpu.memory_space<hbm>>) target(%arg10 : memref<128x128xf32, #tpu.memory_space<vmem>>) offsets(%dma_start3A_66 : memref<128xi32, #tpu.memory_space<vmem>>) semaphore(%arg14 : memref<!tpu.dma_semaphore, #tpu.memory_space<semaphore_mem>>)
        } else {
        }
      }
      %scan3A_31 = arith.constant 10 : i32
    }
    %scan3A_9 = arith.constant 4 : i32
    %barrier3A_10 = arith.constant 0 : index
    tpu.barrier barrier_id(%barrier3A_10)
    "tpu.region"() ({
      %run_scoped3A = tpu.sem_alloc : memref<!tpu.dma_semaphore, #tpu.memory_space<semaphore_mem>>
      %dma_start3A_11 = arith.constant 0 : i32
      %dma_start3A_12 = tpu.memref_slice %arg6[%arg0, %mul3A_2, %dma_start3A_11] : memref<2x10240x128xf32, #tpu.memory_space<hbm>> -> memref<1x640x128xf32, #tpu.memory_space<hbm>>
      %dma_start3A_13 = tpu.memref_squeeze %dma_start3A_12 : memref<1x640x128xf32, #tpu.memory_space<hbm>> -> memref<640x128xf32, #tpu.memory_space<hbm>>
      %dma_start3A_14 = arith.constant 0 : i32
      %dma_start3A_15 = tpu.memref_slice %arg11[%mul3A_2, %dma_start3A_14] : memref<10240x128xf32, #tpu.memory_space<vmem_shared>> -> memref<640x128xf32, #tpu.memory_space<vmem_shared>>
      tpu.enqueue_dma source(%dma_start3A_15 : memref<640x128xf32, #tpu.memory_space<vmem_shared>>) target(%dma_start3A_13 : memref<640x128xf32, #tpu.memory_space<hbm>>) target_semaphore(%run_scoped3A : memref<!tpu.dma_semaphore, #tpu.memory_space<semaphore_mem>>)
      %dma_wait3A_16 = arith.constant 0 : i32
      %dma_wait3A_17 = tpu.memref_slice %arg6[%arg0, %mul3A_2, %dma_wait3A_16] : memref<2x10240x128xf32, #tpu.memory_space<hbm>> -> memref<1x640x128xf32, #tpu.memory_space<hbm>>
      %dma_wait3A_18 = tpu.memref_squeeze %dma_wait3A_17 : memref<1x640x128xf32, #tpu.memory_space<hbm>> -> memref<640x128xf32, #tpu.memory_space<hbm>>
      %dma_wait3A_19 = arith.constant 0 : i32
      %dma_wait3A_20 = tpu.memref_slice %arg11[%mul3A_2, %dma_wait3A_19] : memref<10240x128xf32, #tpu.memory_space<vmem_shared>> -> memref<640x128xf32, #tpu.memory_space<vmem_shared>>
      tpu.wait_dma2 semaphore(%run_scoped3A : memref<!tpu.dma_semaphore, #tpu.memory_space<semaphore_mem>>) src(%dma_wait3A_20 : memref<640x128xf32, #tpu.memory_space<vmem_shared>>) dst(%dma_wait3A_18 : memref<640x128xf32, #tpu.memory_space<hbm>>)
      tpu.yield
    }) : () -> ()
    return
  }
}

#map = affine_map<(d0, d1) -> (0, 0)>
#map1 = affine_map<(d0, d1) -> (0, 0, 0, 0)>
#map2 = affine_map<(d0, d1) -> (0, 0, 0)>
module attributes {stable_mosaic.version = 14 : i64} {
  func.func @_gather_sweep_body(%arg0: i32, %arg1: i32, %arg2: memref<10000x128xf32, #tpu.memory_space<hbm>>, %arg3: memref<32x4x20x128xi32, #tpu.memory_space<hbm>>, %arg4: memref<32x4x20x128xi32, #tpu.memory_space<hbm>>, %arg5: memref<640x128xf32, #tpu.memory_space<hbm>>, %arg6: memref<2x10240x128xf32, #tpu.memory_space<hbm>>, %arg7: memref<20x128xi32, #tpu.memory_space<vmem>>, %arg8: memref<20x128xi32, #tpu.memory_space<vmem>>, %arg9: memref<128x128xf32, #tpu.memory_space<vmem>>, %arg10: memref<128x128xf32, #tpu.memory_space<vmem>>, %arg11: memref<10240x128xf32, #tpu.memory_space<vmem_shared>>, %arg12: memref<!tpu.dma_semaphore, #tpu.memory_space<semaphore_mem>>, %arg13: memref<!tpu.dma_semaphore, #tpu.memory_space<semaphore_mem>>, %arg14: memref<!tpu.dma_semaphore, #tpu.memory_space<semaphore_mem>>) attributes {dimension_semantics = [#tpu.dimension_semantics<core_parallel>, #tpu.dimension_semantics<subcore_parallel>], iteration_bounds = array<i64: 2, 16>, scalar_prefetch = 0 : i64, scratch_operands = 8 : i64, tpu.core_type = #tpu.core_type<sc_vector_subcore>, window_params = [{transform_indices = #map}, {transform_indices = #map1}, {transform_indices = #map1}, {transform_indices = #map}, {transform_indices = #map2}]} {
    %mul3A = arith.constant 16 : i32
    %mul3A_0 = arith.muli %arg0, %mul3A : i32
    %add3A = arith.addi %mul3A_0, %arg1 : i32
    %mul3A_1 = arith.constant 640 : i32
    %mul3A_2 = arith.muli %arg1, %mul3A_1 : i32
    %dma_start3A = arith.constant 0 : i32
    %dma_start3A_3 = tpu.memref_slice %arg11[%mul3A_2, %dma_start3A] : memref<10240x128xf32, #tpu.memory_space<vmem_shared>> -> memref<640x128xf32, #tpu.memory_space<vmem_shared>>
    tpu.enqueue_dma source(%arg5 : memref<640x128xf32, #tpu.memory_space<hbm>>) target(%dma_start3A_3 : memref<640x128xf32, #tpu.memory_space<vmem_shared>>) target_semaphore(%arg12 : memref<!tpu.dma_semaphore, #tpu.memory_space<semaphore_mem>>)
    %dma_wait3A = arith.constant 0 : i32
    %dma_wait3A_4 = tpu.memref_slice %arg11[%mul3A_2, %dma_wait3A] : memref<10240x128xf32, #tpu.memory_space<vmem_shared>> -> memref<640x128xf32, #tpu.memory_space<vmem_shared>>
    tpu.wait_dma2 semaphore(%arg12 : memref<!tpu.dma_semaphore, #tpu.memory_space<semaphore_mem>>) src(%arg5 : memref<640x128xf32, #tpu.memory_space<hbm>>) dst(%dma_wait3A_4 : memref<640x128xf32, #tpu.memory_space<vmem_shared>>)
    %barrier3A = arith.constant 0 : index
    tpu.barrier barrier_id(%barrier3A)
    %scan3A = arith.constant 0 : i32
    %scan3A_5 = arith.constant 0 : i32
    %scan3A_6 = arith.constant 4 : i32
    %scan3A_7 = arith.addi %scan3A_5, %scan3A_6 : i32
    %scan3A_8 = arith.constant 1 : i32
    scf.for %scan3A_11 = %scan3A_5 to %scan3A_7 step %scan3A_8  : i32 {
      "tpu.region"() ({
        %run_scoped3A = tpu.sem_alloc : memref<!tpu.dma_semaphore, #tpu.memory_space<semaphore_mem>>
        %dma_start3A_32 = arith.constant 0 : i32
        %dma_start3A_33 = arith.constant 0 : i32
        %dma_start3A_34 = tpu.memref_slice %arg3[%add3A, %scan3A_11, %dma_start3A_32, %dma_start3A_33] : memref<32x4x20x128xi32, #tpu.memory_space<hbm>> -> memref<1x1x20x128xi32, #tpu.memory_space<hbm>>
        %dma_start3A_35 = tpu.memref_squeeze %dma_start3A_34 : memref<1x1x20x128xi32, #tpu.memory_space<hbm>> -> memref<20x128xi32, #tpu.memory_space<hbm>>
        %dma_start3A_36 = arith.constant 0 : i32
        %dma_start3A_37 = arith.constant 0 : i32
        %dma_start3A_38 = tpu.memref_slice %arg3[%add3A, %scan3A_11, %dma_start3A_36, %dma_start3A_37] : memref<32x4x20x128xi32, #tpu.memory_space<hbm>> -> memref<1x1x20x128xi32, #tpu.memory_space<hbm>>
        %dma_start3A_39 = tpu.memref_squeeze %dma_start3A_38 : memref<1x1x20x128xi32, #tpu.memory_space<hbm>> -> memref<20x128xi32, #tpu.memory_space<hbm>>
        tpu.enqueue_dma source(%dma_start3A_39 : memref<20x128xi32, #tpu.memory_space<hbm>>) target(%arg7 : memref<20x128xi32, #tpu.memory_space<vmem>>) target_semaphore(%run_scoped3A : memref<!tpu.dma_semaphore, #tpu.memory_space<semaphore_mem>>)
        %dma_wait3A_40 = arith.constant 0 : i32
        %dma_wait3A_41 = arith.constant 0 : i32
        %dma_wait3A_42 = tpu.memref_slice %arg3[%add3A, %scan3A_11, %dma_wait3A_40, %dma_wait3A_41] : memref<32x4x20x128xi32, #tpu.memory_space<hbm>> -> memref<1x1x20x128xi32, #tpu.memory_space<hbm>>
        %dma_wait3A_43 = tpu.memref_squeeze %dma_wait3A_42 : memref<1x1x20x128xi32, #tpu.memory_space<hbm>> -> memref<20x128xi32, #tpu.memory_space<hbm>>
        %dma_wait3A_44 = arith.constant 0 : i32
        %dma_wait3A_45 = arith.constant 0 : i32
        %dma_wait3A_46 = tpu.memref_slice %arg3[%add3A, %scan3A_11, %dma_wait3A_44, %dma_wait3A_45] : memref<32x4x20x128xi32, #tpu.memory_space<hbm>> -> memref<1x1x20x128xi32, #tpu.memory_space<hbm>>
        %dma_wait3A_47 = tpu.memref_squeeze %dma_wait3A_46 : memref<1x1x20x128xi32, #tpu.memory_space<hbm>> -> memref<20x128xi32, #tpu.memory_space<hbm>>
        tpu.wait_dma2 semaphore(%run_scoped3A : memref<!tpu.dma_semaphore, #tpu.memory_space<semaphore_mem>>) src(%dma_wait3A_47 : memref<20x128xi32, #tpu.memory_space<hbm>>) dst(%arg7 : memref<20x128xi32, #tpu.memory_space<vmem>>)
        tpu.yield
      }) : () -> ()
      "tpu.region"() ({
        %run_scoped3A = tpu.sem_alloc : memref<!tpu.dma_semaphore, #tpu.memory_space<semaphore_mem>>
        %dma_start3A_32 = arith.constant 0 : i32
        %dma_start3A_33 = arith.constant 0 : i32
        %dma_start3A_34 = tpu.memref_slice %arg4[%add3A, %scan3A_11, %dma_start3A_32, %dma_start3A_33] : memref<32x4x20x128xi32, #tpu.memory_space<hbm>> -> memref<1x1x20x128xi32, #tpu.memory_space<hbm>>
        %dma_start3A_35 = tpu.memref_squeeze %dma_start3A_34 : memref<1x1x20x128xi32, #tpu.memory_space<hbm>> -> memref<20x128xi32, #tpu.memory_space<hbm>>
        %dma_start3A_36 = arith.constant 0 : i32
        %dma_start3A_37 = arith.constant 0 : i32
        %dma_start3A_38 = tpu.memref_slice %arg4[%add3A, %scan3A_11, %dma_start3A_36, %dma_start3A_37] : memref<32x4x20x128xi32, #tpu.memory_space<hbm>> -> memref<1x1x20x128xi32, #tpu.memory_space<hbm>>
        %dma_start3A_39 = tpu.memref_squeeze %dma_start3A_38 : memref<1x1x20x128xi32, #tpu.memory_space<hbm>> -> memref<20x128xi32, #tpu.memory_space<hbm>>
        tpu.enqueue_dma source(%dma_start3A_39 : memref<20x128xi32, #tpu.memory_space<hbm>>) target(%arg8 : memref<20x128xi32, #tpu.memory_space<vmem>>) target_semaphore(%run_scoped3A : memref<!tpu.dma_semaphore, #tpu.memory_space<semaphore_mem>>)
        %dma_wait3A_40 = arith.constant 0 : i32
        %dma_wait3A_41 = arith.constant 0 : i32
        %dma_wait3A_42 = tpu.memref_slice %arg4[%add3A, %scan3A_11, %dma_wait3A_40, %dma_wait3A_41] : memref<32x4x20x128xi32, #tpu.memory_space<hbm>> -> memref<1x1x20x128xi32, #tpu.memory_space<hbm>>
        %dma_wait3A_43 = tpu.memref_squeeze %dma_wait3A_42 : memref<1x1x20x128xi32, #tpu.memory_space<hbm>> -> memref<20x128xi32, #tpu.memory_space<hbm>>
        %dma_wait3A_44 = arith.constant 0 : i32
        %dma_wait3A_45 = arith.constant 0 : i32
        %dma_wait3A_46 = tpu.memref_slice %arg4[%add3A, %scan3A_11, %dma_wait3A_44, %dma_wait3A_45] : memref<32x4x20x128xi32, #tpu.memory_space<hbm>> -> memref<1x1x20x128xi32, #tpu.memory_space<hbm>>
        %dma_wait3A_47 = tpu.memref_squeeze %dma_wait3A_46 : memref<1x1x20x128xi32, #tpu.memory_space<hbm>> -> memref<20x128xi32, #tpu.memory_space<hbm>>
        tpu.wait_dma2 semaphore(%run_scoped3A : memref<!tpu.dma_semaphore, #tpu.memory_space<semaphore_mem>>) src(%dma_wait3A_47 : memref<20x128xi32, #tpu.memory_space<hbm>>) dst(%arg8 : memref<20x128xi32, #tpu.memory_space<vmem>>)
        tpu.yield
      }) : () -> ()
      %dma_start3A_12 = arith.constant 0 : i32
      %dma_start3A_13 = arith.constant 0 : i32
      %dma_start3A_14 = tpu.memref_slice %arg7[%dma_start3A_12, %dma_start3A_13] : memref<20x128xi32, #tpu.memory_space<vmem>> -> memref<1x128xi32, #tpu.memory_space<vmem>>
      %dma_start3A_15 = tpu.memref_squeeze %dma_start3A_14 : memref<1x128xi32, #tpu.memory_space<vmem>> -> memref<128xi32, #tpu.memory_space<vmem>>
      %dma_start3A_16 = arith.constant 0 : i32
      %dma_start3A_17 = arith.constant 0 : i32
      %dma_start3A_18 = tpu.memref_slice %arg2[%dma_start3A_16, %dma_start3A_17] : memref<10000x128xf32, #tpu.memory_space<hbm>> -> memref<10000x128xf32, #tpu.memory_space<hbm>>
      tpu.enqueue_indirect_dma source(%dma_start3A_18 : memref<10000x128xf32, #tpu.memory_space<hbm>>) target(%arg9 : memref<128x128xf32, #tpu.memory_space<vmem>>) offsets(%dma_start3A_15 : memref<128xi32, #tpu.memory_space<vmem>>) semaphore(%arg13 : memref<!tpu.dma_semaphore, #tpu.memory_space<semaphore_mem>>)
      %dma_start3A_19 = arith.constant 1 : i32
      %dma_start3A_20 = arith.constant 0 : i32
      %dma_start3A_21 = tpu.memref_slice %arg7[%dma_start3A_19, %dma_start3A_20] : memref<20x128xi32, #tpu.memory_space<vmem>> -> memref<1x128xi32, #tpu.memory_space<vmem>>
      %dma_start3A_22 = tpu.memref_squeeze %dma_start3A_21 : memref<1x128xi32, #tpu.memory_space<vmem>> -> memref<128xi32, #tpu.memory_space<vmem>>
      %dma_start3A_23 = arith.constant 0 : i32
      %dma_start3A_24 = arith.constant 0 : i32
      %dma_start3A_25 = tpu.memref_slice %arg2[%dma_start3A_23, %dma_start3A_24] : memref<10000x128xf32, #tpu.memory_space<hbm>> -> memref<10000x128xf32, #tpu.memory_space<hbm>>
      tpu.enqueue_indirect_dma source(%dma_start3A_25 : memref<10000x128xf32, #tpu.memory_space<hbm>>) target(%arg10 : memref<128x128xf32, #tpu.memory_space<vmem>>) offsets(%dma_start3A_22 : memref<128xi32, #tpu.memory_space<vmem>>) semaphore(%arg14 : memref<!tpu.dma_semaphore, #tpu.memory_space<semaphore_mem>>)
      %scan3A_26 = arith.constant 0 : i32
      %scan3A_27 = arith.constant 0 : i32
      %scan3A_28 = arith.constant 10 : i32
      %scan3A_29 = arith.addi %scan3A_27, %scan3A_28 : i32
      %scan3A_30 = arith.constant 1 : i32
      scf.for %scan3A_32 = %scan3A_27 to %scan3A_29 step %scan3A_30  : i32 {
        %mul3A_33 = arith.constant 2 : i32
        %mul3A_34 = arith.muli %mul3A_33, %scan3A_32 : i32
        %dma_wait3A_35 = arith.constant 0 : i32
        %dma_wait3A_36 = tpu.memref_slice %arg7[%mul3A_34, %dma_wait3A_35] : memref<20x128xi32, #tpu.memory_space<vmem>> -> memref<1x128xi32, #tpu.memory_space<vmem>>
        %dma_wait3A_37 = tpu.memref_squeeze %dma_wait3A_36 : memref<1x128xi32, #tpu.memory_space<vmem>> -> memref<128xi32, #tpu.memory_space<vmem>>
        %dma_wait3A_38 = arith.constant 0 : i32
        %dma_wait3A_39 = arith.constant 0 : i32
        %dma_wait3A_40 = tpu.memref_slice %arg2[%dma_wait3A_38, %dma_wait3A_39] : memref<10000x128xf32, #tpu.memory_space<hbm>> -> memref<10000x128xf32, #tpu.memory_space<hbm>>
        tpu.wait_indirect_dma semaphore(%arg13 : memref<!tpu.dma_semaphore, #tpu.memory_space<semaphore_mem>>) src(%dma_wait3A_40 : memref<10000x128xf32, #tpu.memory_space<hbm>>) dst(%arg9 : memref<128x128xf32, #tpu.memory_space<vmem>>)
        "tpu.region"() ({
          %run_scoped3A = tpu.sem_alloc : memref<!tpu.dma_semaphore, #tpu.memory_space<semaphore_mem>>
          %dma_start3A_62 = arith.constant 0 : i32
          %dma_start3A_63 = tpu.memref_slice %arg8[%mul3A_34, %dma_start3A_62] : memref<20x128xi32, #tpu.memory_space<vmem>> -> memref<1x128xi32, #tpu.memory_space<vmem>>
          %dma_start3A_64 = tpu.memref_squeeze %dma_start3A_63 : memref<1x128xi32, #tpu.memory_space<vmem>> -> memref<128xi32, #tpu.memory_space<vmem>>
          %dma_start3A_65 = arith.constant 0 : i32
          %dma_start3A_66 = arith.constant 0 : i32
          %dma_start3A_67 = tpu.memref_slice %arg11[%dma_start3A_65, %dma_start3A_66] : memref<10240x128xf32, #tpu.memory_space<vmem_shared>> -> memref<10240x128xf32, #tpu.memory_space<vmem_shared>>
          tpu.enqueue_indirect_dma source(%arg9 : memref<128x128xf32, #tpu.memory_space<vmem>>) target(%dma_start3A_67 : memref<10240x128xf32, #tpu.memory_space<vmem_shared>>) offsets(%dma_start3A_64 : memref<128xi32, #tpu.memory_space<vmem>>) semaphore(%run_scoped3A : memref<!tpu.dma_semaphore, #tpu.memory_space<semaphore_mem>>) {add = true}
          %dma_wait3A_68 = arith.constant 0 : i32
          %dma_wait3A_69 = tpu.memref_slice %arg8[%mul3A_34, %dma_wait3A_68] : memref<20x128xi32, #tpu.memory_space<vmem>> -> memref<1x128xi32, #tpu.memory_space<vmem>>
          %dma_wait3A_70 = tpu.memref_squeeze %dma_wait3A_69 : memref<1x128xi32, #tpu.memory_space<vmem>> -> memref<128xi32, #tpu.memory_space<vmem>>
          %dma_wait3A_71 = arith.constant 0 : i32
          %dma_wait3A_72 = arith.constant 0 : i32
          %dma_wait3A_73 = tpu.memref_slice %arg11[%dma_wait3A_71, %dma_wait3A_72] : memref<10240x128xf32, #tpu.memory_space<vmem_shared>> -> memref<10240x128xf32, #tpu.memory_space<vmem_shared>>
          tpu.wait_indirect_dma semaphore(%run_scoped3A : memref<!tpu.dma_semaphore, #tpu.memory_space<semaphore_mem>>) src(%arg9 : memref<128x128xf32, #tpu.memory_space<vmem>>) dst(%dma_wait3A_73 : memref<10240x128xf32, #tpu.memory_space<vmem_shared>>)
          tpu.yield
        }) : () -> ()
        %add3A_41 = arith.constant 2 : i32
        %add3A_42 = arith.addi %mul3A_34, %add3A_41 : i32
        %lt3A = arith.constant 20 : i32
        %lt3A_43 = arith.cmpi slt, %add3A_42, %lt3A : i32
        %convert_element_type3A = arith.extui %lt3A_43 : i1 to i32
        %cond3A = arith.constant 0 : i32
        %cond3A_44 = arith.cmpi ne, %convert_element_type3A, %cond3A : i32
        scf.if %cond3A_44 {
          %add3A_62 = arith.constant 2 : i32
          %add3A_63 = arith.addi %mul3A_34, %add3A_62 : i32
          %dma_start3A_64 = arith.constant 0 : i32
          %dma_start3A_65 = tpu.memref_slice %arg7[%add3A_63, %dma_start3A_64] : memref<20x128xi32, #tpu.memory_space<vmem>> -> memref<1x128xi32, #tpu.memory_space<vmem>>
          %dma_start3A_66 = tpu.memref_squeeze %dma_start3A_65 : memref<1x128xi32, #tpu.memory_space<vmem>> -> memref<128xi32, #tpu.memory_space<vmem>>
          %dma_start3A_67 = arith.constant 0 : i32
          %dma_start3A_68 = arith.constant 0 : i32
          %dma_start3A_69 = tpu.memref_slice %arg2[%dma_start3A_67, %dma_start3A_68] : memref<10000x128xf32, #tpu.memory_space<hbm>> -> memref<10000x128xf32, #tpu.memory_space<hbm>>
          tpu.enqueue_indirect_dma source(%dma_start3A_69 : memref<10000x128xf32, #tpu.memory_space<hbm>>) target(%arg9 : memref<128x128xf32, #tpu.memory_space<vmem>>) offsets(%dma_start3A_66 : memref<128xi32, #tpu.memory_space<vmem>>) semaphore(%arg13 : memref<!tpu.dma_semaphore, #tpu.memory_space<semaphore_mem>>)
        } else {
        }
        %mul3A_45 = arith.constant 2 : i32
        %mul3A_46 = arith.muli %mul3A_45, %scan3A_32 : i32
        %add3A_47 = arith.constant 1 : i32
        %add3A_48 = arith.addi %mul3A_46, %add3A_47 : i32
        %dma_wait3A_49 = arith.constant 0 : i32
        %dma_wait3A_50 = tpu.memref_slice %arg7[%add3A_48, %dma_wait3A_49] : memref<20x128xi32, #tpu.memory_space<vmem>> -> memref<1x128xi32, #tpu.memory_space<vmem>>
        %dma_wait3A_51 = tpu.memref_squeeze %dma_wait3A_50 : memref<1x128xi32, #tpu.memory_space<vmem>> -> memref<128xi32, #tpu.memory_space<vmem>>
        %dma_wait3A_52 = arith.constant 0 : i32
        %dma_wait3A_53 = arith.constant 0 : i32
        %dma_wait3A_54 = tpu.memref_slice %arg2[%dma_wait3A_52, %dma_wait3A_53] : memref<10000x128xf32, #tpu.memory_space<hbm>> -> memref<10000x128xf32, #tpu.memory_space<hbm>>
        tpu.wait_indirect_dma semaphore(%arg14 : memref<!tpu.dma_semaphore, #tpu.memory_space<semaphore_mem>>) src(%dma_wait3A_54 : memref<10000x128xf32, #tpu.memory_space<hbm>>) dst(%arg10 : memref<128x128xf32, #tpu.memory_space<vmem>>)
        "tpu.region"() ({
          %run_scoped3A = tpu.sem_alloc : memref<!tpu.dma_semaphore, #tpu.memory_space<semaphore_mem>>
          %dma_start3A_62 = arith.constant 0 : i32
          %dma_start3A_63 = tpu.memref_slice %arg8[%add3A_48, %dma_start3A_62] : memref<20x128xi32, #tpu.memory_space<vmem>> -> memref<1x128xi32, #tpu.memory_space<vmem>>
          %dma_start3A_64 = tpu.memref_squeeze %dma_start3A_63 : memref<1x128xi32, #tpu.memory_space<vmem>> -> memref<128xi32, #tpu.memory_space<vmem>>
          %dma_start3A_65 = arith.constant 0 : i32
          %dma_start3A_66 = arith.constant 0 : i32
          %dma_start3A_67 = tpu.memref_slice %arg11[%dma_start3A_65, %dma_start3A_66] : memref<10240x128xf32, #tpu.memory_space<vmem_shared>> -> memref<10240x128xf32, #tpu.memory_space<vmem_shared>>
          tpu.enqueue_indirect_dma source(%arg10 : memref<128x128xf32, #tpu.memory_space<vmem>>) target(%dma_start3A_67 : memref<10240x128xf32, #tpu.memory_space<vmem_shared>>) offsets(%dma_start3A_64 : memref<128xi32, #tpu.memory_space<vmem>>) semaphore(%run_scoped3A : memref<!tpu.dma_semaphore, #tpu.memory_space<semaphore_mem>>) {add = true}
          %dma_wait3A_68 = arith.constant 0 : i32
          %dma_wait3A_69 = tpu.memref_slice %arg8[%add3A_48, %dma_wait3A_68] : memref<20x128xi32, #tpu.memory_space<vmem>> -> memref<1x128xi32, #tpu.memory_space<vmem>>
          %dma_wait3A_70 = tpu.memref_squeeze %dma_wait3A_69 : memref<1x128xi32, #tpu.memory_space<vmem>> -> memref<128xi32, #tpu.memory_space<vmem>>
          %dma_wait3A_71 = arith.constant 0 : i32
          %dma_wait3A_72 = arith.constant 0 : i32
          %dma_wait3A_73 = tpu.memref_slice %arg11[%dma_wait3A_71, %dma_wait3A_72] : memref<10240x128xf32, #tpu.memory_space<vmem_shared>> -> memref<10240x128xf32, #tpu.memory_space<vmem_shared>>
          tpu.wait_indirect_dma semaphore(%run_scoped3A : memref<!tpu.dma_semaphore, #tpu.memory_space<semaphore_mem>>) src(%arg10 : memref<128x128xf32, #tpu.memory_space<vmem>>) dst(%dma_wait3A_73 : memref<10240x128xf32, #tpu.memory_space<vmem_shared>>)
          tpu.yield
        }) : () -> ()
        %add3A_55 = arith.constant 2 : i32
        %add3A_56 = arith.addi %add3A_48, %add3A_55 : i32
        %lt3A_57 = arith.constant 20 : i32
        %lt3A_58 = arith.cmpi slt, %add3A_56, %lt3A_57 : i32
        %convert_element_type3A_59 = arith.extui %lt3A_58 : i1 to i32
        %cond3A_60 = arith.constant 0 : i32
        %cond3A_61 = arith.cmpi ne, %convert_element_type3A_59, %cond3A_60 : i32
        scf.if %cond3A_61 {
          %add3A_62 = arith.constant 2 : i32
          %add3A_63 = arith.addi %add3A_48, %add3A_62 : i32
          %dma_start3A_64 = arith.constant 0 : i32
          %dma_start3A_65 = tpu.memref_slice %arg7[%add3A_63, %dma_start3A_64] : memref<20x128xi32, #tpu.memory_space<vmem>> -> memref<1x128xi32, #tpu.memory_space<vmem>>
          %dma_start3A_66 = tpu.memref_squeeze %dma_start3A_65 : memref<1x128xi32, #tpu.memory_space<vmem>> -> memref<128xi32, #tpu.memory_space<vmem>>
          %dma_start3A_67 = arith.constant 0 : i32
          %dma_start3A_68 = arith.constant 0 : i32
          %dma_start3A_69 = tpu.memref_slice %arg2[%dma_start3A_67, %dma_start3A_68] : memref<10000x128xf32, #tpu.memory_space<hbm>> -> memref<10000x128xf32, #tpu.memory_space<hbm>>
          tpu.enqueue_indirect_dma source(%dma_start3A_69 : memref<10000x128xf32, #tpu.memory_space<hbm>>) target(%arg10 : memref<128x128xf32, #tpu.memory_space<vmem>>) offsets(%dma_start3A_66 : memref<128xi32, #tpu.memory_space<vmem>>) semaphore(%arg14 : memref<!tpu.dma_semaphore, #tpu.memory_space<semaphore_mem>>)
        } else {
        }
      }
      %scan3A_31 = arith.constant 10 : i32
    }
    %scan3A_9 = arith.constant 4 : i32
    %barrier3A_10 = arith.constant 0 : index
    tpu.barrier barrier_id(%barrier3A_10)
    "tpu.region"() ({
      %run_scoped3A = tpu.sem_alloc : memref<!tpu.dma_semaphore, #tpu.memory_space<semaphore_mem>>
      %dma_start3A_11 = arith.constant 0 : i32
      %dma_start3A_12 = tpu.memref_slice %arg6[%arg0, %mul3A_2, %dma_start3A_11] : memref<2x10240x128xf32, #tpu.memory_space<hbm>> -> memref<1x640x128xf32, #tpu.memory_space<hbm>>
      %dma_start3A_13 = tpu.memref_squeeze %dma_start3A_12 : memref<1x640x128xf32, #tpu.memory_space<hbm>> -> memref<640x128xf32, #tpu.memory_space<hbm>>
      %dma_start3A_14 = arith.constant 0 : i32
      %dma_start3A_15 = tpu.memref_slice %arg11[%mul3A_2, %dma_start3A_14] : memref<10240x128xf32, #tpu.memory_space<vmem_shared>> -> memref<640x128xf32, #tpu.memory_space<vmem_shared>>
      tpu.enqueue_dma source(%dma_start3A_15 : memref<640x128xf32, #tpu.memory_space<vmem_shared>>) target(%dma_start3A_13 : memref<640x128xf32, #tpu.memory_space<hbm>>) target_semaphore(%run_scoped3A : memref<!tpu.dma_semaphore, #tpu.memory_space<semaphore_mem>>)
      %dma_wait3A_16 = arith.constant 0 : i32
      %dma_wait3A_17 = tpu.memref_slice %arg6[%arg0, %mul3A_2, %dma_wait3A_16] : memref<2x10240x128xf32, #tpu.memory_space<hbm>> -> memref<1x640x128xf32, #tpu.memory_space<hbm>>
      %dma_wait3A_18 = tpu.memref_squeeze %dma_wait3A_17 : memref<1x640x128xf32, #tpu.memory_space<hbm>> -> memref<640x128xf32, #tpu.memory_space<hbm>>
      %dma_wait3A_19 = arith.constant 0 : i32
      %dma_wait3A_20 = tpu.memref_slice %arg11[%mul3A_2, %dma_wait3A_19] : memref<10240x128xf32, #tpu.memory_space<vmem_shared>> -> memref<640x128xf32, #tpu.memory_space<vmem_shared>>
      tpu.wait_dma2 semaphore(%run_scoped3A : memref<!tpu.dma_semaphore, #tpu.memory_space<semaphore_mem>>) src(%dma_wait3A_20 : memref<640x128xf32, #tpu.memory_space<vmem_shared>>) dst(%dma_wait3A_18 : memref<640x128xf32, #tpu.memory_space<hbm>>)
      tpu.yield
    }) : () -> ()
    return
  }
}

#map = affine_map<(d0, d1) -> (0, 0, 0, 0)>
#map1 = affine_map<(d0, d1) -> (0, 0)>
#map2 = affine_map<(d0, d1) -> (0, 0, 0)>
module attributes {stable_mosaic.version = 14 : i64} {
  func.func @_ea_sweep_body(%arg0: i32, %arg1: i32, %arg2: memref<32x80x128x128xf32, #tpu.memory_space<hbm>>, %arg3: memref<32x4x20x128xi32, #tpu.memory_space<hbm>>, %arg4: memref<640x128xf32, #tpu.memory_space<hbm>>, %arg5: memref<2x10240x128xf32, #tpu.memory_space<hbm>>, %arg6: memref<20x128xi32, #tpu.memory_space<vmem>>, %arg7: memref<128x128xf32, #tpu.memory_space<vmem>>, %arg8: memref<128x128xf32, #tpu.memory_space<vmem>>, %arg9: memref<10240x128xf32, #tpu.memory_space<vmem_shared>>, %arg10: memref<!tpu.dma_semaphore, #tpu.memory_space<semaphore_mem>>, %arg11: memref<!tpu.dma_semaphore, #tpu.memory_space<semaphore_mem>>, %arg12: memref<!tpu.dma_semaphore, #tpu.memory_space<semaphore_mem>>) attributes {dimension_semantics = [#tpu.dimension_semantics<core_parallel>, #tpu.dimension_semantics<subcore_parallel>], iteration_bounds = array<i64: 2, 16>, scalar_prefetch = 0 : i64, scratch_operands = 7 : i64, tpu.core_type = #tpu.core_type<sc_vector_subcore>, window_params = [{transform_indices = #map}, {transform_indices = #map}, {transform_indices = #map1}, {transform_indices = #map2}]} {
    %mul3A = arith.constant 16 : i32
    %mul3A_0 = arith.muli %arg0, %mul3A : i32
    %add3A = arith.addi %mul3A_0, %arg1 : i32
    %mul3A_1 = arith.constant 640 : i32
    %mul3A_2 = arith.muli %arg1, %mul3A_1 : i32
    %dma_start3A = arith.constant 0 : i32
    %dma_start3A_3 = tpu.memref_slice %arg9[%mul3A_2, %dma_start3A] : memref<10240x128xf32, #tpu.memory_space<vmem_shared>> -> memref<640x128xf32, #tpu.memory_space<vmem_shared>>
    tpu.enqueue_dma source(%arg4 : memref<640x128xf32, #tpu.memory_space<hbm>>) target(%dma_start3A_3 : memref<640x128xf32, #tpu.memory_space<vmem_shared>>) target_semaphore(%arg10 : memref<!tpu.dma_semaphore, #tpu.memory_space<semaphore_mem>>)
    %dma_wait3A = arith.constant 0 : i32
    %dma_wait3A_4 = tpu.memref_slice %arg9[%mul3A_2, %dma_wait3A] : memref<10240x128xf32, #tpu.memory_space<vmem_shared>> -> memref<640x128xf32, #tpu.memory_space<vmem_shared>>
    tpu.wait_dma2 semaphore(%arg10 : memref<!tpu.dma_semaphore, #tpu.memory_space<semaphore_mem>>) src(%arg4 : memref<640x128xf32, #tpu.memory_space<hbm>>) dst(%dma_wait3A_4 : memref<640x128xf32, #tpu.memory_space<vmem_shared>>)
    %barrier3A = arith.constant 0 : index
    tpu.barrier barrier_id(%barrier3A)
    %scan3A = arith.constant 0 : i32
    %scan3A_5 = arith.constant 0 : i32
    %scan3A_6 = arith.constant 4 : i32
    %scan3A_7 = arith.addi %scan3A_5, %scan3A_6 : i32
    %scan3A_8 = arith.constant 1 : i32
    scf.for %scan3A_11 = %scan3A_5 to %scan3A_7 step %scan3A_8  : i32 {
      "tpu.region"() ({
        %run_scoped3A = tpu.sem_alloc : memref<!tpu.dma_semaphore, #tpu.memory_space<semaphore_mem>>
        %dma_start3A_38 = arith.constant 0 : i32
        %dma_start3A_39 = arith.constant 0 : i32
        %dma_start3A_40 = tpu.memref_slice %arg3[%add3A, %scan3A_11, %dma_start3A_38, %dma_start3A_39] : memref<32x4x20x128xi32, #tpu.memory_space<hbm>> -> memref<1x1x20x128xi32, #tpu.memory_space<hbm>>
        %dma_start3A_41 = tpu.memref_squeeze %dma_start3A_40 : memref<1x1x20x128xi32, #tpu.memory_space<hbm>> -> memref<20x128xi32, #tpu.memory_space<hbm>>
        %dma_start3A_42 = arith.constant 0 : i32
        %dma_start3A_43 = arith.constant 0 : i32
        %dma_start3A_44 = tpu.memref_slice %arg3[%add3A, %scan3A_11, %dma_start3A_42, %dma_start3A_43] : memref<32x4x20x128xi32, #tpu.memory_space<hbm>> -> memref<1x1x20x128xi32, #tpu.memory_space<hbm>>
        %dma_start3A_45 = tpu.memref_squeeze %dma_start3A_44 : memref<1x1x20x128xi32, #tpu.memory_space<hbm>> -> memref<20x128xi32, #tpu.memory_space<hbm>>
        tpu.enqueue_dma source(%dma_start3A_45 : memref<20x128xi32, #tpu.memory_space<hbm>>) target(%arg6 : memref<20x128xi32, #tpu.memory_space<vmem>>) target_semaphore(%run_scoped3A : memref<!tpu.dma_semaphore, #tpu.memory_space<semaphore_mem>>)
        %dma_wait3A_46 = arith.constant 0 : i32
        %dma_wait3A_47 = arith.constant 0 : i32
        %dma_wait3A_48 = tpu.memref_slice %arg3[%add3A, %scan3A_11, %dma_wait3A_46, %dma_wait3A_47] : memref<32x4x20x128xi32, #tpu.memory_space<hbm>> -> memref<1x1x20x128xi32, #tpu.memory_space<hbm>>
        %dma_wait3A_49 = tpu.memref_squeeze %dma_wait3A_48 : memref<1x1x20x128xi32, #tpu.memory_space<hbm>> -> memref<20x128xi32, #tpu.memory_space<hbm>>
        %dma_wait3A_50 = arith.constant 0 : i32
        %dma_wait3A_51 = arith.constant 0 : i32
        %dma_wait3A_52 = tpu.memref_slice %arg3[%add3A, %scan3A_11, %dma_wait3A_50, %dma_wait3A_51] : memref<32x4x20x128xi32, #tpu.memory_space<hbm>> -> memref<1x1x20x128xi32, #tpu.memory_space<hbm>>
        %dma_wait3A_53 = tpu.memref_squeeze %dma_wait3A_52 : memref<1x1x20x128xi32, #tpu.memory_space<hbm>> -> memref<20x128xi32, #tpu.memory_space<hbm>>
        tpu.wait_dma2 semaphore(%run_scoped3A : memref<!tpu.dma_semaphore, #tpu.memory_space<semaphore_mem>>) src(%dma_wait3A_53 : memref<20x128xi32, #tpu.memory_space<hbm>>) dst(%arg6 : memref<20x128xi32, #tpu.memory_space<vmem>>)
        tpu.yield
      }) : () -> ()
      %mul3A_12 = arith.constant 20 : i32
      %mul3A_13 = arith.muli %scan3A_11, %mul3A_12 : i32
      %dma_start3A_14 = arith.constant 0 : i32
      %dma_start3A_15 = arith.constant 0 : i32
      %dma_start3A_16 = tpu.memref_slice %arg2[%add3A, %mul3A_13, %dma_start3A_14, %dma_start3A_15] : memref<32x80x128x128xf32, #tpu.memory_space<hbm>> -> memref<1x1x128x128xf32, #tpu.memory_space<hbm>>
      %dma_start3A_17 = tpu.memref_squeeze %dma_start3A_16 : memref<1x1x128x128xf32, #tpu.memory_space<hbm>> -> memref<128x128xf32, #tpu.memory_space<hbm>>
      %dma_start3A_18 = arith.constant 0 : i32
      %dma_start3A_19 = arith.constant 0 : i32
      %dma_start3A_20 = tpu.memref_slice %arg2[%add3A, %mul3A_13, %dma_start3A_18, %dma_start3A_19] : memref<32x80x128x128xf32, #tpu.memory_space<hbm>> -> memref<1x1x128x128xf32, #tpu.memory_space<hbm>>
      %dma_start3A_21 = tpu.memref_squeeze %dma_start3A_20 : memref<1x1x128x128xf32, #tpu.memory_space<hbm>> -> memref<128x128xf32, #tpu.memory_space<hbm>>
      tpu.enqueue_dma source(%dma_start3A_21 : memref<128x128xf32, #tpu.memory_space<hbm>>) target(%arg7 : memref<128x128xf32, #tpu.memory_space<vmem>>) target_semaphore(%arg11 : memref<!tpu.dma_semaphore, #tpu.memory_space<semaphore_mem>>)
      %add3A_22 = arith.constant 1 : i32
      %add3A_23 = arith.addi %mul3A_13, %add3A_22 : i32
      %dma_start3A_24 = arith.constant 0 : i32
      %dma_start3A_25 = arith.constant 0 : i32
      %dma_start3A_26 = tpu.memref_slice %arg2[%add3A, %add3A_23, %dma_start3A_24, %dma_start3A_25] : memref<32x80x128x128xf32, #tpu.memory_space<hbm>> -> memref<1x1x128x128xf32, #tpu.memory_space<hbm>>
      %dma_start3A_27 = tpu.memref_squeeze %dma_start3A_26 : memref<1x1x128x128xf32, #tpu.memory_space<hbm>> -> memref<128x128xf32, #tpu.memory_space<hbm>>
      %dma_start3A_28 = arith.constant 0 : i32
      %dma_start3A_29 = arith.constant 0 : i32
      %dma_start3A_30 = tpu.memref_slice %arg2[%add3A, %add3A_23, %dma_start3A_28, %dma_start3A_29] : memref<32x80x128x128xf32, #tpu.memory_space<hbm>> -> memref<1x1x128x128xf32, #tpu.memory_space<hbm>>
      %dma_start3A_31 = tpu.memref_squeeze %dma_start3A_30 : memref<1x1x128x128xf32, #tpu.memory_space<hbm>> -> memref<128x128xf32, #tpu.memory_space<hbm>>
      tpu.enqueue_dma source(%dma_start3A_31 : memref<128x128xf32, #tpu.memory_space<hbm>>) target(%arg8 : memref<128x128xf32, #tpu.memory_space<vmem>>) target_semaphore(%arg12 : memref<!tpu.dma_semaphore, #tpu.memory_space<semaphore_mem>>)
      %scan3A_32 = arith.constant 0 : i32
      %scan3A_33 = arith.constant 0 : i32
      %scan3A_34 = arith.constant 10 : i32
      %scan3A_35 = arith.addi %scan3A_33, %scan3A_34 : i32
      %scan3A_36 = arith.constant 1 : i32
      scf.for %scan3A_38 = %scan3A_33 to %scan3A_35 step %scan3A_36  : i32 {
        %mul3A_39 = arith.constant 2 : i32
        %mul3A_40 = arith.muli %mul3A_39, %scan3A_38 : i32
        %add3A_41 = arith.addi %mul3A_13, %mul3A_40 : i32
        %dma_wait3A_42 = arith.constant 0 : i32
        %dma_wait3A_43 = arith.constant 0 : i32
        %dma_wait3A_44 = tpu.memref_slice %arg2[%add3A, %add3A_41, %dma_wait3A_42, %dma_wait3A_43] : memref<32x80x128x128xf32, #tpu.memory_space<hbm>> -> memref<1x1x128x128xf32, #tpu.memory_space<hbm>>
        %dma_wait3A_45 = tpu.memref_squeeze %dma_wait3A_44 : memref<1x1x128x128xf32, #tpu.memory_space<hbm>> -> memref<128x128xf32, #tpu.memory_space<hbm>>
        %dma_wait3A_46 = arith.constant 0 : i32
        %dma_wait3A_47 = arith.constant 0 : i32
        %dma_wait3A_48 = tpu.memref_slice %arg2[%add3A, %add3A_41, %dma_wait3A_46, %dma_wait3A_47] : memref<32x80x128x128xf32, #tpu.memory_space<hbm>> -> memref<1x1x128x128xf32, #tpu.memory_space<hbm>>
        %dma_wait3A_49 = tpu.memref_squeeze %dma_wait3A_48 : memref<1x1x128x128xf32, #tpu.memory_space<hbm>> -> memref<128x128xf32, #tpu.memory_space<hbm>>
        tpu.wait_dma2 semaphore(%arg11 : memref<!tpu.dma_semaphore, #tpu.memory_space<semaphore_mem>>) src(%dma_wait3A_49 : memref<128x128xf32, #tpu.memory_space<hbm>>) dst(%arg7 : memref<128x128xf32, #tpu.memory_space<vmem>>)
        "tpu.region"() ({
          %run_scoped3A = tpu.sem_alloc : memref<!tpu.dma_semaphore, #tpu.memory_space<semaphore_mem>>
          %dma_start3A_74 = arith.constant 0 : i32
          %dma_start3A_75 = tpu.memref_slice %arg6[%mul3A_40, %dma_start3A_74] : memref<20x128xi32, #tpu.memory_space<vmem>> -> memref<1x128xi32, #tpu.memory_space<vmem>>
          %dma_start3A_76 = tpu.memref_squeeze %dma_start3A_75 : memref<1x128xi32, #tpu.memory_space<vmem>> -> memref<128xi32, #tpu.memory_space<vmem>>
          %dma_start3A_77 = arith.constant 0 : i32
          %dma_start3A_78 = arith.constant 0 : i32
          %dma_start3A_79 = tpu.memref_slice %arg9[%dma_start3A_77, %dma_start3A_78] : memref<10240x128xf32, #tpu.memory_space<vmem_shared>> -> memref<10240x128xf32, #tpu.memory_space<vmem_shared>>
          tpu.enqueue_indirect_dma source(%arg7 : memref<128x128xf32, #tpu.memory_space<vmem>>) target(%dma_start3A_79 : memref<10240x128xf32, #tpu.memory_space<vmem_shared>>) offsets(%dma_start3A_76 : memref<128xi32, #tpu.memory_space<vmem>>) semaphore(%run_scoped3A : memref<!tpu.dma_semaphore, #tpu.memory_space<semaphore_mem>>) {add = true}
          %dma_wait3A_80 = arith.constant 0 : i32
          %dma_wait3A_81 = tpu.memref_slice %arg6[%mul3A_40, %dma_wait3A_80] : memref<20x128xi32, #tpu.memory_space<vmem>> -> memref<1x128xi32, #tpu.memory_space<vmem>>
          %dma_wait3A_82 = tpu.memref_squeeze %dma_wait3A_81 : memref<1x128xi32, #tpu.memory_space<vmem>> -> memref<128xi32, #tpu.memory_space<vmem>>
          %dma_wait3A_83 = arith.constant 0 : i32
          %dma_wait3A_84 = arith.constant 0 : i32
          %dma_wait3A_85 = tpu.memref_slice %arg9[%dma_wait3A_83, %dma_wait3A_84] : memref<10240x128xf32, #tpu.memory_space<vmem_shared>> -> memref<10240x128xf32, #tpu.memory_space<vmem_shared>>
          tpu.wait_indirect_dma semaphore(%run_scoped3A : memref<!tpu.dma_semaphore, #tpu.memory_space<semaphore_mem>>) src(%arg7 : memref<128x128xf32, #tpu.memory_space<vmem>>) dst(%dma_wait3A_85 : memref<10240x128xf32, #tpu.memory_space<vmem_shared>>)
          tpu.yield
        }) : () -> ()
        %add3A_50 = arith.constant 2 : i32
        %add3A_51 = arith.addi %mul3A_40, %add3A_50 : i32
        %lt3A = arith.constant 20 : i32
        %lt3A_52 = arith.cmpi slt, %add3A_51, %lt3A : i32
        %convert_element_type3A = arith.extui %lt3A_52 : i1 to i32
        %cond3A = arith.constant 0 : i32
        %cond3A_53 = arith.cmpi ne, %convert_element_type3A, %cond3A : i32
        scf.if %cond3A_53 {
          %add3A_74 = arith.addi %mul3A_13, %mul3A_40 : i32
          %add3A_75 = arith.constant 2 : i32
          %add3A_76 = arith.addi %add3A_74, %add3A_75 : i32
          %dma_start3A_77 = arith.constant 0 : i32
          %dma_start3A_78 = arith.constant 0 : i32
          %dma_start3A_79 = tpu.memref_slice %arg2[%add3A, %add3A_76, %dma_start3A_77, %dma_start3A_78] : memref<32x80x128x128xf32, #tpu.memory_space<hbm>> -> memref<1x1x128x128xf32, #tpu.memory_space<hbm>>
          %dma_start3A_80 = tpu.memref_squeeze %dma_start3A_79 : memref<1x1x128x128xf32, #tpu.memory_space<hbm>> -> memref<128x128xf32, #tpu.memory_space<hbm>>
          %dma_start3A_81 = arith.constant 0 : i32
          %dma_start3A_82 = arith.constant 0 : i32
          %dma_start3A_83 = tpu.memref_slice %arg2[%add3A, %add3A_76, %dma_start3A_81, %dma_start3A_82] : memref<32x80x128x128xf32, #tpu.memory_space<hbm>> -> memref<1x1x128x128xf32, #tpu.memory_space<hbm>>
          %dma_start3A_84 = tpu.memref_squeeze %dma_start3A_83 : memref<1x1x128x128xf32, #tpu.memory_space<hbm>> -> memref<128x128xf32, #tpu.memory_space<hbm>>
          tpu.enqueue_dma source(%dma_start3A_84 : memref<128x128xf32, #tpu.memory_space<hbm>>) target(%arg7 : memref<128x128xf32, #tpu.memory_space<vmem>>) target_semaphore(%arg11 : memref<!tpu.dma_semaphore, #tpu.memory_space<semaphore_mem>>)
        } else {
        }
        %mul3A_54 = arith.constant 2 : i32
        %mul3A_55 = arith.muli %mul3A_54, %scan3A_38 : i32
        %add3A_56 = arith.constant 1 : i32
        %add3A_57 = arith.addi %mul3A_55, %add3A_56 : i32
        %add3A_58 = arith.addi %mul3A_13, %add3A_57 : i32
        %dma_wait3A_59 = arith.constant 0 : i32
        %dma_wait3A_60 = arith.constant 0 : i32
        %dma_wait3A_61 = tpu.memref_slice %arg2[%add3A, %add3A_58, %dma_wait3A_59, %dma_wait3A_60] : memref<32x80x128x128xf32, #tpu.memory_space<hbm>> -> memref<1x1x128x128xf32, #tpu.memory_space<hbm>>
        %dma_wait3A_62 = tpu.memref_squeeze %dma_wait3A_61 : memref<1x1x128x128xf32, #tpu.memory_space<hbm>> -> memref<128x128xf32, #tpu.memory_space<hbm>>
        %dma_wait3A_63 = arith.constant 0 : i32
        %dma_wait3A_64 = arith.constant 0 : i32
        %dma_wait3A_65 = tpu.memref_slice %arg2[%add3A, %add3A_58, %dma_wait3A_63, %dma_wait3A_64] : memref<32x80x128x128xf32, #tpu.memory_space<hbm>> -> memref<1x1x128x128xf32, #tpu.memory_space<hbm>>
        %dma_wait3A_66 = tpu.memref_squeeze %dma_wait3A_65 : memref<1x1x128x128xf32, #tpu.memory_space<hbm>> -> memref<128x128xf32, #tpu.memory_space<hbm>>
        tpu.wait_dma2 semaphore(%arg12 : memref<!tpu.dma_semaphore, #tpu.memory_space<semaphore_mem>>) src(%dma_wait3A_66 : memref<128x128xf32, #tpu.memory_space<hbm>>) dst(%arg8 : memref<128x128xf32, #tpu.memory_space<vmem>>)
        "tpu.region"() ({
          %run_scoped3A = tpu.sem_alloc : memref<!tpu.dma_semaphore, #tpu.memory_space<semaphore_mem>>
          %dma_start3A_74 = arith.constant 0 : i32
          %dma_start3A_75 = tpu.memref_slice %arg6[%add3A_57, %dma_start3A_74] : memref<20x128xi32, #tpu.memory_space<vmem>> -> memref<1x128xi32, #tpu.memory_space<vmem>>
          %dma_start3A_76 = tpu.memref_squeeze %dma_start3A_75 : memref<1x128xi32, #tpu.memory_space<vmem>> -> memref<128xi32, #tpu.memory_space<vmem>>
          %dma_start3A_77 = arith.constant 0 : i32
          %dma_start3A_78 = arith.constant 0 : i32
          %dma_start3A_79 = tpu.memref_slice %arg9[%dma_start3A_77, %dma_start3A_78] : memref<10240x128xf32, #tpu.memory_space<vmem_shared>> -> memref<10240x128xf32, #tpu.memory_space<vmem_shared>>
          tpu.enqueue_indirect_dma source(%arg8 : memref<128x128xf32, #tpu.memory_space<vmem>>) target(%dma_start3A_79 : memref<10240x128xf32, #tpu.memory_space<vmem_shared>>) offsets(%dma_start3A_76 : memref<128xi32, #tpu.memory_space<vmem>>) semaphore(%run_scoped3A : memref<!tpu.dma_semaphore, #tpu.memory_space<semaphore_mem>>) {add = true}
          %dma_wait3A_80 = arith.constant 0 : i32
          %dma_wait3A_81 = tpu.memref_slice %arg6[%add3A_57, %dma_wait3A_80] : memref<20x128xi32, #tpu.memory_space<vmem>> -> memref<1x128xi32, #tpu.memory_space<vmem>>
          %dma_wait3A_82 = tpu.memref_squeeze %dma_wait3A_81 : memref<1x128xi32, #tpu.memory_space<vmem>> -> memref<128xi32, #tpu.memory_space<vmem>>
          %dma_wait3A_83 = arith.constant 0 : i32
          %dma_wait3A_84 = arith.constant 0 : i32
          %dma_wait3A_85 = tpu.memref_slice %arg9[%dma_wait3A_83, %dma_wait3A_84] : memref<10240x128xf32, #tpu.memory_space<vmem_shared>> -> memref<10240x128xf32, #tpu.memory_space<vmem_shared>>
          tpu.wait_indirect_dma semaphore(%run_scoped3A : memref<!tpu.dma_semaphore, #tpu.memory_space<semaphore_mem>>) src(%arg8 : memref<128x128xf32, #tpu.memory_space<vmem>>) dst(%dma_wait3A_85 : memref<10240x128xf32, #tpu.memory_space<vmem_shared>>)
          tpu.yield
        }) : () -> ()
        %add3A_67 = arith.constant 2 : i32
        %add3A_68 = arith.addi %add3A_57, %add3A_67 : i32
        %lt3A_69 = arith.constant 20 : i32
        %lt3A_70 = arith.cmpi slt, %add3A_68, %lt3A_69 : i32
        %convert_element_type3A_71 = arith.extui %lt3A_70 : i1 to i32
        %cond3A_72 = arith.constant 0 : i32
        %cond3A_73 = arith.cmpi ne, %convert_element_type3A_71, %cond3A_72 : i32
        scf.if %cond3A_73 {
          %add3A_74 = arith.addi %mul3A_13, %add3A_57 : i32
          %add3A_75 = arith.constant 2 : i32
          %add3A_76 = arith.addi %add3A_74, %add3A_75 : i32
          %dma_start3A_77 = arith.constant 0 : i32
          %dma_start3A_78 = arith.constant 0 : i32
          %dma_start3A_79 = tpu.memref_slice %arg2[%add3A, %add3A_76, %dma_start3A_77, %dma_start3A_78] : memref<32x80x128x128xf32, #tpu.memory_space<hbm>> -> memref<1x1x128x128xf32, #tpu.memory_space<hbm>>
          %dma_start3A_80 = tpu.memref_squeeze %dma_start3A_79 : memref<1x1x128x128xf32, #tpu.memory_space<hbm>> -> memref<128x128xf32, #tpu.memory_space<hbm>>
          %dma_start3A_81 = arith.constant 0 : i32
          %dma_start3A_82 = arith.constant 0 : i32
          %dma_start3A_83 = tpu.memref_slice %arg2[%add3A, %add3A_76, %dma_start3A_81, %dma_start3A_82] : memref<32x80x128x128xf32, #tpu.memory_space<hbm>> -> memref<1x1x128x128xf32, #tpu.memory_space<hbm>>
          %dma_start3A_84 = tpu.memref_squeeze %dma_start3A_83 : memref<1x1x128x128xf32, #tpu.memory_space<hbm>> -> memref<128x128xf32, #tpu.memory_space<hbm>>
          tpu.enqueue_dma source(%dma_start3A_84 : memref<128x128xf32, #tpu.memory_space<hbm>>) target(%arg8 : memref<128x128xf32, #tpu.memory_space<vmem>>) target_semaphore(%arg12 : memref<!tpu.dma_semaphore, #tpu.memory_space<semaphore_mem>>)
        } else {
        }
      }
      %scan3A_37 = arith.constant 10 : i32
    }
    %scan3A_9 = arith.constant 4 : i32
    %barrier3A_10 = arith.constant 0 : index
    tpu.barrier barrier_id(%barrier3A_10)
    "tpu.region"() ({
      %run_scoped3A = tpu.sem_alloc : memref<!tpu.dma_semaphore, #tpu.memory_space<semaphore_mem>>
      %dma_start3A_11 = arith.constant 0 : i32
      %dma_start3A_12 = tpu.memref_slice %arg5[%arg0, %mul3A_2, %dma_start3A_11] : memref<2x10240x128xf32, #tpu.memory_space<hbm>> -> memref<1x640x128xf32, #tpu.memory_space<hbm>>
      %dma_start3A_13 = tpu.memref_squeeze %dma_start3A_12 : memref<1x640x128xf32, #tpu.memory_space<hbm>> -> memref<640x128xf32, #tpu.memory_space<hbm>>
      %dma_start3A_14 = arith.constant 0 : i32
      %dma_start3A_15 = tpu.memref_slice %arg9[%mul3A_2, %dma_start3A_14] : memref<10240x128xf32, #tpu.memory_space<vmem_shared>> -> memref<640x128xf32, #tpu.memory_space<vmem_shared>>
      tpu.enqueue_dma source(%dma_start3A_15 : memref<640x128xf32, #tpu.memory_space<vmem_shared>>) target(%dma_start3A_13 : memref<640x128xf32, #tpu.memory_space<hbm>>) target_semaphore(%run_scoped3A : memref<!tpu.dma_semaphore, #tpu.memory_space<semaphore_mem>>)
      %dma_wait3A_16 = arith.constant 0 : i32
      %dma_wait3A_17 = tpu.memref_slice %arg5[%arg0, %mul3A_2, %dma_wait3A_16] : memref<2x10240x128xf32, #tpu.memory_space<hbm>> -> memref<1x640x128xf32, #tpu.memory_space<hbm>>
      %dma_wait3A_18 = tpu.memref_squeeze %dma_wait3A_17 : memref<1x640x128xf32, #tpu.memory_space<hbm>> -> memref<640x128xf32, #tpu.memory_space<hbm>>
      %dma_wait3A_19 = arith.constant 0 : i32
      %dma_wait3A_20 = tpu.memref_slice %arg9[%mul3A_2, %dma_wait3A_19] : memref<10240x128xf32, #tpu.memory_space<vmem_shared>> -> memref<640x128xf32, #tpu.memory_space<vmem_shared>>
      tpu.wait_dma2 semaphore(%run_scoped3A : memref<!tpu.dma_semaphore, #tpu.memory_space<semaphore_mem>>) src(%dma_wait3A_20 : memref<640x128xf32, #tpu.memory_space<vmem_shared>>) dst(%dma_wait3A_18 : memref<640x128xf32, #tpu.memory_space<hbm>>)
      tpu.yield
    }) : () -> ()
    return
  }
}

module attributes {stable_mosaic.version = 14 : i64} {
  func.func @_combine1_body(%arg0: i32, %arg1: memref<1x1000x128xf32, #tpu.memory_space<vmem>>, %arg2: memref<1x1000x128xf32, #tpu.memory_space<vmem>>, %arg3: memref<1x1000x128xf32, #tpu.memory_space<vmem>>, %arg4: memref<1x1000x128xf32, #tpu.memory_space<vmem>>, %arg5: memref<1000x128xf32, #tpu.memory_space<vmem>>, %arg6: memref<16x128xf32, #tpu.memory_space<vmem>>, %arg7: memref<128x128xf32, #tpu.memory_space<vmem>>, %arg8: memref<1x128xf32, #tpu.memory_space<vmem>>, %arg9: memref<1000x128xf32, #tpu.memory_space<vmem>>, %arg10: memref<1000x16xf32, #tpu.memory_space<vmem>>) attributes {dimension_semantics = [#tpu.dimension_semantics<arbitrary>], iteration_bounds = array<i64: 10>, scalar_prefetch = 0 : i64, scratch_operands = 0 : i64, tpu.core_type = #tpu.core_type<tc>, window_params = [{transform_indices = @transform_0, window_bounds = array<i64: 1, 1000, 128>}, {transform_indices = @transform_1, window_bounds = array<i64: 1, 1000, 128>}, {transform_indices = @transform_2, window_bounds = array<i64: 1, 1000, 128>}, {transform_indices = @transform_3, window_bounds = array<i64: 1, 1000, 128>}, {transform_indices = @transform_4, window_bounds = array<i64: 1000, 128>}, {pipeline_mode = #tpu.pipeline_mode<synchronous>, transform_indices = @transform_5, window_bounds = array<i64: 16, 128>}, {pipeline_mode = #tpu.pipeline_mode<synchronous>, transform_indices = @transform_6, window_bounds = array<i64: 128, 128>}, {pipeline_mode = #tpu.pipeline_mode<synchronous>, transform_indices = @transform_7, window_bounds = array<i64: 1, 128>}, {transform_indices = @transform_8, window_bounds = array<i64: 1000, 128>}, {transform_indices = @transform_9, window_bounds = array<i64: 1000, 16>}]} {
    %get3A = arith.constant 0 : index
    %get3A_0 = arith.constant 0 : index
    %get3A_1 = arith.constant 0 : index
    %get3A_2 = vector.load %arg3[%get3A, %get3A_0, %get3A_1] : memref<1x1000x128xf32, #tpu.memory_space<vmem>>, vector<1x1000x128xf32>
    %get3A_3 = vector.shape_cast %get3A_2 : vector<1x1000x128xf32> to vector<1000x128xf32>
    %slice3A = vector.extract_strided_slice %get3A_3 {offsets = [0, 0], sizes = [1000, 16], strides = [1, 1]} : vector<1000x128xf32> to vector<1000x16xf32>
    %get3A_4 = arith.constant 0 : index
    %get3A_5 = arith.constant 0 : index
    %get3A_6 = arith.constant 0 : index
    %get3A_7 = vector.load %arg4[%get3A_4, %get3A_5, %get3A_6] : memref<1x1000x128xf32, #tpu.memory_space<vmem>>, vector<1x1000x128xf32>
    %get3A_8 = vector.shape_cast %get3A_7 : vector<1x1000x128xf32> to vector<1000x128xf32>
    %slice3A_9 = vector.extract_strided_slice %get3A_8 {offsets = [0, 0], sizes = [1000, 16], strides = [1, 1]} : vector<1000x128xf32> to vector<1000x16xf32>
    %add3A = arith.addf %slice3A, %slice3A_9 : vector<1000x16xf32>
    %get3A_10 = arith.constant 0 : index
    %get3A_11 = arith.constant 0 : index
    %get3A_12 = arith.constant 0 : index
    %get3A_13 = vector.load %arg1[%get3A_10, %get3A_11, %get3A_12] : memref<1x1000x128xf32, #tpu.memory_space<vmem>>, vector<1x1000x128xf32>
    %get3A_14 = vector.shape_cast %get3A_13 : vector<1x1000x128xf32> to vector<1000x128xf32>
    %get3A_15 = arith.constant 0 : index
    %get3A_16 = arith.constant 0 : index
    %get3A_17 = arith.constant 0 : index
    %get3A_18 = vector.load %arg2[%get3A_15, %get3A_16, %get3A_17] : memref<1x1000x128xf32, #tpu.memory_space<vmem>>, vector<1x1000x128xf32>
    %get3A_19 = vector.shape_cast %get3A_18 : vector<1x1000x128xf32> to vector<1000x128xf32>
    %add3A_20 = arith.addf %get3A_14, %get3A_19 : vector<1000x128xf32>
    %get3A_21 = arith.constant 0 : index
    %get3A_22 = arith.constant 0 : index
    %get3A_23 = vector.load %arg6[%get3A_21, %get3A_22] : memref<16x128xf32, #tpu.memory_space<vmem>>, vector<16x128xf32>
    %dot_general3A = arith.constant dense<0.000000e+00> : vector<1000x128xf32>
    %dot_general3A_24 = tpu.matmul %add3A, %get3A_23, %dot_general3A {dimension_numbers = #tpu.dot_dimension_numbers<[1], [0], [0], [1], [0, 0, 1, 1], [], []>, transpose_lhs_hint = false} : vector<1000x16xf32>, vector<16x128xf32>, vector<1000x128xf32> -> vector<1000x128xf32>
    %add3A_25 = arith.addf %add3A_20, %dot_general3A_24 : vector<1000x128xf32>
    %get3A_26 = arith.constant 0 : index
    %get3A_27 = arith.constant 0 : index
    %get3A_28 = vector.load %arg5[%get3A_26, %get3A_27] : memref<1000x128xf32, #tpu.memory_space<vmem>>, vector<1000x128xf32>
    %get3A_29 = arith.constant 0 : index
    %get3A_30 = arith.constant 0 : index
    %get3A_31 = vector.load %arg7[%get3A_29, %get3A_30] : memref<128x128xf32, #tpu.memory_space<vmem>>, vector<128x128xf32>
    %dot_general3A_32 = arith.constant dense<0.000000e+00> : vector<1000x128xf32>
    %dot_general3A_33 = tpu.matmul %get3A_28, %get3A_31, %dot_general3A_32 {dimension_numbers = #tpu.dot_dimension_numbers<[1], [0], [0], [1], [0, 0, 1, 1], [], []>, transpose_lhs_hint = false} : vector<1000x128xf32>, vector<128x128xf32>, vector<1000x128xf32> -> vector<1000x128xf32>
    %add3A_34 = arith.addf %add3A_25, %dot_general3A_33 : vector<1000x128xf32>
    %get3A_35 = arith.constant 0 : index
    %get3A_36 = arith.constant 0 : index
    %get3A_37 = vector.load %arg8[%get3A_35, %get3A_36] : memref<1x128xf32, #tpu.memory_space<vmem>>, vector<1x128xf32>
    %add3A_38 = vector.broadcast %get3A_37 : vector<1x128xf32> to vector<1000x128xf32>
    %add3A_39 = arith.addf %add3A_34, %add3A_38 : vector<1000x128xf32>
    %max3A = arith.constant 0.000000e+00 : f32
    %max3A_40 = vector.broadcast %max3A : f32 to vector<1000x128xf32>
    %max3A_41 = arith.maximumf %add3A_39, %max3A_40 : vector<1000x128xf32>
    %swap3A = arith.constant 0 : index
    %swap3A_42 = arith.constant 0 : index
    %swap3A_43 = vector.load %arg9[%swap3A, %swap3A_42] : memref<1000x128xf32, #tpu.memory_space<vmem>>, vector<1000x128xf32>
    tpu.vector_store %arg9[%swap3A, %swap3A_42], %max3A_41 {strides = array<i32>} : memref<1000x128xf32, #tpu.memory_space<vmem>>, vector<1000x128xf32>,
    %swap3A_44 = arith.constant 0 : index
    %swap3A_45 = arith.constant 0 : index
    %swap3A_46 = vector.load %arg10[%swap3A_44, %swap3A_45] : memref<1000x16xf32, #tpu.memory_space<vmem>>, vector<1000x16xf32>
    tpu.vector_store %arg10[%swap3A_44, %swap3A_45], %add3A {strides = array<i32>} : memref<1000x16xf32, #tpu.memory_space<vmem>>, vector<1000x16xf32>,
    return
  }
  func.func @transform_0(%arg0: i32) -> (i32, i32, i32) {
    %c0_i32 = arith.constant 0 : i32
    %c0_i32_0 = arith.constant 0 : i32
    %c0_i32_1 = arith.constant 0 : i32
    return %c0_i32, %arg0, %c0_i32_0 : i32, i32, i32
  }
  func.func @transform_1(%arg0: i32) -> (i32, i32, i32) {
    %c1_i32 = arith.constant 1 : i32
    %c0_i32 = arith.constant 0 : i32
    %c0_i32_0 = arith.constant 0 : i32
    return %c1_i32, %arg0, %c0_i32 : i32, i32, i32
  }
  func.func @transform_2(%arg0: i32) -> (i32, i32, i32) {
    %c0_i32 = arith.constant 0 : i32
    %c0_i32_0 = arith.constant 0 : i32
    %c0_i32_1 = arith.constant 0 : i32
    return %c0_i32, %arg0, %c0_i32_0 : i32, i32, i32
  }
  func.func @transform_3(%arg0: i32) -> (i32, i32, i32) {
    %c1_i32 = arith.constant 1 : i32
    %c0_i32 = arith.constant 0 : i32
    %c0_i32_0 = arith.constant 0 : i32
    return %c1_i32, %arg0, %c0_i32 : i32, i32, i32
  }
  func.func @transform_4(%arg0: i32) -> (i32, i32) {
    %c0_i32 = arith.constant 0 : i32
    %c0_i32_0 = arith.constant 0 : i32
    return %arg0, %c0_i32 : i32, i32
  }
  func.func @transform_5(%arg0: i32) -> (i32, i32) {
    %c0_i32 = arith.constant 0 : i32
    %c0_i32_0 = arith.constant 0 : i32
    %c0_i32_1 = arith.constant 0 : i32
    return %c0_i32, %c0_i32_0 : i32, i32
  }
  func.func @transform_6(%arg0: i32) -> (i32, i32) {
    %c0_i32 = arith.constant 0 : i32
    %c0_i32_0 = arith.constant 0 : i32
    %c0_i32_1 = arith.constant 0 : i32
    return %c0_i32, %c0_i32_0 : i32, i32
  }
  func.func @transform_7(%arg0: i32) -> (i32, i32) {
    %c0_i32 = arith.constant 0 : i32
    %c0_i32_0 = arith.constant 0 : i32
    %c0_i32_1 = arith.constant 0 : i32
    return %c0_i32, %c0_i32_0 : i32, i32
  }
  func.func @transform_8(%arg0: i32) -> (i32, i32) {
    %c0_i32 = arith.constant 0 : i32
    %c0_i32_0 = arith.constant 0 : i32
    return %arg0, %c0_i32 : i32, i32
  }
  func.func @transform_9(%arg0: i32) -> (i32, i32) {
    %c0_i32 = arith.constant 0 : i32
    %c0_i32_0 = arith.constant 0 : i32
    return %arg0, %c0_i32 : i32, i32
  }
}

module attributes {stable_mosaic.version = 14 : i64} {
  func.func @_combine2_body(%arg0: i32, %arg1: memref<1x1000x128xf32, #tpu.memory_space<vmem>>, %arg2: memref<1x1000x128xf32, #tpu.memory_space<vmem>>, %arg3: memref<1000x16xf32, #tpu.memory_space<vmem>>, %arg4: memref<1000x128xf32, #tpu.memory_space<vmem>>, %arg5: memref<16x128xf32, #tpu.memory_space<vmem>>, %arg6: memref<128x128xf32, #tpu.memory_space<vmem>>, %arg7: memref<1x128xf32, #tpu.memory_space<vmem>>, %arg8: memref<1000x128xf32, #tpu.memory_space<vmem>>) attributes {dimension_semantics = [#tpu.dimension_semantics<arbitrary>], iteration_bounds = array<i64: 10>, scalar_prefetch = 0 : i64, scratch_operands = 0 : i64, tpu.core_type = #tpu.core_type<tc>, window_params = [{transform_indices = @transform_0, window_bounds = array<i64: 1, 1000, 128>}, {transform_indices = @transform_1, window_bounds = array<i64: 1, 1000, 128>}, {transform_indices = @transform_2, window_bounds = array<i64: 1000, 16>}, {transform_indices = @transform_3, window_bounds = array<i64: 1000, 128>}, {pipeline_mode = #tpu.pipeline_mode<synchronous>, transform_indices = @transform_4, window_bounds = array<i64: 16, 128>}, {pipeline_mode = #tpu.pipeline_mode<synchronous>, transform_indices = @transform_5, window_bounds = array<i64: 128, 128>}, {pipeline_mode = #tpu.pipeline_mode<synchronous>, transform_indices = @transform_6, window_bounds = array<i64: 1, 128>}, {transform_indices = @transform_7, window_bounds = array<i64: 1000, 128>}]} {
    %get3A = arith.constant 0 : index
    %get3A_0 = arith.constant 0 : index
    %get3A_1 = arith.constant 0 : index
    %get3A_2 = vector.load %arg1[%get3A, %get3A_0, %get3A_1] : memref<1x1000x128xf32, #tpu.memory_space<vmem>>, vector<1x1000x128xf32>
    %get3A_3 = vector.shape_cast %get3A_2 : vector<1x1000x128xf32> to vector<1000x128xf32>
    %get3A_4 = arith.constant 0 : index
    %get3A_5 = arith.constant 0 : index
    %get3A_6 = arith.constant 0 : index
    %get3A_7 = vector.load %arg2[%get3A_4, %get3A_5, %get3A_6] : memref<1x1000x128xf32, #tpu.memory_space<vmem>>, vector<1x1000x128xf32>
    %get3A_8 = vector.shape_cast %get3A_7 : vector<1x1000x128xf32> to vector<1000x128xf32>
    %add3A = arith.addf %get3A_3, %get3A_8 : vector<1000x128xf32>
    %get3A_9 = arith.constant 0 : index
    %get3A_10 = arith.constant 0 : index
    %get3A_11 = vector.load %arg3[%get3A_9, %get3A_10] : memref<1000x16xf32, #tpu.memory_space<vmem>>, vector<1000x16xf32>
    %get3A_12 = arith.constant 0 : index
    %get3A_13 = arith.constant 0 : index
    %get3A_14 = vector.load %arg5[%get3A_12, %get3A_13] : memref<16x128xf32, #tpu.memory_space<vmem>>, vector<16x128xf32>
    %dot_general3A = arith.constant dense<0.000000e+00> : vector<1000x128xf32>
    %dot_general3A_15 = tpu.matmul %get3A_11, %get3A_14, %dot_general3A {dimension_numbers = #tpu.dot_dimension_numbers<[1], [0], [0], [1], [0, 0, 1, 1], [], []>, transpose_lhs_hint = false} : vector<1000x16xf32>, vector<16x128xf32>, vector<1000x128xf32> -> vector<1000x128xf32>
    %add3A_16 = arith.addf %add3A, %dot_general3A_15 : vector<1000x128xf32>
    %get3A_17 = arith.constant 0 : index
    %get3A_18 = arith.constant 0 : index
    %get3A_19 = vector.load %arg4[%get3A_17, %get3A_18] : memref<1000x128xf32, #tpu.memory_space<vmem>>, vector<1000x128xf32>
    %get3A_20 = arith.constant 0 : index
    %get3A_21 = arith.constant 0 : index
    %get3A_22 = vector.load %arg6[%get3A_20, %get3A_21] : memref<128x128xf32, #tpu.memory_space<vmem>>, vector<128x128xf32>
    %dot_general3A_23 = arith.constant dense<0.000000e+00> : vector<1000x128xf32>
    %dot_general3A_24 = tpu.matmul %get3A_19, %get3A_22, %dot_general3A_23 {dimension_numbers = #tpu.dot_dimension_numbers<[1], [0], [0], [1], [0, 0, 1, 1], [], []>, transpose_lhs_hint = false} : vector<1000x128xf32>, vector<128x128xf32>, vector<1000x128xf32> -> vector<1000x128xf32>
    %add3A_25 = arith.addf %add3A_16, %dot_general3A_24 : vector<1000x128xf32>
    %get3A_26 = arith.constant 0 : index
    %get3A_27 = arith.constant 0 : index
    %get3A_28 = vector.load %arg7[%get3A_26, %get3A_27] : memref<1x128xf32, #tpu.memory_space<vmem>>, vector<1x128xf32>
    %add3A_29 = vector.broadcast %get3A_28 : vector<1x128xf32> to vector<1000x128xf32>
    %add3A_30 = arith.addf %add3A_25, %add3A_29 : vector<1000x128xf32>
    %max3A = arith.constant 0.000000e+00 : f32
    %max3A_31 = vector.broadcast %max3A : f32 to vector<1000x128xf32>
    %max3A_32 = arith.maximumf %add3A_30, %max3A_31 : vector<1000x128xf32>
    %swap3A = arith.constant 0 : index
    %swap3A_33 = arith.constant 0 : index
    %swap3A_34 = vector.load %arg8[%swap3A, %swap3A_33] : memref<1000x128xf32, #tpu.memory_space<vmem>>, vector<1000x128xf32>
    tpu.vector_store %arg8[%swap3A, %swap3A_33], %max3A_32 {strides = array<i32>} : memref<1000x128xf32, #tpu.memory_space<vmem>>, vector<1000x128xf32>,
    return
  }
  func.func @transform_0(%arg0: i32) -> (i32, i32, i32) {
    %c0_i32 = arith.constant 0 : i32
    %c0_i32_0 = arith.constant 0 : i32
    %c0_i32_1 = arith.constant 0 : i32
    return %c0_i32, %arg0, %c0_i32_0 : i32, i32, i32
  }
  func.func @transform_1(%arg0: i32) -> (i32, i32, i32) {
    %c1_i32 = arith.constant 1 : i32
    %c0_i32 = arith.constant 0 : i32
    %c0_i32_0 = arith.constant 0 : i32
    return %c1_i32, %arg0, %c0_i32 : i32, i32, i32
  }
  func.func @transform_2(%arg0: i32) -> (i32, i32) {
    %c0_i32 = arith.constant 0 : i32
    %c0_i32_0 = arith.constant 0 : i32
    return %arg0, %c0_i32 : i32, i32
  }
  func.func @transform_3(%arg0: i32) -> (i32, i32) {
    %c0_i32 = arith.constant 0 : i32
    %c0_i32_0 = arith.constant 0 : i32
    return %arg0, %c0_i32 : i32, i32
  }
  func.func @transform_4(%arg0: i32) -> (i32, i32) {
    %c0_i32 = arith.constant 0 : i32
    %c0_i32_0 = arith.constant 0 : i32
    %c0_i32_1 = arith.constant 0 : i32
    return %c0_i32, %c0_i32_0 : i32, i32
  }
  func.func @transform_5(%arg0: i32) -> (i32, i32) {
    %c0_i32 = arith.constant 0 : i32
    %c0_i32_0 = arith.constant 0 : i32
    %c0_i32_1 = arith.constant 0 : i32
    return %c0_i32, %c0_i32_0 : i32, i32
  }
  func.func @transform_6(%arg0: i32) -> (i32, i32) {
    %c0_i32 = arith.constant 0 : i32
    %c0_i32_0 = arith.constant 0 : i32
    %c0_i32_1 = arith.constant 0 : i32
    return %c0_i32, %c0_i32_0 : i32, i32
  }
  func.func @transform_7(%arg0: i32) -> (i32, i32) {
    %c0_i32 = arith.constant 0 : i32
    %c0_i32_0 = arith.constant 0 : i32
    return %arg0, %c0_i32 : i32, i32
  }
}

module attributes {stable_mosaic.version = 14 : i64} {
  func.func @_fc_body(%arg0: i32, %arg1: memref<100x1280xf32, #tpu.memory_space<vmem>>, %arg2: memref<1280x512xf32, #tpu.memory_space<vmem>>, %arg3: memref<1x512xf32, #tpu.memory_space<vmem>>, %arg4: memref<512x128xf32, #tpu.memory_space<vmem>>, %arg5: memref<1x128xf32, #tpu.memory_space<vmem>>, %arg6: memref<100x128xf32, #tpu.memory_space<vmem>>, %arg7: memref<100x512xf32, #tpu.memory_space<vmem>>) attributes {dimension_semantics = [#tpu.dimension_semantics<arbitrary>], iteration_bounds = array<i64: 10>, scalar_prefetch = 0 : i64, scratch_operands = 1 : i64, tpu.core_type = #tpu.core_type<tc>, window_params = [{transform_indices = @transform_0, window_bounds = array<i64: 100, 1280>}, {transform_indices = @transform_1, window_bounds = array<i64: 1280, 512>}, {pipeline_mode = #tpu.pipeline_mode<synchronous>, transform_indices = @transform_2, window_bounds = array<i64: 1, 512>}, {pipeline_mode = #tpu.pipeline_mode<synchronous>, transform_indices = @transform_3, window_bounds = array<i64: 512, 128>}, {pipeline_mode = #tpu.pipeline_mode<synchronous>, transform_indices = @transform_4, window_bounds = array<i64: 1, 128>}, {pipeline_mode = #tpu.pipeline_mode<synchronous>, transform_indices = @transform_5, window_bounds = array<i64: 100, 128>}]} {
    %eq3A = arith.constant 0 : i32
    %eq3A_0 = arith.cmpi eq, %arg0, %eq3A : i32
    %convert_element_type3A = arith.extui %eq3A_0 : i1 to i32
    %cond3A = arith.constant 0 : i32
    %cond3A_1 = arith.cmpi ne, %convert_element_type3A, %cond3A : i32
    scf.if %cond3A_1 {
      %broadcast_in_dim3A = arith.constant 0.000000e+00 : f32
      %broadcast_in_dim3A_18 = vector.broadcast %broadcast_in_dim3A : f32 to vector<100x512xf32>
      %swap3A_19 = arith.constant 0 : index
      %swap3A_20 = arith.constant 0 : index
      %swap3A_21 = vector.load %arg7[%swap3A_19, %swap3A_20] : memref<100x512xf32, #tpu.memory_space<vmem>>, vector<100x512xf32>
      tpu.vector_store %arg7[%swap3A_19, %swap3A_20], %broadcast_in_dim3A_18 {strides = array<i32>} : memref<100x512xf32, #tpu.memory_space<vmem>>, vector<100x512xf32>,
    } else {
    }
    %get3A = arith.constant 0 : index
    %get3A_2 = arith.constant 0 : index
    %get3A_3 = vector.load %arg7[%get3A, %get3A_2] : memref<100x512xf32, #tpu.memory_space<vmem>>, vector<100x512xf32>
    %get3A_4 = arith.constant 0 : index
    %get3A_5 = arith.constant 0 : index
    %get3A_6 = vector.load %arg1[%get3A_4, %get3A_5] : memref<100x1280xf32, #tpu.memory_space<vmem>>, vector<100x1280xf32>
    %get3A_7 = arith.constant 0 : index
    %get3A_8 = arith.constant 0 : index
    %get3A_9 = vector.load %arg2[%get3A_7, %get3A_8] : memref<1280x512xf32, #tpu.memory_space<vmem>>, vector<1280x512xf32>
    %dot_general3A = arith.constant dense<0.000000e+00> : vector<100x512xf32>
    %dot_general3A_10 = tpu.matmul %get3A_6, %get3A_9, %dot_general3A {dimension_numbers = #tpu.dot_dimension_numbers<[1], [0], [0], [1], [0, 0, 1, 1], [], []>, transpose_lhs_hint = false} : vector<100x1280xf32>, vector<1280x512xf32>, vector<100x512xf32> -> vector<100x512xf32>
    %add3A = arith.addf %get3A_3, %dot_general3A_10 : vector<100x512xf32>
    %swap3A = arith.constant 0 : index
    %swap3A_11 = arith.constant 0 : index
    %swap3A_12 = vector.load %arg7[%swap3A, %swap3A_11] : memref<100x512xf32, #tpu.memory_space<vmem>>, vector<100x512xf32>
    tpu.vector_store %arg7[%swap3A, %swap3A_11], %add3A {strides = array<i32>} : memref<100x512xf32, #tpu.memory_space<vmem>>, vector<100x512xf32>,
    %eq3A_13 = arith.constant 9 : i32
    %eq3A_14 = arith.cmpi eq, %arg0, %eq3A_13 : i32
    %convert_element_type3A_15 = arith.extui %eq3A_14 : i1 to i32
    %cond3A_16 = arith.constant 0 : i32
    %cond3A_17 = arith.cmpi ne, %convert_element_type3A_15, %cond3A_16 : i32
    scf.if %cond3A_17 {
      %get3A_18 = arith.constant 0 : index
      %get3A_19 = arith.constant 0 : index
      %get3A_20 = vector.load %arg7[%get3A_18, %get3A_19] : memref<100x512xf32, #tpu.memory_space<vmem>>, vector<100x512xf32>
      %get3A_21 = arith.constant 0 : index
      %get3A_22 = arith.constant 0 : index
      %get3A_23 = vector.load %arg3[%get3A_21, %get3A_22] : memref<1x512xf32, #tpu.memory_space<vmem>>, vector<1x512xf32>
      %add3A_24 = vector.broadcast %get3A_23 : vector<1x512xf32> to vector<100x512xf32>
      %add3A_25 = arith.addf %get3A_20, %add3A_24 : vector<100x512xf32>
      %max3A = arith.constant 0.000000e+00 : f32
      %max3A_26 = vector.broadcast %max3A : f32 to vector<100x512xf32>
      %max3A_27 = arith.maximumf %add3A_25, %max3A_26 : vector<100x512xf32>
      %get3A_28 = arith.constant 0 : index
      %get3A_29 = arith.constant 0 : index
      %get3A_30 = vector.load %arg4[%get3A_28, %get3A_29] : memref<512x128xf32, #tpu.memory_space<vmem>>, vector<512x128xf32>
      %dot_general3A_31 = arith.constant dense<0.000000e+00> : vector<100x128xf32>
      %dot_general3A_32 = tpu.matmul %max3A_27, %get3A_30, %dot_general3A_31 {dimension_numbers = #tpu.dot_dimension_numbers<[1], [0], [0], [1], [0, 0, 1, 1], [], []>, transpose_lhs_hint = false} : vector<100x512xf32>, vector<512x128xf32>, vector<100x128xf32> -> vector<100x128xf32>
      %get3A_33 = arith.constant 0 : index
      %get3A_34 = arith.constant 0 : index
      %get3A_35 = vector.load %arg5[%get3A_33, %get3A_34] : memref<1x128xf32, #tpu.memory_space<vmem>>, vector<1x128xf32>
      %add3A_36 = vector.broadcast %get3A_35 : vector<1x128xf32> to vector<100x128xf32>
      %add3A_37 = arith.addf %dot_general3A_32, %add3A_36 : vector<100x128xf32>
      %swap3A_38 = arith.constant 0 : index
      %swap3A_39 = arith.constant 0 : index
      %swap3A_40 = vector.load %arg6[%swap3A_38, %swap3A_39] : memref<100x128xf32, #tpu.memory_space<vmem>>, vector<100x128xf32>
      tpu.vector_store %arg6[%swap3A_38, %swap3A_39], %add3A_37 {strides = array<i32>} : memref<100x128xf32, #tpu.memory_space<vmem>>, vector<100x128xf32>,
    } else {
    }
    return
  }
  func.func @transform_0(%arg0: i32) -> (i32, i32) {
    %c0_i32 = arith.constant 0 : i32
    %c0_i32_0 = arith.constant 0 : i32
    return %c0_i32, %arg0 : i32, i32
  }
  func.func @transform_1(%arg0: i32) -> (i32, i32) {
    %c0_i32 = arith.constant 0 : i32
    %c0_i32_0 = arith.constant 0 : i32
    return %arg0, %c0_i32 : i32, i32
  }
  func.func @transform_2(%arg0: i32) -> (i32, i32) {
    %c0_i32 = arith.constant 0 : i32
    %c0_i32_0 = arith.constant 0 : i32
    %c0_i32_1 = arith.constant 0 : i32
    return %c0_i32, %c0_i32_0 : i32, i32
  }
  func.func @transform_3(%arg0: i32) -> (i32, i32) {
    %c0_i32 = arith.constant 0 : i32
    %c0_i32_0 = arith.constant 0 : i32
    %c0_i32_1 = arith.constant 0 : i32
    return %c0_i32, %c0_i32_0 : i32, i32
  }
  func.func @transform_4(%arg0: i32) -> (i32, i32) {
    %c0_i32 = arith.constant 0 : i32
    %c0_i32_0 = arith.constant 0 : i32
    %c0_i32_1 = arith.constant 0 : i32
    return %c0_i32, %c0_i32_0 : i32, i32
  }
  func.func @transform_5(%arg0: i32) -> (i32, i32) {
    %c0_i32 = arith.constant 0 : i32
    %c0_i32_0 = arith.constant 0 : i32
    %c0_i32_1 = arith.constant 0 : i32
    return %c0_i32, %c0_i32_0 : i32, i32
  }
}

</mosaic_0001>

<sc_bundles>
// kernel: kernel.11.cloned.1.call-start
scs
__scs_entry_jumppad:
0x0: {  	(pc) =	sbr.rel $0x88, $3  }
0x1: {  	(tag) =	ssettag $0x0;
	lr =	simm.s32 $0x1  }
0x2: {  	[smem:$0x3F94] =	sst lr;
	_ =	strace $0xD0000000  }
0x3: {  	_ = 	snop  }
0x4: {  	_ = 	snop  }
0x5: {  	_ = 	snop  }
0x6: {  	_ = 	snop  }
0x7: {  	_ = 	snop  }
__scs_overlays_trampoline_lowered:
0x8: {  	[smem:$0x3FA3] =	sst s0  }
0x9: {  	[smem:$0x3FA4] =	sst s1  }
0xa: {  	[smem:$0x3FA5] =	sst s2  }
0xb: {  	[smem:$0x3FA6] =	sst s3  }
0xc: {  	[smem:$0x3FA7] =	sst s4  }
0xd: {  	[smem:$0x3FA8] =	sst s5  }
0xe: {  	[smem:$0x3FA9] =	sst s6  }
0xf: {  	[smem:$0x3FAA] =	sst s7  }
0x10: {  	[smem:$0x3FAB] =	sst s8  }
0x11: {  	[smem:$0x3FAC] =	sst s9;
	s0 =	simm.s32 @!p0 $0x0  }
0x12: {  	s1 =	sld [smem:$0x3F92];
	s0 =	simm.s32 @p0 $0x1  }
0x13: {  	[smem:$0x3FAD] =	sst s0;
	s0 =	simm.s32 @!p1 $0x0  }
0x14: {  	s2 =	sld [smem:$0x3F91];
	s0 =	simm.s32 @p1 $0x1  }
0x15: {  	[smem:$0x3FAE] =	sst s0;
	s0 =	simm.s32 @!p2 $0x0  }
0x16: {  	s3 =	sld [smem:$0x3FDB];
	s0 =	simm.s32 @p2 $0x1  }
0x17: {  	s4 =	simm.s32 $0x1BF5;
	[smem:$0x3FB0] =	sst s0  }
0x18: {  	s0 =	sld [smem:$0x3F93];
	_ =	swait.ge [sflag:s4], $0x0  }
0x19: {  	s7 =	sld [smem:$0x3F94]  }
0x1a: {  	s8 =	sadd.s32 $0xFFFFE003, lr  }
0x1b: {  	s9 =	sadd.s32 $0xFFFFFEF7, lr;
	s5 =	simm.s32 $0xFFFFFFFF;
	p2 =	slt.u32 s8, $0xFFFFF086  }
0x1c: {  	p1 =	slt.u32 s9, $0xF7A;
	s5 =	simm.s32 @!p2 $0x0  }
0x1d: {  	s5 =	simm.s32 @p1 $0x1;
	p0 =	seq.s32 s7, s2  }
0x1e: {  	s7 =	smul.u32 @!p0 $0xF7A, s2;
	p2 =	seq.s32 @!p0 s5, $0x0  }
0x1f: {  	s9 =	smul.u32 $0xF7A, s1;
	s8 =	simm.s32 @!p0 $0x1BF5;
	p2 =	por !p2, p0  }
0x20: {  	[sflag:s8] =	ssyncset.s32 @!p0 $0xFFFFF086;
	s6 =	sadd.s32 @!p0 s3, s7;
	s7 =	simm.s32 @!p0 $0x108  }
0x21: {  	s3 =	sadd.s32 s3, s9;
	s6 =	sadd.s32 @!p0 $0x88, s6;
	s7 =	simm.s32 @p2 $0x1082  }
0x22: {  	[simem:s7], [sflag:s8] =	dma.local @!p0 [hbm:s6], $0xF7A  }
0x23: {  	s9 =	sor.u32 $0xD0000000, s2;
	s6 =	simm.s32 $0x108;
	_ =	swait.ge @!p0 [sflag:s8], $0x0  }
0x24: {  	s3 =	sadd.s32 $0x88, s3;
	s6 =	simm.s32 @!p1 $0x1082;
	[sflag:s4] =	ssyncset.s32 $0xFFFFF086  }
0x25: {  	[simem:s6], [sflag:s4] =	dma.local [hbm:s3], $0xF7A  }
0x26: {  	[smem:$0x3F94] =	sst s1;
	(tag) =	ssettag s2;
	_ =	strace s9  }
0x27: {  	s1 =	sld [smem:$0x3FA4]  }
0x28: {  	s2 =	sld [smem:$0x3FA5]  }
0x29: {  	s4 =	sld [smem:$0x3FA7]  }
0x2a: {  	p0 =	seq.s32 s5, $0x0;
	s5 =	sld [smem:$0x3FA8]  }
0x2b: {  	s6 =	sld [smem:$0x3FA9]  }
0x2c: {  	s7 =	sld [smem:$0x3FAA]  }
0x2d: {  	s3 =	simm.s32 $0x108;
	s8 =	sld [smem:$0x3FAB]  }
0x2e: {  	s3 =	simm.s32 @!p0 $0x1082;
	s9 =	sld [smem:$0x3FAC]  }
0x2f: {  	lr =	sadd.s32 s0, s3;
	s0 =	sld [smem:$0x3FA3]  }
0x30: {  	s3 =	sld [smem:$0x3FA6]  }
0x31: {  	[smem:$0x3FAF] =	sst s10  }
0x32: {  	s10 =	sld [smem:$0x3FAD];
	_ =	sdelay $0x3  }
0x33: {  	p0 =	seq.s32 s10, $0x1;
	s10 =	sld [smem:$0x3FAF];
	_ =	sdelay $0x3  }
0x34: {  	[smem:$0x3FAF] =	sst s10  }
0x35: {  	s10 =	sld [smem:$0x3FAE];
	_ =	sdelay $0x3  }
0x36: {  	p1 =	seq.s32 s10, $0x1;
	s10 =	sld [smem:$0x3FAF];
	_ =	sdelay $0x3  }
0x37: {  	[smem:$0x3FAF] =	sst s10  }
0x38: {  	s10 =	sld [smem:$0x3FB0]  }
0x39: {  	_ = 	snop;
	(pc) =	sbr.ind lr, $3  }
0x3a: {  	_ = 	snop  }
0x3b: {  	_ = 	snop  }
0x3c: {  	p2 =	seq.s32 s10, $0x1;
	s10 =	sld [smem:$0x3FAF]  }
0x3d: {  	_ =	shalt  }
0x3e: {  	_ =	shalt  }
0x3f: {  	_ =	shalt  }
0x40: {  	_ =	shalt  }
0x41: {  	_ =	shalt  }
0x42: {  	_ =	shalt  }
0x43: {  	_ =	shalt  }
0x44: {  	_ =	shalt  }
0x45: {  	_ =	shalt  }
0x46: {  	_ =	shalt  }
0x47: {  	_ =	shalt  }
0x48: {  	_ =	shalt  }
0x49: {  	_ =	shalt  }
0x4a: {  	_ =	shalt  }
0x4b: {  	_ =	shalt  }
0x4c: {  	_ =	shalt  }
0x4d: {  	_ =	shalt  }
0x4e: {  	_ =	shalt  }
0x4f: {  	_ =	shalt  }
0x50: {  	_ =	shalt  }
0x51: {  	_ =	shalt  }
0x52: {  	_ =	shalt  }
0x53: {  	_ =	shalt  }
0x54: {  	_ =	shalt  }
0x55: {  	_ =	shalt  }
0x56: {  	_ =	shalt  }
0x57: {  	_ =	shalt  }
0x58: {  	_ =	shalt  }
0x59: {  	_ =	shalt  }
0x5a: {  	_ =	shalt  }
0x5b: {  	_ =	shalt  }
0x5c: {  	_ =	shalt  }
0x5d: {  	_ =	shalt  }
0x5e: {  	_ =	shalt  }
0x5f: {  	_ =	shalt  }
0x60: {  	_ =	shalt  }
0x61: {  	_ =	shalt  }
0x62: {  	_ =	shalt  }
0x63: {  	_ =	shalt  }
0x64: {  	_ =	shalt  }
0x65: {  	_ =	shalt  }
0x66: {  	_ =	shalt  }
0x67: {  	_ =	shalt  }
0x68: {  	_ =	shalt  }
0x69: {  	_ =	shalt  }
0x6a: {  	_ =	shalt  }
0x6b: {  	_ =	shalt  }
0x6c: {  	_ =	shalt  }
0x6d: {  	_ =	shalt  }
0x6e: {  	_ =	shalt  }
0x6f: {  	_ =	shalt  }
0x70: {  	_ =	shalt  }
0x71: {  	_ =	shalt  }
0x72: {  	_ =	shalt  }
0x73: {  	_ =	shalt  }
0x74: {  	_ =	shalt  }
0x75: {  	_ =	shalt  }
0x76: {  	_ =	shalt  }
0x77: {  	_ =	shalt  }
0x78: {  	_ =	shalt  }
0x79: {  	_ =	shalt  }
0x7a: {  	_ =	shalt  }
0x7b: {  	_ =	shalt  }
0x7c: {  	_ =	shalt  }
0x7d: {  	_ =	shalt  }
0x7e: {  	_ =	shalt  }
0x7f: {  	_ =	shalt  }
0x80: {  	_ =	shalt  }
0x81: {  	_ =	shalt  }
0x82: {  	_ =	shalt  }
0x83: {  	_ =	shalt  }
0x84: {  	_ =	shalt  }
0x85: {  	_ =	shalt  }
0x86: {  	_ =	shalt  }
0x87: {  	_ =	shalt  }
.Lfunc_end0:
.L_simem_size_0:
called_computation.1_lowered:
.L_overlay_start_0:
0x88: {  	s2 =	sld [smem:$0x3FD9]  }
0x89: {  	s3 =	sld [smem:$0x3FFE];
	_ =	sdelay $0x1  }
0x8a: {  	s1 =	srdreg.scid  }
0x8b: {  	s0 =	sand.u32 $0x1, s1  }
0x8c: {  	s17 =	sshll.u32 s0, $0xA;
	s2 =	sadd.s32 s3, s2  }
0x8d: {  	s2 =	sadd.s32 s2, s17  }
0x8e: {  	[smem:$0x3FBB] =	sst s2  }
0x8f: {  	_ = 	snop  }
0x90: {  	s2 =	sld [smem:$0x3FC9];
	(tm) =	ssettm $0x1  }
0x91: {  	s18 =	sld [smem:$0x3FFB];
	_ =	sdelay $0x3  }
0x92: {  	_ =	strace s18  }
0x93: {  	s3 =	sld [smem:$0x3FFC];
	_ =	sdelay $0x3  }
0x94: {  	_ =	strace s3  }
0x95: {  	s3 =	sld [smem:$0x3FFD];
	_ =	sdelay $0x3  }
0x96: {  	_ =	strace s3  }
0x97: {  	_ =	strace $0x8FFFFFFF  }
0x98: {  	s19 =	sld [smem:$0x3FDB];
	_ =	sdelay $0x1  }
0x99: {  	s4 =	simm.s32 $_scs_section_size  }
0x9a: {  	s5 =	simm.s32 $_size__tile_overlayer_lowered;
	s6 =	simm.s32 $_tile_overlayer_lowered  }
0x9b: {  	s22 =	simm.s32 $0x1BFF;
	s21 =	sshll.u32 s6, $0x1;
	s3 =	sadd.s32 s4, s19  }
0x9c: {  	s7 =	simm.s32 $0x0;
	s20 =	sshll.u32 s5, $0x1;
	s5 =	sadd.s32 s21, s3  }
0x9d: {  	[timem:s7], [sflag:s22] =	dma.local [hbm:s5], s20  }
0x9e: {  	_ =	swait.ge [sflag:s22], s20  }
0x9f: {  	s4 =	ssub.s32 $0x0, s20;
	[sflag:s22] =	ssyncset.done $0x0  }
0xa0: {  	[sflag:s22] =	ssyncadd.s32 s4;
	_ =	sdelay $0x1  }
0xa1: {  	s23 =	simm.s32 $0x1B8B  }
0xa2: {  	_ =	swait.ge [sflag:s23], $0x1  }
0xa3: {  	[sflag:s23] =	ssyncset.done $0x0  }
0xa4: {  	s25 =	simm.s32 $0x1B8E;
	s24 =	sld [smem:$0x3FFE];
	[sflag:s23] =	ssyncadd.s32 $0xFFFFFFFF  }
0xa5: {  	s26 =	simm.s32 $execute0_lowered;
	[smem:$0x3FD2] =	sst s25  }
0xa6: {  	s5 =	sshll.u32 s26, $0x1;
	_ =	strace $0x80000046;
	[dreg:$0x1] =	wrdreg $0xFFFFFFFF  }
0xa7: {  	s28 =	simm.s32 $_size_execute0_lowered;
	s3 =	sadd.s32 s3, s5;
	[dreg:$0x0] =	wrdreg $0x0  }
0xa8: {  	s5 =	sshll.u32 s28, $0x1;
	[dreg:$0x2] =	wrdreg s3  }
0xa9: {  	[dreg:$0x3] =	wrdreg s5  }
0xaa: {  	[dreg:$0x4] =	wrdreg $0xC0  }
0xab: {  	_ =	task [dreg:s7], $0x5FFFF  }
0xac: {  	[dreg:$0x1] =	wrdreg $0xFFFFFFFF  }
0xad: {  	[dreg:$0x0] =	wrdreg $0x60  }
0xae: {  	[dreg:$0x2] =	wrdreg s2  }
0xaf: {  	[dreg:$0x3] =	wrdreg s24  }
0xb0: {  	[dreg:$0x4] =	wrdreg $0x98000  }
0xb1: {  	[dreg:$0x5] =	wrdreg $0xA  }
0xb2: {  	_ =	task.clear_ibuf [dreg:s7], $0x6FFFF;
	_ =	strace $0x90000046  }
0xb3: {  	s29 =	simm.s32 $0xA;
	_ =	strace $0x80000048  }
0xb4: {  	_ =	swait.ge [sflag:s29], $0x1  }
0xb5: {  	[sflag:s29] =	ssyncadd.s32 $0xFFFFFFFF  }
0xb6: {  	_ =	strace $0x90000048  }
0xb7: {  	_ =	sfence  }
0xb8: {  	s30 =	sld [smem:$0x0];
	_ =	sdelay $0x2  }
0xb9: {  	s31 =	sshll.u32 s1, $0xD;
	s1 =	sshrl.u32 s1, $0x2  }
0xba: {  	s3 =	sand.u32 $0x4000, s31;
	s1 =	sadd.s32 s1, s30  }
0xbb: {  	s0 =	sor.u32 s3, s0;
	s1 =	sshll.u32 s1, $0x11  }
0xbc: {  	s0 =	sor.u32 s1, s0  }
0xbd: {  	s0 =	sadd.s32 $0x8F2B, s0  }
0xbe: {  	[sflag:s0] =	ssyncadd.remote.s32 $0x1  }
0xbf: {  	_ =	sfence.sel $0xFFFF  }
0xc0: {  	[dreg:$0x0] =	wrdreg $0xFFFFFFFF;
	(pc) =	sbr.abs _section_cstart, $3  }
0xc1: {  	[dreg:$0x1] =	wrdreg $0xFFFFFFFF  }
0xc2: {  	_ =	task.clear_ibuf [dreg:s7], $0x2FFFF;
	_ =	strace $0x9FFFFFFF  }
0xc3: {  	(tm) =	ssettm $0x7FFFFFFF  }
tec
execute0_lowered:
.L_overlay_start_1:
0x0: {  	(tag) =	ssettag $0x1  }
0x1: {  	s0 =	srdreg.scid;
	s9 =	stileid.u32  }
0x2: {  	s0 =	sand.u32 $0x1, s0;
	s4 =	smul.u32 $0x3000, s9  }
0x3: {  	s2 =	rddreg [dreg:$0x0];
	s1 =	smul.u32 $0x30000, s0  }
0x4: {  	s5 =	rddreg [dreg:$0x1]  }
0x5: {  	s3 =	rddreg [dreg:$0x2];
	s1 =	sadd.s32 s4, s1;
	s4 =	simm.s32 $0x0  }
0x6: {  	s22 =	simm.s32 $0x100;
	s10 =	sadd.s32 $0x1B200, s5;
	[smem:$0x7FF] =	sst s4  }
0x7: {  	s23 =	simm.s32 $0xC80;
	_ =	strace $0x80000047;
	[dreg:$0x1a] =	wrdreg s10  }
0x8: {  	s24 =	simm.s32 $0x180;
	s7 =	smul.u32 $0x14000, s9;
	[dreg:$0x6] =	wrdreg s22  }
0x9: {  	s25 =	simm.s32 $0xD00;
	s6 =	smul.u32 $0x140000, s0;
	[dreg:$0x7] =	wrdreg s23  }
0xa: {  	s11 =	simm.s32 $0x280;
	s13 =	simm.s32 $0xE00;
	[dreg:$0x8] =	wrdreg s24  }
0xb: {  	s6 =	sadd.s32 s7, s6;
	s7 =	simm.s32 $0x200;
	[dreg:$0x9] =	wrdreg s25  }
0xc: {  	s14 =	simm.s32 $0x300;
	s16 =	simm.s32 $0xE80;
	[dreg:$0xa] =	wrdreg s7  }
0xd: {  	s17 =	simm.s32 $0x380;
	s18 =	simm.s32 $0xF00;
	[dreg:$0xc] =	wrdreg s11  }
0xe: {  	s19 =	simm.s32 $0x400;
	s20 =	simm.s32 $0xF80;
	[dreg:$0xd] =	wrdreg s13  }
0xf: {  	s15 =	sshll.u32 s9, $0x6;
	s0 =	ssub.s32 $0x2, s0;
	[dreg:$0xe] =	wrdreg s14  }
0x10: {  	s21 =	simm.s32 $0x480;
	s26 =	sshrl.u32 s0, $0x1;
	[dreg:$0x1b] =	wrdreg s15  }
0x11: {  	s28 =	simm.s32 $0x800;
	s0 =	ssub.s32 s0, s26;
	[dreg:$0xf] =	wrdreg s16  }
0x12: {  	s29 =	simm.s32 $0x1380;
	s0 =	smax.u32 s0, $0x1;
	[dreg:$0x10] =	wrdreg s17  }
0x13: {  	s30 =	simm.s32 $0x880;
	s31 =	simm.s32 $0x1400;
	[dreg:$0x1e] =	wrdreg s0  }
0x14: {  	s26 =	simm.s32 $0x1100;
	s1 =	sshrl.u32 s1, $0x3;
	[dreg:$0x11] =	wrdreg s18  }
0x15: {  	s6 =	sshrl.u32 s6, $0x3;
	s1 =	sadd.s32 s1, s5;
	[dreg:$0x12] =	wrdreg s19  }
0x16: {  	s5 =	sadd.s32 s6, s5;
	s10 =	simm.s32 $0xD80;
	[dreg:$0x13] =	wrdreg s20  }
0x17: {  	s7 =	sor.u32 $0x1C01, s15;
	[dreg:$0x14] =	wrdreg s21;
	s22 =	simm.s32 $0x1000  }
0x18: {  	s13 =	simm.s32 $0xC00;
	s23 =	simm.s32 $0x500;
	s14 =	simm.s32 $0x80  }
0x19: {  	s24 =	simm.s32 $0x1080;
	s15 =	simm.s32 $0x1800;
	[dreg:$0x19] =	wrdreg s26  }
0x1a: {  	s25 =	simm.s32 $0x580;
	s16 =	simm.s32 $0x5800;
	[dreg:$0xb] =	wrdreg s10  }
0x1b: {  	s17 =	simm.s32 $0x2;
	s18 =	simm.s32 $0x3;
	[dreg:$0x1c] =	wrdreg s7  }
0x1c: {  	s19 =	simm.s32 $0x600;
	s20 =	simm.s32 $0x1180;
	[dreg:$0x15] =	wrdreg s22  }
0x1d: {  	s21 =	simm.s32 $0x680;
	s26 =	simm.s32 $0x1300;
	[dreg:$0x16] =	wrdreg s23  }
0x1e: {  	s0 =	simm.s32 $0x1480;
	s8 =	sadd.s32 $0x3200, s1;
	[dreg:$0x17] =	wrdreg s24  }
0x1f: {  	s1 =	sadd.s32 $0xF200, s1;
	s5 =	sadd.s32 $0x1DA00, s5;
	[dreg:$0x18] =	wrdreg s25  }
0x20: {  	s22 =	simm.s32 $0x1200;
	[dreg:$0x4] =	wrdreg s8;
	s8 =	smul.u32 $0x50000, s9  }
0x21: {  	s23 =	simm.s32 $0x700;
	s24 =	simm.s32 $0x1280;
	s25 =	simm.s32 $0x780  }
0x22: {  	s7 =	simm.s32 $0x1500;
	[dreg:$0x5] =	wrdreg s1;
	s12 =	sshrl.u32 s8, $0x2  }
0x23: {  	[dreg:$0x1d] =	wrdreg s5;
	s1 =	simm.s32 $0x900;
	s6 =	sadd.s32 s12, s3  }
0x24: {  	s5 =	simm.s32 $0x980;
	s9 =	simm.s32 $0x0;
	s10 =	sshrl.u32 s6, $0x3  }
0x25: {  	s8 =	simm.s32 $0x1580;
	s12 =	simm.s32 $0x4;
	[dreg:$0x1f] =	wrdreg s10  }
.LBB2_1:
0x26: {  	[smem:$0x7FD] =	sst s9  }
0x27: {  	s6 =	rddreg [dreg:$0x1a]  }
0x28: {  	s11 =	rddreg [dreg:$0x1c]  }
0x29: {  	[spmem:s10], [sflag:s11] =	dma.local [hbm:s6], $0x2800  }
0x2a: {  	s10 =	simm.s32 $0x1  }
0x2b: {  	_ =	swait.ge [sflag:s10], $0x2800  }
0x2c: {  	[sflag:s10] =	ssyncset.done $0x0  }
0x2d: {  	[sflag:s10] =	ssyncadd.s32 $0xFFFFD800  }
0x2e: {  	[bflag:$0x0] =	sbarrier.arrive $0xFFFF  }
0x2f: {  	s11 =	rddreg [dreg:$0x5]  }
0x30: {  	s6 =	sadd.s32 $0x0, s11  }
0x31: {  	[tilespmem:s4], [sflag:$0x4] =	stream.linear.gather [hbm4b:s6+s4], $0xA00, $0x38;
	[tilespmem:$0x1D800] =	vst v63  }
0x32: {  	_ =	swait.ge [sflag:s12], $0xA00  }
0x33: {  	s9 =	rddreg [dreg:$0x4];
	[sflag:s12] =	ssyncset.done $0x0  }
0x34: {  	[sflag:s12] =	ssyncadd.s32 $0xFFFFF600;
	s6 =	sadd.s32 $0x0, s9  }
0x35: {  	[tilespmem:s13], [sflag:$0x4] =	stream.linear.gather [hbm4b:s6+s4], $0xA00, $0x38;
	[tilespmem:$0x1D800] =	vst v63  }
0x36: {  	_ =	swait.ge [sflag:s12], $0xA00  }
0x37: {  	[sflag:s12] =	ssyncset.done $0x0  }
0x38: {  	[sflag:s12] =	ssyncadd.s32 $0xFFFFF600  }
0x39: {  	[tilespmem:s15], [sflag:$0x2] =	stream.indirect.gather [hbm4b:s2+s14], $0x80, s4, s14, $0xb8;
	[tilespmem:$0x1D800] =	vst v63  }
0x3a: {  	_ = 	snop  }
0x3b: {  	[tilespmem:s16], [sflag:$0x3] =	stream.indirect.gather [hbm4b:s2+s14], $0x80, s14, s14, $0xb8;
	[tilespmem:$0x1D800] =	vst v63  }
0x3c: {  	_ =	swait.ge [sflag:s17], $0x4000  }
0x3d: {  	[sflag:s17] =	ssyncset.done $0x0  }
0x3e: {  	[sflag:s17] =	ssyncadd.s32 $0xFFFFC000  }
0x3f: {  	[spmem:s3] =	stream.indirect.scatter.add.f32 [tilespmem:s15], [sflag:$0x4], $0x80, s13, s14, $0xb8;
	[tilespmem:$0x1D800] =	vst v63  }
0x40: {  	_ =	swait.ge [sflag:s12], $0x4000  }
0x41: {  	[sflag:s12] =	ssyncset.done $0x0  }
0x42: {  	s10 =	rddreg [dreg:$0x6];
	[sflag:s12] =	ssyncadd.s32 $0xFFFFC000  }
0x43: {  	[tilespmem:s15], [sflag:$0x2] =	stream.indirect.gather [hbm4b:s2+s14], $0x80, s10, s14, $0xb8;
	[tilespmem:$0x1D800] =	vst v63  }
0x44: {  	_ =	swait.ge [sflag:s18], $0x4000  }
0x45: {  	[sflag:s18] =	ssyncset.done $0x0  }
0x46: {  	s11 =	rddreg [dreg:$0x7];
	[sflag:s18] =	ssyncadd.s32 $0xFFFFC000  }
0x47: {  	[spmem:s3] =	stream.indirect.scatter.add.f32 [tilespmem:s16], [sflag:$0x4], $0x80, s11, s14, $0xb8;
	[tilespmem:$0x1D800] =	vst v63  }
0x48: {  	_ =	swait.ge [sflag:s12], $0x4000  }
0x49: {  	[sflag:s12] =	ssyncset.done $0x0  }
0x4a: {  	s9 =	rddreg [dreg:$0x8];
	[sflag:s12] =	ssyncadd.s32 $0xFFFFC000  }
0x4b: {  	[tilespmem:s16], [sflag:$0x3] =	stream.indirect.gather [hbm4b:s2+s14], $0x80, s9, s14, $0xb8;
	[tilespmem:$0x1D800] =	vst v63  }
0x4c: {  	_ =	swait.ge [sflag:s17], $0x4000  }
0x4d: {  	[sflag:s17] =	ssyncset.done $0x0  }
0x4e: {  	s10 =	rddreg [dreg:$0x9];
	[sflag:s17] =	ssyncadd.s32 $0xFFFFC000  }
0x4f: {  	[spmem:s3] =	stream.indirect.scatter.add.f32 [tilespmem:s15], [sflag:$0x4], $0x80, s10, s14, $0xb8;
	[tilespmem:$0x1D800] =	vst v63  }
0x50: {  	_ =	swait.ge [sflag:s12], $0x4000  }
0x51: {  	[sflag:s12] =	ssyncset.done $0x0  }
0x52: {  	s11 =	rddreg [dreg:$0xa];
	[sflag:s12] =	ssyncadd.s32 $0xFFFFC000  }
0x53: {  	[tilespmem:s15], [sflag:$0x2] =	stream.indirect.gather [hbm4b:s2+s14], $0x80, s11, s14, $0xb8;
	[tilespmem:$0x1D800] =	vst v63  }
0x54: {  	_ =	swait.ge [sflag:s18], $0x4000  }
0x55: {  	[sflag:s18] =	ssyncset.done $0x0  }
0x56: {  	s9 =	rddreg [dreg:$0xb];
	[sflag:s18] =	ssyncadd.s32 $0xFFFFC000  }
0x57: {  	[spmem:s3] =	stream.indirect.scatter.add.f32 [tilespmem:s16], [sflag:$0x4], $0x80, s9, s14, $0xb8;
	[tilespmem:$0x1D800] =	vst v63  }
0x58: {  	_ =	swait.ge [sflag:s12], $0x4000  }
0x59: {  	[sflag:s12] =	ssyncset.done $0x0  }
0x5a: {  	s10 =	rddreg [dreg:$0xc];
	[sflag:s12] =	ssyncadd.s32 $0xFFFFC000  }
0x5b: {  	[tilespmem:s16], [sflag:$0x3] =	stream.indirect.gather [hbm4b:s2+s14], $0x80, s10, s14, $0xb8;
	[tilespmem:$0x1D800] =	vst v63  }
0x5c: {  	_ =	swait.ge [sflag:s17], $0x4000  }
0x5d: {  	[sflag:s17] =	ssyncset.done $0x0  }
0x5e: {  	s11 =	rddreg [dreg:$0xd];
	[sflag:s17] =	ssyncadd.s32 $0xFFFFC000  }
0x5f: {  	[spmem:s3] =	stream.indirect.scatter.add.f32 [tilespmem:s15], [sflag:$0x4], $0x80, s11, s14, $0xb8;
	[tilespmem:$0x1D800] =	vst v63  }
0x60: {  	_ =	swait.ge [sflag:s12], $0x4000  }
0x61: {  	[sflag:s12] =	ssyncset.done $0x0  }
0x62: {  	s9 =	rddreg [dreg:$0xe];
	[sflag:s12] =	ssyncadd.s32 $0xFFFFC000  }
0x63: {  	[tilespmem:s15], [sflag:$0x2] =	stream.indirect.gather [hbm4b:s2+s14], $0x80, s9, s14, $0xb8;
	[tilespmem:$0x1D800] =	vst v63  }
0x64: {  	_ =	swait.ge [sflag:s18], $0x4000  }
0x65: {  	[sflag:s18] =	ssyncset.done $0x0  }
0x66: {  	s10 =	rddreg [dreg:$0xf];
	[sflag:s18] =	ssyncadd.s32 $0xFFFFC000  }
0x67: {  	[spmem:s3] =	stream.indirect.scatter.add.f32 [tilespmem:s16], [sflag:$0x4], $0x80, s10, s14, $0xb8;
	[tilespmem:$0x1D800] =	vst v63  }
0x68: {  	_ =	swait.ge [sflag:s12], $0x4000  }
0x69: {  	[sflag:s12] =	ssyncset.done $0x0  }
0x6a: {  	s11 =	rddreg [dreg:$0x10];
	[sflag:s12] =	ssyncadd.s32 $0xFFFFC000  }
0x6b: {  	[tilespmem:s16], [sflag:$0x3] =	stream.indirect.gather [hbm4b:s2+s14], $0x80, s11, s14, $0xb8;
	[tilespmem:$0x1D800] =	vst v63  }
0x6c: {  	_ =	swait.ge [sflag:s17], $0x4000  }
0x6d: {  	[sflag:s17] =	ssyncset.done $0x0  }
0x6e: {  	s9 =	rddreg [dreg:$0x11];
	[sflag:s17] =	ssyncadd.s32 $0xFFFFC000  }
0x6f: {  	[spmem:s3] =	stream.indirect.scatter.add.f32 [tilespmem:s15], [sflag:$0x4], $0x80, s9, s14, $0xb8;
	[tilespmem:$0x1D800] =	vst v63  }
0x70: {  	_ =	swait.ge [sflag:s12], $0x4000  }
0x71: {  	[sflag:s12] =	ssyncset.done $0x0  }
0x72: {  	s10 =	rddreg [dreg:$0x12];
	[sflag:s12] =	ssyncadd.s32 $0xFFFFC000  }
0x73: {  	[tilespmem:s15], [sflag:$0x2] =	stream.indirect.gather [hbm4b:s2+s14], $0x80, s10, s14, $0xb8;
	[tilespmem:$0x1D800] =	vst v63  }
0x74: {  	_ =	swait.ge [sflag:s18], $0x4000  }
0x75: {  	[sflag:s18] =	ssyncset.done $0x0  }
0x76: {  	s11 =	rddreg [dreg:$0x13];
	[sflag:s18] =	ssyncadd.s32 $0xFFFFC000  }
0x77: {  	[spmem:s3] =	stream.indirect.scatter.add.f32 [tilespmem:s16], [sflag:$0x4], $0x80, s11, s14, $0xb8;
	[tilespmem:$0x1D800] =	vst v63  }
0x78: {  	_ =	swait.ge [sflag:s12], $0x4000  }
0x79: {  	[sflag:s12] =	ssyncset.done $0x0  }
0x7a: {  	s9 =	rddreg [dreg:$0x14];
	[sflag:s12] =	ssyncadd.s32 $0xFFFFC000  }
0x7b: {  	[tilespmem:s16], [sflag:$0x3] =	stream.indirect.gather [hbm4b:s2+s14], $0x80, s9, s14, $0xb8;
	[tilespmem:$0x1D800] =	vst v63  }
0x7c: {  	_ =	swait.ge [sflag:s17], $0x4000  }
0x7d: {  	[sflag:s17] =	ssyncset.done $0x0  }
0x7e: {  	s10 =	rddreg [dreg:$0x15];
	[sflag:s17] =	ssyncadd.s32 $0xFFFFC000  }
0x7f: {  	[spmem:s3] =	stream.indirect.scatter.add.f32 [tilespmem:s15], [sflag:$0x4], $0x80, s10, s14, $0xb8;
	[tilespmem:$0x1D800] =	vst v63  }
0x80: {  	_ =	swait.ge [sflag:s12], $0x4000  }
0x81: {  	[sflag:s12] =	ssyncset.done $0x0  }
0x82: {  	s11 =	rddreg [dreg:$0x16];
	[sflag:s12] =	ssyncadd.s32 $0xFFFFC000  }
0x83: {  	[tilespmem:s15], [sflag:$0x2] =	stream.indirect.gather [hbm4b:s2+s14], $0x80, s11, s14, $0xb8;
	[tilespmem:$0x1D800] =	vst v63  }
0x84: {  	_ =	swait.ge [sflag:s18], $0x4000  }
0x85: {  	[sflag:s18] =	ssyncset.done $0x0  }
0x86: {  	s9 =	rddreg [dreg:$0x17];
	[sflag:s18] =	ssyncadd.s32 $0xFFFFC000  }
0x87: {  	[spmem:s3] =	stream.indirect.scatter.add.f32 [tilespmem:s16], [sflag:$0x4], $0x80, s9, s14, $0xb8;
	[tilespmem:$0x1D800] =	vst v63  }
0x88: {  	_ =	swait.ge [sflag:s12], $0x4000  }
0x89: {  	[sflag:s12] =	ssyncset.done $0x0  }
0x8a: {  	s10 =	rddreg [dreg:$0x18];
	[sflag:s12] =	ssyncadd.s32 $0xFFFFC000  }
0x8b: {  	[tilespmem:s16], [sflag:$0x3] =	stream.indirect.gather [hbm4b:s2+s14], $0x80, s10, s14, $0xb8;
	[tilespmem:$0x1D800] =	vst v63  }
0x8c: {  	_ =	swait.ge [sflag:s17], $0x4000  }
0x8d: {  	[sflag:s17] =	ssyncset.done $0x0  }
0x8e: {  	s11 =	rddreg [dreg:$0x19];
	[sflag:s17] =	ssyncadd.s32 $0xFFFFC000  }
0x8f: {  	[spmem:s3] =	stream.indirect.scatter.add.f32 [tilespmem:s15], [sflag:$0x4], $0x80, s11, s14, $0xb8;
	[tilespmem:$0x1D800] =	vst v63  }
0x90: {  	_ =	swait.ge [sflag:s12], $0x4000  }
0x91: {  	[sflag:s12] =	ssyncset.done $0x0  }
0x92: {  	[sflag:s12] =	ssyncadd.s32 $0xFFFFC000  }
0x93: {  	[tilespmem:s15], [sflag:$0x2] =	stream.indirect.gather [hbm4b:s2+s14], $0x80, s19, s14, $0xb8;
	[tilespmem:$0x1D800] =	vst v63  }
0x94: {  	_ =	swait.ge [sflag:s18], $0x4000  }
0x95: {  	[sflag:s18] =	ssyncset.done $0x0  }
0x96: {  	[sflag:s18] =	ssyncadd.s32 $0xFFFFC000  }
0x97: {  	[spmem:s3] =	stream.indirect.scatter.add.f32 [tilespmem:s16], [sflag:$0x4], $0x80, s20, s14, $0xb8;
	[tilespmem:$0x1D800] =	vst v63  }
0x98: {  	_ =	swait.ge [sflag:s12], $0x4000  }
0x99: {  	[sflag:s12] =	ssyncset.done $0x0  }
0x9a: {  	[sflag:s12] =	ssyncadd.s32 $0xFFFFC000  }
0x9b: {  	[tilespmem:s16], [sflag:$0x3] =	stream.indirect.gather [hbm4b:s2+s14], $0x80, s21, s14, $0xb8;
	[tilespmem:$0x1D800] =	vst v63  }
0x9c: {  	_ =	swait.ge [sflag:s17], $0x4000  }
0x9d: {  	[sflag:s17] =	ssyncset.done $0x0  }
0x9e: {  	[sflag:s17] =	ssyncadd.s32 $0xFFFFC000  }
0x9f: {  	[spmem:s3] =	stream.indirect.scatter.add.f32 [tilespmem:s15], [sflag:$0x4], $0x80, s22, s14, $0xb8;
	[tilespmem:$0x1D800] =	vst v63  }
0xa0: {  	_ =	swait.ge [sflag:s12], $0x4000  }
0xa1: {  	[sflag:s12] =	ssyncset.done $0x0  }
0xa2: {  	[sflag:s12] =	ssyncadd.s32 $0xFFFFC000  }
0xa3: {  	[tilespmem:s15], [sflag:$0x2] =	stream.indirect.gather [hbm4b:s2+s14], $0x80, s23, s14, $0xb8;
	[tilespmem:$0x1D800] =	vst v63  }
0xa4: {  	_ =	swait.ge [sflag:s18], $0x4000  }
0xa5: {  	[sflag:s18] =	ssyncset.done $0x0  }
0xa6: {  	[sflag:s18] =	ssyncadd.s32 $0xFFFFC000  }
0xa7: {  	[spmem:s3] =	stream.indirect.scatter.add.f32 [tilespmem:s16], [sflag:$0x4], $0x80, s24, s14, $0xb8;
	[tilespmem:$0x1D800] =	vst v63  }
0xa8: {  	_ =	swait.ge [sflag:s12], $0x4000  }
0xa9: {  	[sflag:s12] =	ssyncset.done $0x0  }
0xaa: {  	[sflag:s12] =	ssyncadd.s32 $0xFFFFC000  }
0xab: {  	[tilespmem:s16], [sflag:$0x3] =	stream.indirect.gather [hbm4b:s2+s14], $0x80, s25, s14, $0xb8;
	[tilespmem:$0x1D800] =	vst v63  }
0xac: {  	_ =	swait.ge [sflag:s17], $0x4000  }
0xad: {  	[sflag:s17] =	ssyncset.done $0x0  }
0xae: {  	[sflag:s17] =	ssyncadd.s32 $0xFFFFC000  }
0xaf: {  	[spmem:s3] =	stream.indirect.scatter.add.f32 [tilespmem:s15], [sflag:$0x4], $0x80, s26, s14, $0xb8;
	[tilespmem:$0x1D800] =	vst v63  }
0xb0: {  	_ =	swait.ge [sflag:s12], $0x4000  }
0xb1: {  	[sflag:s12] =	ssyncset.done $0x0  }
0xb2: {  	[sflag:s12] =	ssyncadd.s32 $0xFFFFC000  }
0xb3: {  	[tilespmem:s15], [sflag:$0x2] =	stream.indirect.gather [hbm4b:s2+s14], $0x80, s28, s14, $0xb8;
	[tilespmem:$0x1D800] =	vst v63  }
0xb4: {  	_ =	swait.ge [sflag:s18], $0x4000  }
0xb5: {  	[sflag:s18] =	ssyncset.done $0x0  }
0xb6: {  	[sflag:s18] =	ssyncadd.s32 $0xFFFFC000  }
0xb7: {  	[spmem:s3] =	stream.indirect.scatter.add.f32 [tilespmem:s16], [sflag:$0x4], $0x80, s29, s14, $0xb8;
	[tilespmem:$0x1D800] =	vst v63  }
0xb8: {  	_ =	swait.ge [sflag:s12], $0x4000  }
0xb9: {  	[sflag:s12] =	ssyncset.done $0x0  }
0xba: {  	[sflag:s12] =	ssyncadd.s32 $0xFFFFC000  }
0xbb: {  	[tilespmem:s16], [sflag:$0x3] =	stream.indirect.gather [hbm4b:s2+s14], $0x80, s30, s14, $0xb8;
	[tilespmem:$0x1D800] =	vst v63  }
0xbc: {  	_ =	swait.ge [sflag:s17], $0x4000  }
0xbd: {  	[sflag:s17] =	ssyncset.done $0x0  }
0xbe: {  	[sflag:s17] =	ssyncadd.s32 $0xFFFFC000  }
0xbf: {  	[spmem:s3] =	stream.indirect.scatter.add.f32 [tilespmem:s15], [sflag:$0x4], $0x80, s31, s14, $0xb8;
	[tilespmem:$0x1D800] =	vst v63  }
0xc0: {  	_ =	swait.ge [sflag:s12], $0x4000  }
0xc1: {  	[sflag:s12] =	ssyncset.done $0x0  }
0xc2: {  	[sflag:s12] =	ssyncadd.s32 $0xFFFFC000  }
0xc3: {  	[tilespmem:s15], [sflag:$0x2] =	stream.indirect.gather [hbm4b:s2+s14], $0x80, s1, s14, $0xb8;
	[tilespmem:$0x1D800] =	vst v63  }
0xc4: {  	_ =	swait.ge [sflag:s18], $0x4000  }
0xc5: {  	[sflag:s18] =	ssyncset.done $0x0  }
0xc6: {  	[sflag:s18] =	ssyncadd.s32 $0xFFFFC000  }
0xc7: {  	[spmem:s3] =	stream.indirect.scatter.add.f32 [tilespmem:s16], [sflag:$0x4], $0x80, s0, s14, $0xb8;
	[tilespmem:$0x1D800] =	vst v63  }
0xc8: {  	_ =	swait.ge [sflag:s12], $0x4000  }
0xc9: {  	[sflag:s12] =	ssyncset.done $0x0  }
0xca: {  	[sflag:s12] =	ssyncadd.s32 $0xFFFFC000  }
0xcb: {  	[tilespmem:s16], [sflag:$0x3] =	stream.indirect.gather [hbm4b:s2+s14], $0x80, s5, s14, $0xb8;
	[tilespmem:$0x1D800] =	vst v63  }
0xcc: {  	_ =	swait.ge [sflag:s17], $0x4000  }
0xcd: {  	[sflag:s17] =	ssyncset.done $0x0  }
0xce: {  	[sflag:s17] =	ssyncadd.s32 $0xFFFFC000  }
0xcf: {  	[spmem:s3] =	stream.indirect.scatter.add.f32 [tilespmem:s15], [sflag:$0x4], $0x80, s7, s14, $0xb8;
	[tilespmem:$0x1D800] =	vst v63  }
0xd0: {  	_ =	swait.ge [sflag:s12], $0x4000  }
0xd1: {  	[sflag:s12] =	ssyncset.done $0x0  }
0xd2: {  	[sflag:s12] =	ssyncadd.s32 $0xFFFFC000  }
0xd3: {  	_ =	swait.ge [sflag:s18], $0x4000  }
0xd4: {  	[sflag:s18] =	ssyncset.done $0x0  }
0xd5: {  	[sflag:s18] =	ssyncadd.s32 $0xFFFFC000  }
0xd6: {  	[spmem:s3] =	stream.indirect.scatter.add.f32 [tilespmem:s16], [sflag:$0x4], $0x80, s8, s14, $0xb8;
	[tilespmem:$0x1D800] =	vst v63  }
0xd7: {  	s6 =	simm.s32 $0x180;
	_ =	swait.ge [sflag:s12], $0x4000  }
0xd8: {  	s11 =	simm.s32 $0x300;
	s10 =	rddreg [dreg:$0x5];
	[sflag:s12] =	ssyncset.done $0x0  }
.LBB2_2:
0xd9: {  	[sflag:s12] =	ssyncadd.s32 $0xFFFFC000;
	s10 =	sadd.s32 s6, s10  }
0xda: {  	[tilespmem:s4], [sflag:$0x4] =	stream.linear.gather [hbm4b:s10+s4], $0xA00, $0x38;
	[tilespmem:$0x1D800] =	vst v63  }
0xdb: {  	_ =	swait.ge [sflag:s12], $0xA00  }
0xdc: {  	s10 =	rddreg [dreg:$0x4];
	[sflag:s12] =	ssyncset.done $0x0  }
0xdd: {  	[sflag:s12] =	ssyncadd.s32 $0xFFFFF600;
	s10 =	sadd.s32 s6, s10  }
0xde: {  	[tilespmem:s13], [sflag:$0x4] =	stream.linear.gather [hbm4b:s10+s4], $0xA00, $0x38;
	[tilespmem:$0x1D800] =	vst v63  }
0xdf: {  	_ =	swait.ge [sflag:s12], $0xA00  }
0xe0: {  	[sflag:s12] =	ssyncset.done $0x0  }
0xe1: {  	[sflag:s12] =	ssyncadd.s32 $0xFFFFF600  }
0xe2: {  	[tilespmem:s15], [sflag:$0x2] =	stream.indirect.gather [hbm4b:s2+s14], $0x80, s4, s14, $0xb8;
	[tilespmem:$0x1D800] =	vst v63  }
0xe3: {  	_ = 	snop  }
0xe4: {  	[tilespmem:s16], [sflag:$0x3] =	stream.indirect.gather [hbm4b:s2+s14], $0x80, s14, s14, $0xb8;
	[tilespmem:$0x1D800] =	vst v63  }
0xe5: {  	_ =	swait.ge [sflag:s17], $0x4000  }
0xe6: {  	[sflag:s17] =	ssyncset.done $0x0  }
0xe7: {  	[sflag:s17] =	ssyncadd.s32 $0xFFFFC000  }
0xe8: {  	[spmem:s3] =	stream.indirect.scatter.add.f32 [tilespmem:s15], [sflag:$0x4], $0x80, s13, s14, $0xb8;
	[tilespmem:$0x1D800] =	vst v63  }
0xe9: {  	_ =	swait.ge [sflag:s12], $0x4000  }
0xea: {  	[sflag:s12] =	ssyncset.done $0x0  }
0xeb: {  	s10 =	rddreg [dreg:$0x6];
	[sflag:s12] =	ssyncadd.s32 $0xFFFFC000  }
0xec: {  	[tilespmem:s15], [sflag:$0x2] =	stream.indirect.gather [hbm4b:s2+s14], $0x80, s10, s14, $0xb8;
	[tilespmem:$0x1D800] =	vst v63  }
0xed: {  	_ =	swait.ge [sflag:s18], $0x4000  }
0xee: {  	[sflag:s18] =	ssyncset.done $0x0  }
0xef: {  	s10 =	rddreg [dreg:$0x7];
	[sflag:s18] =	ssyncadd.s32 $0xFFFFC000  }
0xf0: {  	[spmem:s3] =	stream.indirect.scatter.add.f32 [tilespmem:s16], [sflag:$0x4], $0x80, s10, s14, $0xb8;
	[tilespmem:$0x1D800] =	vst v63  }
0xf1: {  	_ =	swait.ge [sflag:s12], $0x4000  }
0xf2: {  	[sflag:s12] =	ssyncset.done $0x0  }
0xf3: {  	s10 =	rddreg [dreg:$0x8];
	[sflag:s12] =	ssyncadd.s32 $0xFFFFC000  }
0xf4: {  	[tilespmem:s16], [sflag:$0x3] =	stream.indirect.gather [hbm4b:s2+s14], $0x80, s10, s14, $0xb8;
	[tilespmem:$0x1D800] =	vst v63  }
0xf5: {  	_ =	swait.ge [sflag:s17], $0x4000  }
0xf6: {  	[sflag:s17] =	ssyncset.done $0x0  }
0xf7: {  	s10 =	rddreg [dreg:$0x9];
	[sflag:s17] =	ssyncadd.s32 $0xFFFFC000  }
0xf8: {  	[spmem:s3] =	stream.indirect.scatter.add.f32 [tilespmem:s15], [sflag:$0x4], $0x80, s10, s14, $0xb8;
	[tilespmem:$0x1D800] =	vst v63  }
0xf9: {  	_ =	swait.ge [sflag:s12], $0x4000  }
0xfa: {  	[sflag:s12] =	ssyncset.done $0x0  }
0xfb: {  	s10 =	rddreg [dreg:$0xa];
	[sflag:s12] =	ssyncadd.s32 $0xFFFFC000  }
0xfc: {  	[tilespmem:s15], [sflag:$0x2] =	stream.indirect.gather [hbm4b:s2+s14], $0x80, s10, s14, $0xb8;
	[tilespmem:$0x1D800] =	vst v63  }
0xfd: {  	_ =	swait.ge [sflag:s18], $0x4000  }
0xfe: {  	[sflag:s18] =	ssyncset.done $0x0  }
0xff: {  	s10 =	rddreg [dreg:$0xb];
	[sflag:s18] =	ssyncadd.s32 $0xFFFFC000  }
0x100: {  	[spmem:s3] =	stream.indirect.scatter.add.f32 [tilespmem:s16], [sflag:$0x4], $0x80, s10, s14, $0xb8;
	[tilespmem:$0x1D800] =	vst v63  }
0x101: {  	_ =	swait.ge [sflag:s12], $0x4000  }
0x102: {  	[sflag:s12] =	ssyncset.done $0x0  }
0x103: {  	s10 =	rddreg [dreg:$0xc];
	[sflag:s12] =	ssyncadd.s32 $0xFFFFC000  }
0x104: {  	[tilespmem:s16], [sflag:$0x3] =	stream.indirect.gather [hbm4b:s2+s14], $0x80, s10, s14, $0xb8;
	[tilespmem:$0x1D800] =	vst v63  }
0x105: {  	_ =	swait.ge [sflag:s17], $0x4000  }
0x106: {  	[sflag:s17] =	ssyncset.done $0x0  }
0x107: {  	s10 =	rddreg [dreg:$0xd];
	[sflag:s17] =	ssyncadd.s32 $0xFFFFC000  }
0x108: {  	[spmem:s3] =	stream.indirect.scatter.add.f32 [tilespmem:s15], [sflag:$0x4], $0x80, s10, s14, $0xb8;
	[tilespmem:$0x1D800] =	vst v63  }
0x109: {  	_ =	swait.ge [sflag:s12], $0x4000  }
0x10a: {  	[sflag:s12] =	ssyncset.done $0x0  }
0x10b: {  	s10 =	rddreg [dreg:$0xe];
	[sflag:s12] =	ssyncadd.s32 $0xFFFFC000  }
0x10c: {  	[tilespmem:s15], [sflag:$0x2] =	stream.indirect.gather [hbm4b:s2+s14], $0x80, s10, s14, $0xb8;
	[tilespmem:$0x1D800] =	vst v63  }
0x10d: {  	_ =	swait.ge [sflag:s18], $0x4000  }
0x10e: {  	[sflag:s18] =	ssyncset.done $0x0  }
0x10f: {  	s10 =	rddreg [dreg:$0xf];
	[sflag:s18] =	ssyncadd.s32 $0xFFFFC000  }
0x110: {  	[spmem:s3] =	stream.indirect.scatter.add.f32 [tilespmem:s16], [sflag:$0x4], $0x80, s10, s14, $0xb8;
	[tilespmem:$0x1D800] =	vst v63  }
0x111: {  	_ =	swait.ge [sflag:s12], $0x4000  }
0x112: {  	[sflag:s12] =	ssyncset.done $0x0  }
0x113: {  	s10 =	rddreg [dreg:$0x10];
	[sflag:s12] =	ssyncadd.s32 $0xFFFFC000  }
0x114: {  	[tilespmem:s16], [sflag:$0x3] =	stream.indirect.gather [hbm4b:s2+s14], $0x80, s10, s14, $0xb8;
	[tilespmem:$0x1D800] =	vst v63  }
0x115: {  	_ =	swait.ge [sflag:s17], $0x4000  }
0x116: {  	[sflag:s17] =	ssyncset.done $0x0  }
0x117: {  	s10 =	rddreg [dreg:$0x11];
	[sflag:s17] =	ssyncadd.s32 $0xFFFFC000  }
0x118: {  	[spmem:s3] =	stream.indirect.scatter.add.f32 [tilespmem:s15], [sflag:$0x4], $0x80, s10, s14, $0xb8;
	[tilespmem:$0x1D800] =	vst v63  }
0x119: {  	_ =	swait.ge [sflag:s12], $0x4000  }
0x11a: {  	[sflag:s12] =	ssyncset.done $0x0  }
0x11b: {  	s10 =	rddreg [dreg:$0x12];
	[sflag:s12] =	ssyncadd.s32 $0xFFFFC000  }
0x11c: {  	[tilespmem:s15], [sflag:$0x2] =	stream.indirect.gather [hbm4b:s2+s14], $0x80, s10, s14, $0xb8;
	[tilespmem:$0x1D800] =	vst v63  }
0x11d: {  	_ =	swait.ge [sflag:s18], $0x4000  }
0x11e: {  	[sflag:s18] =	ssyncset.done $0x0  }
0x11f: {  	s10 =	rddreg [dreg:$0x13];
	[sflag:s18] =	ssyncadd.s32 $0xFFFFC000  }
0x120: {  	[spmem:s3] =	stream.indirect.scatter.add.f32 [tilespmem:s16], [sflag:$0x4], $0x80, s10, s14, $0xb8;
	[tilespmem:$0x1D800] =	vst v63  }
0x121: {  	_ =	swait.ge [sflag:s12], $0x4000  }
0x122: {  	[sflag:s12] =	ssyncset.done $0x0  }
0x123: {  	s10 =	rddreg [dreg:$0x14];
	[sflag:s12] =	ssyncadd.s32 $0xFFFFC000  }
0x124: {  	[tilespmem:s16], [sflag:$0x3] =	stream.indirect.gather [hbm4b:s2+s14], $0x80, s10, s14, $0xb8;
	[tilespmem:$0x1D800] =	vst v63  }
0x125: {  	_ =	swait.ge [sflag:s17], $0x4000  }
0x126: {  	[sflag:s17] =	ssyncset.done $0x0  }
0x127: {  	s10 =	rddreg [dreg:$0x15];
	[sflag:s17] =	ssyncadd.s32 $0xFFFFC000  }
0x128: {  	[spmem:s3] =	stream.indirect.scatter.add.f32 [tilespmem:s15], [sflag:$0x4], $0x80, s10, s14, $0xb8;
	[tilespmem:$0x1D800] =	vst v63  }
0x129: {  	_ =	swait.ge [sflag:s12], $0x4000  }
0x12a: {  	[sflag:s12] =	ssyncset.done $0x0  }
0x12b: {  	s10 =	rddreg [dreg:$0x16];
	[sflag:s12] =	ssyncadd.s32 $0xFFFFC000  }
0x12c: {  	[tilespmem:s15], [sflag:$0x2] =	stream.indirect.gather [hbm4b:s2+s14], $0x80, s10, s14, $0xb8;
	[tilespmem:$0x1D800] =	vst v63  }
0x12d: {  	_ =	swait.ge [sflag:s18], $0x4000  }
0x12e: {  	[sflag:s18] =	ssyncset.done $0x0  }
0x12f: {  	s10 =	rddreg [dreg:$0x17];
	[sflag:s18] =	ssyncadd.s32 $0xFFFFC000  }
0x130: {  	[spmem:s3] =	stream.indirect.scatter.add.f32 [tilespmem:s16], [sflag:$0x4], $0x80, s10, s14, $0xb8;
	[tilespmem:$0x1D800] =	vst v63  }
0x131: {  	_ =	swait.ge [sflag:s12], $0x4000  }
0x132: {  	[sflag:s12] =	ssyncset.done $0x0  }
0x133: {  	s10 =	rddreg [dreg:$0x18];
	[sflag:s12] =	ssyncadd.s32 $0xFFFFC000  }
0x134: {  	[tilespmem:s16], [sflag:$0x3] =	stream.indirect.gather [hbm4b:s2+s14], $0x80, s10, s14, $0xb8;
	[tilespmem:$0x1D800] =	vst v63  }
0x135: {  	_ =	swait.ge [sflag:s17], $0x4000  }
0x136: {  	[sflag:s17] =	ssyncset.done $0x0  }
0x137: {  	s10 =	rddreg [dreg:$0x19];
	[sflag:s17] =	ssyncadd.s32 $0xFFFFC000  }
0x138: {  	[spmem:s3] =	stream.indirect.scatter.add.f32 [tilespmem:s15], [sflag:$0x4], $0x80, s10, s14, $0xb8;
	[tilespmem:$0x1D800] =	vst v63  }
0x139: {  	_ =	swait.ge [sflag:s12], $0x4000  }
0x13a: {  	[sflag:s12] =	ssyncset.done $0x0  }
0x13b: {  	[sflag:s12] =	ssyncadd.s32 $0xFFFFC000  }
0x13c: {  	[tilespmem:s15], [sflag:$0x2] =	stream.indirect.gather [hbm4b:s2+s14], $0x80, s19, s14, $0xb8;
	[tilespmem:$0x1D800] =	vst v63  }
0x13d: {  	_ =	swait.ge [sflag:s18], $0x4000  }
0x13e: {  	[sflag:s18] =	ssyncset.done $0x0  }
0x13f: {  	[sflag:s18] =	ssyncadd.s32 $0xFFFFC000  }
0x140: {  	[spmem:s3] =	stream.indirect.scatter.add.f32 [tilespmem:s16], [sflag:$0x4], $0x80, s20, s14, $0xb8;
	[tilespmem:$0x1D800] =	vst v63  }
0x141: {  	_ =	swait.ge [sflag:s12], $0x4000  }
0x142: {  	[sflag:s12] =	ssyncset.done $0x0  }
0x143: {  	[sflag:s12] =	ssyncadd.s32 $0xFFFFC000  }
0x144: {  	[tilespmem:s16], [sflag:$0x3] =	stream.indirect.gather [hbm4b:s2+s14], $0x80, s21, s14, $0xb8;
	[tilespmem:$0x1D800] =	vst v63  }
0x145: {  	_ =	swait.ge [sflag:s17], $0x4000  }
0x146: {  	[sflag:s17] =	ssyncset.done $0x0  }
0x147: {  	[sflag:s17] =	ssyncadd.s32 $0xFFFFC000  }
0x148: {  	[spmem:s3] =	stream.indirect.scatter.add.f32 [tilespmem:s15], [sflag:$0x4], $0x80, s22, s14, $0xb8;
	[tilespmem:$0x1D800] =	vst v63  }
0x149: {  	_ =	swait.ge [sflag:s12], $0x4000  }
0x14a: {  	[sflag:s12] =	ssyncset.done $0x0  }
0x14b: {  	[sflag:s12] =	ssyncadd.s32 $0xFFFFC000  }
0x14c: {  	[tilespmem:s15], [sflag:$0x2] =	stream.indirect.gather [hbm4b:s2+s14], $0x80, s23, s14, $0xb8;
	[tilespmem:$0x1D800] =	vst v63  }
0x14d: {  	_ =	swait.ge [sflag:s18], $0x4000  }
0x14e: {  	[sflag:s18] =	ssyncset.done $0x0  }
0x14f: {  	[sflag:s18] =	ssyncadd.s32 $0xFFFFC000  }
0x150: {  	[spmem:s3] =	stream.indirect.scatter.add.f32 [tilespmem:s16], [sflag:$0x4], $0x80, s24, s14, $0xb8;
	[tilespmem:$0x1D800] =	vst v63  }
0x151: {  	_ =	swait.ge [sflag:s12], $0x4000  }
0x152: {  	[sflag:s12] =	ssyncset.done $0x0  }
0x153: {  	[sflag:s12] =	ssyncadd.s32 $0xFFFFC000  }
0x154: {  	[tilespmem:s16], [sflag:$0x3] =	stream.indirect.gather [hbm4b:s2+s14], $0x80, s25, s14, $0xb8;
	[tilespmem:$0x1D800] =	vst v63  }
0x155: {  	_ =	swait.ge [sflag:s17], $0x4000  }
0x156: {  	[sflag:s17] =	ssyncset.done $0x0  }
0x157: {  	[sflag:s17] =	ssyncadd.s32 $0xFFFFC000  }
0x158: {  	[spmem:s3] =	stream.indirect.scatter.add.f32 [tilespmem:s15], [sflag:$0x4], $0x80, s26, s14, $0xb8;
	[tilespmem:$0x1D800] =	vst v63  }
0x159: {  	_ =	swait.ge [sflag:s12], $0x4000  }
0x15a: {  	[sflag:s12] =	ssyncset.done $0x0  }
0x15b: {  	[sflag:s12] =	ssyncadd.s32 $0xFFFFC000  }
0x15c: {  	[tilespmem:s15], [sflag:$0x2] =	stream.indirect.gather [hbm4b:s2+s14], $0x80, s28, s14, $0xb8;
	[tilespmem:$0x1D800] =	vst v63  }
0x15d: {  	_ =	swait.ge [sflag:s18], $0x4000  }
0x15e: {  	[sflag:s18] =	ssyncset.done $0x0  }
0x15f: {  	[sflag:s18] =	ssyncadd.s32 $0xFFFFC000  }
0x160: {  	[spmem:s3] =	stream.indirect.scatter.add.f32 [tilespmem:s16], [sflag:$0x4], $0x80, s29, s14, $0xb8;
	[tilespmem:$0x1D800] =	vst v63  }
0x161: {  	_ =	swait.ge [sflag:s12], $0x4000  }
0x162: {  	[sflag:s12] =	ssyncset.done $0x0  }
0x163: {  	[sflag:s12] =	ssyncadd.s32 $0xFFFFC000  }
0x164: {  	[tilespmem:s16], [sflag:$0x3] =	stream.indirect.gather [hbm4b:s2+s14], $0x80, s30, s14, $0xb8;
	[tilespmem:$0x1D800] =	vst v63  }
0x165: {  	_ =	swait.ge [sflag:s17], $0x4000  }
0x166: {  	[sflag:s17] =	ssyncset.done $0x0  }
0x167: {  	[sflag:s17] =	ssyncadd.s32 $0xFFFFC000  }
0x168: {  	[spmem:s3] =	stream.indirect.scatter.add.f32 [tilespmem:s15], [sflag:$0x4], $0x80, s31, s14, $0xb8;
	[tilespmem:$0x1D800] =	vst v63  }
0x169: {  	_ =	swait.ge [sflag:s12], $0x4000  }
0x16a: {  	[sflag:s12] =	ssyncset.done $0x0  }
0x16b: {  	[sflag:s12] =	ssyncadd.s32 $0xFFFFC000  }
0x16c: {  	[tilespmem:s15], [sflag:$0x2] =	stream.indirect.gather [hbm4b:s2+s14], $0x80, s1, s14, $0xb8;
	[tilespmem:$0x1D800] =	vst v63  }
0x16d: {  	_ =	swait.ge [sflag:s18], $0x4000  }
0x16e: {  	[sflag:s18] =	ssyncset.done $0x0  }
0x16f: {  	[sflag:s18] =	ssyncadd.s32 $0xFFFFC000  }
0x170: {  	[spmem:s3] =	stream.indirect.scatter.add.f32 [tilespmem:s16], [sflag:$0x4], $0x80, s0, s14, $0xb8;
	[tilespmem:$0x1D800] =	vst v63  }
0x171: {  	_ =	swait.ge [sflag:s12], $0x4000  }
0x172: {  	[sflag:s12] =	ssyncset.done $0x0  }
0x173: {  	[sflag:s12] =	ssyncadd.s32 $0xFFFFC000  }
0x174: {  	[tilespmem:s16], [sflag:$0x3] =	stream.indirect.gather [hbm4b:s2+s14], $0x80, s5, s14, $0xb8;
	[tilespmem:$0x1D800] =	vst v63  }
0x175: {  	_ =	swait.ge [sflag:s17], $0x4000  }
0x176: {  	[sflag:s17] =	ssyncset.done $0x0  }
0x177: {  	[sflag:s17] =	ssyncadd.s32 $0xFFFFC000  }
0x178: {  	[spmem:s3] =	stream.indirect.scatter.add.f32 [tilespmem:s15], [sflag:$0x4], $0x80, s7, s14, $0xb8;
	[tilespmem:$0x1D800] =	vst v63  }
0x179: {  	_ =	swait.ge [sflag:s12], $0x4000  }
0x17a: {  	[sflag:s12] =	ssyncset.done $0x0  }
0x17b: {  	[sflag:s12] =	ssyncadd.s32 $0xFFFFC000  }
0x17c: {  	p0 =	sne.s32 s11, $0x480;
	_ =	swait.ge [sflag:s18], $0x4000  }
.Ltmp0:
0x17d: {  	[sflag:s18] =	ssyncset.done $0x0;
	(pc) =	sbr.rel @p0 .LBB2_2-.Ltmp0, $4  }
0x17e: {  	[sflag:s18] =	ssyncadd.s32 $0xFFFFC000  }
0x17f: {  	[spmem:s3] =	stream.indirect.scatter.add.f32 [tilespmem:s16], [sflag:$0x4], $0x80, s8, s14, $0xb8;
	[tilespmem:$0x1D800] =	vst v63  }
0x180: {  	s9 =	smov.u32 s11;
	s11 =	sadd.s32 $0x180, s11;
	_ =	swait.ge [sflag:s12], $0x4000  }
0x181: {  	s6 =	smov.u32 s9;
	s10 =	rddreg [dreg:$0x5];
	[sflag:s12] =	ssyncset.done $0x0  }
0x182: {  	[sflag:s12] =	ssyncadd.s32 $0xFFFFC000;
	s9 =	sadd.s32 s6, s10  }
0x183: {  	[tilespmem:s4], [sflag:$0x4] =	stream.linear.gather [hbm4b:s9+s4], $0xA00, $0x38;
	[tilespmem:$0x1D800] =	vst v63  }
0x184: {  	_ =	swait.ge [sflag:s12], $0xA00  }
0x185: {  	s11 =	rddreg [dreg:$0x4];
	[sflag:s12] =	ssyncset.done $0x0  }
0x186: {  	s10 =	sadd.s32 s6, s11;
	[sflag:s12] =	ssyncadd.s32 $0xFFFFF600  }
0x187: {  	[tilespmem:s13], [sflag:$0x4] =	stream.linear.gather [hbm4b:s10+s4], $0xA00, $0x38;
	[tilespmem:$0x1D800] =	vst v63  }
0x188: {  	_ =	swait.ge [sflag:s12], $0xA00  }
0x189: {  	[sflag:s12] =	ssyncset.done $0x0  }
0x18a: {  	[sflag:s12] =	ssyncadd.s32 $0xFFFFF600  }
0x18b: {  	[tilespmem:s15], [sflag:$0x2] =	stream.indirect.gather [hbm4b:s2+s14], $0x80, s4, s14, $0xb8;
	[tilespmem:$0x1D800] =	vst v63  }
0x18c: {  	_ = 	snop  }
0x18d: {  	[tilespmem:s16], [sflag:$0x3] =	stream.indirect.gather [hbm4b:s2+s14], $0x80, s14, s14, $0xb8;
	[tilespmem:$0x1D800] =	vst v63  }
0x18e: {  	_ =	swait.ge [sflag:s17], $0x4000  }
0x18f: {  	[sflag:s17] =	ssyncset.done $0x0  }
0x190: {  	[sflag:s17] =	ssyncadd.s32 $0xFFFFC000  }
0x191: {  	[spmem:s3] =	stream.indirect.scatter.add.f32 [tilespmem:s15], [sflag:$0x4], $0x80, s13, s14, $0xb8;
	[tilespmem:$0x1D800] =	vst v63  }
0x192: {  	_ =	swait.ge [sflag:s12], $0x4000  }
0x193: {  	[sflag:s12] =	ssyncset.done $0x0  }
0x194: {  	s11 =	rddreg [dreg:$0x6];
	[sflag:s12] =	ssyncadd.s32 $0xFFFFC000  }
0x195: {  	[tilespmem:s15], [sflag:$0x2] =	stream.indirect.gather [hbm4b:s2+s14], $0x80, s11, s14, $0xb8;
	[tilespmem:$0x1D800] =	vst v63  }
0x196: {  	_ =	swait.ge [sflag:s18], $0x4000  }
0x197: {  	[sflag:s18] =	ssyncset.done $0x0  }
0x198: {  	s9 =	rddreg [dreg:$0x7];
	[sflag:s18] =	ssyncadd.s32 $0xFFFFC000  }
0x199: {  	[spmem:s3] =	stream.indirect.scatter.add.f32 [tilespmem:s16], [sflag:$0x4], $0x80, s9, s14, $0xb8;
	[tilespmem:$0x1D800] =	vst v63  }
0x19a: {  	_ =	swait.ge [sflag:s12], $0x4000  }
0x19b: {  	[sflag:s12] =	ssyncset.done $0x0  }
0x19c: {  	s10 =	rddreg [dreg:$0x8];
	[sflag:s12] =	ssyncadd.s32 $0xFFFFC000  }
0x19d: {  	[tilespmem:s16], [sflag:$0x3] =	stream.indirect.gather [hbm4b:s2+s14], $0x80, s10, s14, $0xb8;
	[tilespmem:$0x1D800] =	vst v63  }
0x19e: {  	_ =	swait.ge [sflag:s17], $0x4000  }
0x19f: {  	[sflag:s17] =	ssyncset.done $0x0  }
0x1a0: {  	s11 =	rddreg [dreg:$0x9];
	[sflag:s17] =	ssyncadd.s32 $0xFFFFC000  }
0x1a1: {  	[spmem:s3] =	stream.indirect.scatter.add.f32 [tilespmem:s15], [sflag:$0x4], $0x80, s11, s14, $0xb8;
	[tilespmem:$0x1D800] =	vst v63  }
0x1a2: {  	_ =	swait.ge [sflag:s12], $0x4000  }
0x1a3: {  	[sflag:s12] =	ssyncset.done $0x0  }
0x1a4: {  	s9 =	rddreg [dreg:$0xa];
	[sflag:s12] =	ssyncadd.s32 $0xFFFFC000  }
0x1a5: {  	[tilespmem:s15], [sflag:$0x2] =	stream.indirect.gather [hbm4b:s2+s14], $0x80, s9, s14, $0xb8;
	[tilespmem:$0x1D800] =	vst v63  }
0x1a6: {  	_ =	swait.ge [sflag:s18], $0x4000  }
0x1a7: {  	[sflag:s18] =	ssyncset.done $0x0  }
0x1a8: {  	s10 =	rddreg [dreg:$0xb];
	[sflag:s18] =	ssyncadd.s32 $0xFFFFC000  }
0x1a9: {  	[spmem:s3] =	stream.indirect.scatter.add.f32 [tilespmem:s16], [sflag:$0x4], $0x80, s10, s14, $0xb8;
	[tilespmem:$0x1D800] =	vst v63  }
0x1aa: {  	_ =	swait.ge [sflag:s12], $0x4000  }
0x1ab: {  	[sflag:s12] =	ssyncset.done $0x0  }
0x1ac: {  	s11 =	rddreg [dreg:$0xc];
	[sflag:s12] =	ssyncadd.s32 $0xFFFFC000  }
0x1ad: {  	[tilespmem:s16], [sflag:$0x3] =	stream.indirect.gather [hbm4b:s2+s14], $0x80, s11, s14, $0xb8;
	[tilespmem:$0x1D800] =	vst v63  }
0x1ae: {  	_ =	swait.ge [sflag:s17], $0x4000  }
0x1af: {  	[sflag:s17] =	ssyncset.done $0x0  }
0x1b0: {  	s9 =	rddreg [dreg:$0xd];
	[sflag:s17] =	ssyncadd.s32 $0xFFFFC000  }
0x1b1: {  	[spmem:s3] =	stream.indirect.scatter.add.f32 [tilespmem:s15], [sflag:$0x4], $0x80, s9, s14, $0xb8;
	[tilespmem:$0x1D800] =	vst v63  }
0x1b2: {  	_ =	swait.ge [sflag:s12], $0x4000  }
0x1b3: {  	[sflag:s12] =	ssyncset.done $0x0  }
0x1b4: {  	s10 =	rddreg [dreg:$0xe];
	[sflag:s12] =	ssyncadd.s32 $0xFFFFC000  }
0x1b5: {  	[tilespmem:s15], [sflag:$0x2] =	stream.indirect.gather [hbm4b:s2+s14], $0x80, s10, s14, $0xb8;
	[tilespmem:$0x1D800] =	vst v63  }
0x1b6: {  	_ =	swait.ge [sflag:s18], $0x4000  }
0x1b7: {  	[sflag:s18] =	ssyncset.done $0x0  }
0x1b8: {  	s11 =	rddreg [dreg:$0xf];
	[sflag:s18] =	ssyncadd.s32 $0xFFFFC000  }
0x1b9: {  	[spmem:s3] =	stream.indirect.scatter.add.f32 [tilespmem:s16], [sflag:$0x4], $0x80, s11, s14, $0xb8;
	[tilespmem:$0x1D800] =	vst v63  }
0x1ba: {  	_ =	swait.ge [sflag:s12], $0x4000  }
0x1bb: {  	[sflag:s12] =	ssyncset.done $0x0  }
0x1bc: {  	s9 =	rddreg [dreg:$0x10];
	[sflag:s12] =	ssyncadd.s32 $0xFFFFC000  }
0x1bd: {  	[tilespmem:s16], [sflag:$0x3] =	stream.indirect.gather [hbm4b:s2+s14], $0x80, s9, s14, $0xb8;
	[tilespmem:$0x1D800] =	vst v63  }
0x1be: {  	_ =	swait.ge [sflag:s17], $0x4000  }
0x1bf: {  	[sflag:s17] =	ssyncset.done $0x0  }
0x1c0: {  	s10 =	rddreg [dreg:$0x11];
	[sflag:s17] =	ssyncadd.s32 $0xFFFFC000  }
0x1c1: {  	[spmem:s3] =	stream.indirect.scatter.add.f32 [tilespmem:s15], [sflag:$0x4], $0x80, s10, s14, $0xb8;
	[tilespmem:$0x1D800] =	vst v63  }
0x1c2: {  	_ =	swait.ge [sflag:s12], $0x4000  }
0x1c3: {  	[sflag:s12] =	ssyncset.done $0x0  }
0x1c4: {  	s11 =	rddreg [dreg:$0x12];
	[sflag:s12] =	ssyncadd.s32 $0xFFFFC000  }
0x1c5: {  	[tilespmem:s15], [sflag:$0x2] =	stream.indirect.gather [hbm4b:s2+s14], $0x80, s11, s14, $0xb8;
	[tilespmem:$0x1D800] =	vst v63  }
0x1c6: {  	_ =	swait.ge [sflag:s18], $0x4000  }
0x1c7: {  	[sflag:s18] =	ssyncset.done $0x0  }
0x1c8: {  	s9 =	rddreg [dreg:$0x13];
	[sflag:s18] =	ssyncadd.s32 $0xFFFFC000  }
0x1c9: {  	[spmem:s3] =	stream.indirect.scatter.add.f32 [tilespmem:s16], [sflag:$0x4], $0x80, s9, s14, $0xb8;
	[tilespmem:$0x1D800] =	vst v63  }
0x1ca: {  	_ =	swait.ge [sflag:s12], $0x4000  }
0x1cb: {  	[sflag:s12] =	ssyncset.done $0x0  }
0x1cc: {  	s10 =	rddreg [dreg:$0x14];
	[sflag:s12] =	ssyncadd.s32 $0xFFFFC000  }
0x1cd: {  	[tilespmem:s16], [sflag:$0x3] =	stream.indirect.gather [hbm4b:s2+s14], $0x80, s10, s14, $0xb8;
	[tilespmem:$0x1D800] =	vst v63  }
0x1ce: {  	_ =	swait.ge [sflag:s17], $0x4000  }
0x1cf: {  	[sflag:s17] =	ssyncset.done $0x0  }
0x1d0: {  	s11 =	rddreg [dreg:$0x15];
	[sflag:s17] =	ssyncadd.s32 $0xFFFFC000  }
0x1d1: {  	[spmem:s3] =	stream.indirect.scatter.add.f32 [tilespmem:s15], [sflag:$0x4], $0x80, s11, s14, $0xb8;
	[tilespmem:$0x1D800] =	vst v63  }
0x1d2: {  	_ =	swait.ge [sflag:s12], $0x4000  }
0x1d3: {  	[sflag:s12] =	ssyncset.done $0x0  }
0x1d4: {  	s9 =	rddreg [dreg:$0x16];
	[sflag:s12] =	ssyncadd.s32 $0xFFFFC000  }
0x1d5: {  	[tilespmem:s15], [sflag:$0x2] =	stream.indirect.gather [hbm4b:s2+s14], $0x80, s9, s14, $0xb8;
	[tilespmem:$0x1D800] =	vst v63  }
0x1d6: {  	_ =	swait.ge [sflag:s18], $0x4000  }
0x1d7: {  	[sflag:s18] =	ssyncset.done $0x0  }
0x1d8: {  	s10 =	rddreg [dreg:$0x17];
	[sflag:s18] =	ssyncadd.s32 $0xFFFFC000  }
0x1d9: {  	[spmem:s3] =	stream.indirect.scatter.add.f32 [tilespmem:s16], [sflag:$0x4], $0x80, s10, s14, $0xb8;
	[tilespmem:$0x1D800] =	vst v63  }
0x1da: {  	_ =	swait.ge [sflag:s12], $0x4000  }
0x1db: {  	[sflag:s12] =	ssyncset.done $0x0  }
0x1dc: {  	s11 =	rddreg [dreg:$0x18];
	[sflag:s12] =	ssyncadd.s32 $0xFFFFC000  }
0x1dd: {  	[tilespmem:s16], [sflag:$0x3] =	stream.indirect.gather [hbm4b:s2+s14], $0x80, s11, s14, $0xb8;
	[tilespmem:$0x1D800] =	vst v63  }
0x1de: {  	_ =	swait.ge [sflag:s17], $0x4000  }
0x1df: {  	[sflag:s17] =	ssyncset.done $0x0  }
0x1e0: {  	s9 =	rddreg [dreg:$0x19];
	[sflag:s17] =	ssyncadd.s32 $0xFFFFC000  }
0x1e1: {  	[spmem:s3] =	stream.indirect.scatter.add.f32 [tilespmem:s15], [sflag:$0x4], $0x80, s9, s14, $0xb8;
	[tilespmem:$0x1D800] =	vst v63  }
0x1e2: {  	_ =	swait.ge [sflag:s12], $0x4000  }
0x1e3: {  	[sflag:s12] =	ssyncset.done $0x0  }
0x1e4: {  	[sflag:s12] =	ssyncadd.s32 $0xFFFFC000  }
0x1e5: {  	[tilespmem:s15], [sflag:$0x2] =	stream.indirect.gather [hbm4b:s2+s14], $0x80, s19, s14, $0xb8;
	[tilespmem:$0x1D800] =	vst v63  }
0x1e6: {  	_ =	swait.ge [sflag:s18], $0x4000  }
0x1e7: {  	[sflag:s18] =	ssyncset.done $0x0  }
0x1e8: {  	[sflag:s18] =	ssyncadd.s32 $0xFFFFC000  }
0x1e9: {  	[spmem:s3] =	stream.indirect.scatter.add.f32 [tilespmem:s16], [sflag:$0x4], $0x80, s20, s14, $0xb8;
	[tilespmem:$0x1D800] =	vst v63  }
0x1ea: {  	_ =	swait.ge [sflag:s12], $0x4000  }
0x1eb: {  	[sflag:s12] =	ssyncset.done $0x0  }
0x1ec: {  	[sflag:s12] =	ssyncadd.s32 $0xFFFFC000  }
0x1ed: {  	[tilespmem:s16], [sflag:$0x3] =	stream.indirect.gather [hbm4b:s2+s14], $0x80, s21, s14, $0xb8;
	[tilespmem:$0x1D800] =	vst v63  }
0x1ee: {  	_ =	swait.ge [sflag:s17], $0x4000  }
0x1ef: {  	[sflag:s17] =	ssyncset.done $0x0  }
0x1f0: {  	[sflag:s17] =	ssyncadd.s32 $0xFFFFC000  }
0x1f1: {  	[spmem:s3] =	stream.indirect.scatter.add.f32 [tilespmem:s15], [sflag:$0x4], $0x80, s22, s14, $0xb8;
	[tilespmem:$0x1D800] =	vst v63  }
0x1f2: {  	_ =	swait.ge [sflag:s12], $0x4000  }
0x1f3: {  	[sflag:s12] =	ssyncset.done $0x0  }
0x1f4: {  	[sflag:s12] =	ssyncadd.s32 $0xFFFFC000  }
0x1f5: {  	[tilespmem:s15], [sflag:$0x2] =	stream.indirect.gather [hbm4b:s2+s14], $0x80, s23, s14, $0xb8;
	[tilespmem:$0x1D800] =	vst v63  }
0x1f6: {  	_ =	swait.ge [sflag:s18], $0x4000  }
0x1f7: {  	[sflag:s18] =	ssyncset.done $0x0  }
0x1f8: {  	[sflag:s18] =	ssyncadd.s32 $0xFFFFC000  }
0x1f9: {  	[spmem:s3] =	stream.indirect.scatter.add.f32 [tilespmem:s16], [sflag:$0x4], $0x80, s24, s14, $0xb8;
	[tilespmem:$0x1D800] =	vst v63  }
0x1fa: {  	_ =	swait.ge [sflag:s12], $0x4000  }
0x1fb: {  	[sflag:s12] =	ssyncset.done $0x0  }
0x1fc: {  	[sflag:s12] =	ssyncadd.s32 $0xFFFFC000  }
0x1fd: {  	[tilespmem:s16], [sflag:$0x3] =	stream.indirect.gather [hbm4b:s2+s14], $0x80, s25, s14, $0xb8;
	[tilespmem:$0x1D800] =	vst v63  }
0x1fe: {  	_ =	swait.ge [sflag:s17], $0x4000  }
0x1ff: {  	[sflag:s17] =	ssyncset.done $0x0  }
0x200: {  	[sflag:s17] =	ssyncadd.s32 $0xFFFFC000  }
0x201: {  	[spmem:s3] =	stream.indirect.scatter.add.f32 [tilespmem:s15], [sflag:$0x4], $0x80, s26, s14, $0xb8;
	[tilespmem:$0x1D800] =	vst v63  }
0x202: {  	_ =	swait.ge [sflag:s12], $0x4000  }
0x203: {  	[sflag:s12] =	ssyncset.done $0x0  }
0x204: {  	[sflag:s12] =	ssyncadd.s32 $0xFFFFC000  }
0x205: {  	[tilespmem:s15], [sflag:$0x2] =	stream.indirect.gather [hbm4b:s2+s14], $0x80, s28, s14, $0xb8;
	[tilespmem:$0x1D800] =	vst v63  }
0x206: {  	_ =	swait.ge [sflag:s18], $0x4000  }
0x207: {  	[sflag:s18] =	ssyncset.done $0x0  }
0x208: {  	[sflag:s18] =	ssyncadd.s32 $0xFFFFC000  }
0x209: {  	[spmem:s3] =	stream.indirect.scatter.add.f32 [tilespmem:s16], [sflag:$0x4], $0x80, s29, s14, $0xb8;
	[tilespmem:$0x1D800] =	vst v63  }
0x20a: {  	_ =	swait.ge [sflag:s12], $0x4000  }
0x20b: {  	[sflag:s12] =	ssyncset.done $0x0  }
0x20c: {  	[sflag:s12] =	ssyncadd.s32 $0xFFFFC000  }
0x20d: {  	[tilespmem:s16], [sflag:$0x3] =	stream.indirect.gather [hbm4b:s2+s14], $0x80, s30, s14, $0xb8;
	[tilespmem:$0x1D800] =	vst v63  }
0x20e: {  	_ =	swait.ge [sflag:s17], $0x4000  }
0x20f: {  	[sflag:s17] =	ssyncset.done $0x0  }
0x210: {  	[sflag:s17] =	ssyncadd.s32 $0xFFFFC000  }
0x211: {  	[spmem:s3] =	stream.indirect.scatter.add.f32 [tilespmem:s15], [sflag:$0x4], $0x80, s31, s14, $0xb8;
	[tilespmem:$0x1D800] =	vst v63  }
0x212: {  	_ =	swait.ge [sflag:s12], $0x4000  }
0x213: {  	[sflag:s12] =	ssyncset.done $0x0  }
0x214: {  	[sflag:s12] =	ssyncadd.s32 $0xFFFFC000  }
0x215: {  	[tilespmem:s15], [sflag:$0x2] =	stream.indirect.gather [hbm4b:s2+s14], $0x80, s1, s14, $0xb8;
	[tilespmem:$0x1D800] =	vst v63  }
0x216: {  	_ =	swait.ge [sflag:s18], $0x4000  }
0x217: {  	[sflag:s18] =	ssyncset.done $0x0  }
0x218: {  	[sflag:s18] =	ssyncadd.s32 $0xFFFFC000  }
0x219: {  	[spmem:s3] =	stream.indirect.scatter.add.f32 [tilespmem:s16], [sflag:$0x4], $0x80, s0, s14, $0xb8;
	[tilespmem:$0x1D800] =	vst v63  }
0x21a: {  	_ =	swait.ge [sflag:s12], $0x4000  }
0x21b: {  	[sflag:s12] =	ssyncset.done $0x0  }
0x21c: {  	[sflag:s12] =	ssyncadd.s32 $0xFFFFC000  }
0x21d: {  	[tilespmem:s16], [sflag:$0x3] =	stream.indirect.gather [hbm4b:s2+s14], $0x80, s5, s14, $0xb8;
	[tilespmem:$0x1D800] =	vst v63  }
0x21e: {  	_ =	swait.ge [sflag:s17], $0x4000  }
0x21f: {  	[sflag:s17] =	ssyncset.done $0x0  }
0x220: {  	[sflag:s17] =	ssyncadd.s32 $0xFFFFC000  }
0x221: {  	[spmem:s3] =	stream.indirect.scatter.add.f32 [tilespmem:s15], [sflag:$0x4], $0x80, s7, s14, $0xb8;
	[tilespmem:$0x1D800] =	vst v63  }
0x222: {  	_ =	swait.ge [sflag:s12], $0x4000  }
0x223: {  	[sflag:s12] =	ssyncset.done $0x0  }
0x224: {  	[sflag:s12] =	ssyncadd.s32 $0xFFFFC000  }
0x225: {  	_ =	swait.ge [sflag:s18], $0x4000  }
0x226: {  	[sflag:s18] =	ssyncset.done $0x0  }
0x227: {  	[sflag:s18] =	ssyncadd.s32 $0xFFFFC000  }
0x228: {  	[spmem:s3] =	stream.indirect.scatter.add.f32 [tilespmem:s16], [sflag:$0x4], $0x80, s8, s14, $0xb8;
	[tilespmem:$0x1D800] =	vst v63  }
0x229: {  	_ =	swait.ge [sflag:s12], $0x4000  }
0x22a: {  	[sflag:s12] =	ssyncset.done $0x0  }
0x22b: {  	[sflag:s12] =	ssyncadd.s32 $0xFFFFC000  }
0x22c: {  	[bflag:$0x0] =	sbarrier.arrive $0xFFFF  }
0x22d: {  	s10 =	rddreg [dreg:$0x1b]  }
0x22e: {  	s11 =	rddreg [dreg:$0x1d]  }
0x22f: {  	s6 =	sor.u32 $0x1C04, s10;
	s10 =	rddreg [dreg:$0x1f]  }
0x230: {  	[hbm:s11], [sflag:s6] =	dma.local [spmem:s10], $0x2800  }
0x231: {  	_ =	swait.ge [sflag:s12], $0x2800  }
0x232: {  	s6 =	sld [smem:$0x7FD];
	_ =	sdelay $0x2  }
0x233: {  	s11 =	rddreg [dreg:$0x1e];
	s9 =	sadd.s32 $0x1, s6  }
0x234: {  	p0 =	sne.s32 s9, s11  }
.Ltmp1:
0x235: {  	_ = 	snop;
	(pc) =	sbr.rel @p0 .LBB2_1-.Ltmp1, $3  }
0x236: {  	_ =	sdelay $0x1  }
0x237: {  	[sflag:s12] =	ssyncset.done $0x0  }
0x238: {  	[sflag:s12] =	ssyncadd.s32 $0xFFFFD800  }
0x239: {  	_ =	sfence.sel $0x180000  }
0x23a: {  	[bflag:$0x0] =	sbarrier.arrive $0xFFFF  }
0x23b: {  	_ =	strace $0x90000047  }
0x23c: {  	s0 =	stileid.u32;
	[bflag:$0x2] =	sbarrier.arrive $0xFFFF  }
0x23d: {  	p0 =	sne.s32 s0, $0x0;
	s0 =	rddreg [dreg:$0x3]  }
0x23e: {  	s0 =	sadd.s32 @!p0 $0x100000, s0  }
0x23f: {  	[sflag:s0] =	ssyncadd.tile.s32 @!p0 $0x1;
	_ =	shalt  }
.Lfunc_end2:
_tile_overlayer_lowered:
.L_overlay_start_2:
0x240: {  	(tag) =	ssettag $0x2  }
0x241: {  	s0 =	rddreg [dreg:$0x0];
	s2 =	stileid.u32  }
0x242: {  	s1 =	rddreg [dreg:$0x1];
	p0 =	sne.s32 s2, $0x0  }
0x243: {  	s3 =	rddreg [dreg:$0x2];
	[bflag:$0x3] =	sbarrier.arrive $0xFFFF;
	s2 =	simm.s32 @!p0 $0x1C04  }
0x244: {  	[timem:s3], [sflag:s2] =	dma.local @!p0 [hbm:s0], s1  }
0x245: {  	s0 =	simm.s32 @!p0 $0x4  }
0x246: {  	_ =	swait.ge @!p0 [sflag:s0], s1  }
0x247: {  	s1 =	ssub.s32 @!p0 $0x0, s1;
	[sflag:s0] =	ssyncset.done @!p0 $0x0  }
0x248: {  	[sflag:s0] =	ssyncadd.s32 @!p0 s1  }
0x249: {  	[bflag:$0x3] =	sbarrier.arrive $0xFFFF  }
0x24a: {  	_ =	shalt  }

// kernel: kernel.14.cloned.1.call-start
scs
__scs_entry_jumppad:
0x0: {  	(pc) =	sbr.rel $0x88, $3  }
0x1: {  	(tag) =	ssettag $0x0;
	lr =	simm.s32 $0x1  }
0x2: {  	[smem:$0x3F94] =	sst lr;
	_ =	strace $0xD0000000  }
0x3: {  	_ = 	snop  }
0x4: {  	_ = 	snop  }
0x5: {  	_ = 	snop  }
0x6: {  	_ = 	snop  }
0x7: {  	_ = 	snop  }
__scs_overlays_trampoline_lowered:
0x8: {  	[smem:$0x3FA3] =	sst s0  }
0x9: {  	[smem:$0x3FA4] =	sst s1  }
0xa: {  	[smem:$0x3FA5] =	sst s2  }
0xb: {  	[smem:$0x3FA6] =	sst s3  }
0xc: {  	[smem:$0x3FA7] =	sst s4  }
0xd: {  	[smem:$0x3FA8] =	sst s5  }
0xe: {  	[smem:$0x3FA9] =	sst s6  }
0xf: {  	[smem:$0x3FAA] =	sst s7  }
0x10: {  	[smem:$0x3FAB] =	sst s8  }
0x11: {  	[smem:$0x3FAC] =	sst s9;
	s0 =	simm.s32 @!p0 $0x0  }
0x12: {  	s1 =	sld [smem:$0x3F92];
	s0 =	simm.s32 @p0 $0x1  }
0x13: {  	[smem:$0x3FAD] =	sst s0;
	s0 =	simm.s32 @!p1 $0x0  }
0x14: {  	s2 =	sld [smem:$0x3F91];
	s0 =	simm.s32 @p1 $0x1  }
0x15: {  	[smem:$0x3FAE] =	sst s0;
	s0 =	simm.s32 @!p2 $0x0  }
0x16: {  	s3 =	sld [smem:$0x3FDB];
	s0 =	simm.s32 @p2 $0x1  }
0x17: {  	s4 =	simm.s32 $0x1BF5;
	[smem:$0x3FB0] =	sst s0  }
0x18: {  	s0 =	sld [smem:$0x3F93];
	_ =	swait.ge [sflag:s4], $0x0  }
0x19: {  	s7 =	sld [smem:$0x3F94]  }
0x1a: {  	s8 =	sadd.s32 $0xFFFFE003, lr  }
0x1b: {  	s9 =	sadd.s32 $0xFFFFFEF7, lr;
	s5 =	simm.s32 $0xFFFFFFFF;
	p2 =	slt.u32 s8, $0xFFFFF086  }
0x1c: {  	p1 =	slt.u32 s9, $0xF7A;
	s5 =	simm.s32 @!p2 $0x0  }
0x1d: {  	s5 =	simm.s32 @p1 $0x1;
	p0 =	seq.s32 s7, s2  }
0x1e: {  	s7 =	smul.u32 @!p0 $0xF7A, s2;
	p2 =	seq.s32 @!p0 s5, $0x0  }
0x1f: {  	s9 =	smul.u32 $0xF7A, s1;
	s8 =	simm.s32 @!p0 $0x1BF5;
	p2 =	por !p2, p0  }
0x20: {  	[sflag:s8] =	ssyncset.s32 @!p0 $0xFFFFF086;
	s6 =	sadd.s32 @!p0 s3, s7;
	s7 =	simm.s32 @!p0 $0x108  }
0x21: {  	s3 =	sadd.s32 s3, s9;
	s6 =	sadd.s32 @!p0 $0x88, s6;
	s7 =	simm.s32 @p2 $0x1082  }
0x22: {  	[simem:s7], [sflag:s8] =	dma.local @!p0 [hbm:s6], $0xF7A  }
0x23: {  	s9 =	sor.u32 $0xD0000000, s2;
	s6 =	simm.s32 $0x108;
	_ =	swait.ge @!p0 [sflag:s8], $0x0  }
0x24: {  	s3 =	sadd.s32 $0x88, s3;
	s6 =	simm.s32 @!p1 $0x1082;
	[sflag:s4] =	ssyncset.s32 $0xFFFFF086  }
0x25: {  	[simem:s6], [sflag:s4] =	dma.local [hbm:s3], $0xF7A  }
0x26: {  	[smem:$0x3F94] =	sst s1;
	(tag) =	ssettag s2;
	_ =	strace s9  }
0x27: {  	s1 =	sld [smem:$0x3FA4]  }
0x28: {  	s2 =	sld [smem:$0x3FA5]  }
0x29: {  	s4 =	sld [smem:$0x3FA7]  }
0x2a: {  	p0 =	seq.s32 s5, $0x0;
	s5 =	sld [smem:$0x3FA8]  }
0x2b: {  	s6 =	sld [smem:$0x3FA9]  }
0x2c: {  	s7 =	sld [smem:$0x3FAA]  }
0x2d: {  	s3 =	simm.s32 $0x108;
	s8 =	sld [smem:$0x3FAB]  }
0x2e: {  	s3 =	simm.s32 @!p0 $0x1082;
	s9 =	sld [smem:$0x3FAC]  }
0x2f: {  	lr =	sadd.s32 s0, s3;
	s0 =	sld [smem:$0x3FA3]  }
0x30: {  	s3 =	sld [smem:$0x3FA6]  }
0x31: {  	[smem:$0x3FAF] =	sst s10  }
0x32: {  	s10 =	sld [smem:$0x3FAD];
	_ =	sdelay $0x3  }
0x33: {  	p0 =	seq.s32 s10, $0x1;
	s10 =	sld [smem:$0x3FAF];
	_ =	sdelay $0x3  }
0x34: {  	[smem:$0x3FAF] =	sst s10  }
0x35: {  	s10 =	sld [smem:$0x3FAE];
	_ =	sdelay $0x3  }
0x36: {  	p1 =	seq.s32 s10, $0x1;
	s10 =	sld [smem:$0x3FAF];
	_ =	sdelay $0x3  }
0x37: {  	[smem:$0x3FAF] =	sst s10  }
0x38: {  	s10 =	sld [smem:$0x3FB0]  }
0x39: {  	_ = 	snop;
	(pc) =	sbr.ind lr, $3  }
0x3a: {  	_ = 	snop  }
0x3b: {  	_ = 	snop  }
0x3c: {  	p2 =	seq.s32 s10, $0x1;
	s10 =	sld [smem:$0x3FAF]  }
0x3d: {  	_ =	shalt  }
0x3e: {  	_ =	shalt  }
0x3f: {  	_ =	shalt  }
0x40: {  	_ =	shalt  }
0x41: {  	_ =	shalt  }
0x42: {  	_ =	shalt  }
0x43: {  	_ =	shalt  }
0x44: {  	_ =	shalt  }
0x45: {  	_ =	shalt  }
0x46: {  	_ =	shalt  }
0x47: {  	_ =	shalt  }
0x48: {  	_ =	shalt  }
0x49: {  	_ =	shalt  }
0x4a: {  	_ =	shalt  }
0x4b: {  	_ =	shalt  }
0x4c: {  	_ =	shalt  }
0x4d: {  	_ =	shalt  }
0x4e: {  	_ =	shalt  }
0x4f: {  	_ =	shalt  }
0x50: {  	_ =	shalt  }
0x51: {  	_ =	shalt  }
0x52: {  	_ =	shalt  }
0x53: {  	_ =	shalt  }
0x54: {  	_ =	shalt  }
0x55: {  	_ =	shalt  }
0x56: {  	_ =	shalt  }
0x57: {  	_ =	shalt  }
0x58: {  	_ =	shalt  }
0x59: {  	_ =	shalt  }
0x5a: {  	_ =	shalt  }
0x5b: {  	_ =	shalt  }
0x5c: {  	_ =	shalt  }
0x5d: {  	_ =	shalt  }
0x5e: {  	_ =	shalt  }
0x5f: {  	_ =	shalt  }
0x60: {  	_ =	shalt  }
0x61: {  	_ =	shalt  }
0x62: {  	_ =	shalt  }
0x63: {  	_ =	shalt  }
0x64: {  	_ =	shalt  }
0x65: {  	_ =	shalt  }
0x66: {  	_ =	shalt  }
0x67: {  	_ =	shalt  }
0x68: {  	_ =	shalt  }
0x69: {  	_ =	shalt  }
0x6a: {  	_ =	shalt  }
0x6b: {  	_ =	shalt  }
0x6c: {  	_ =	shalt  }
0x6d: {  	_ =	shalt  }
0x6e: {  	_ =	shalt  }
0x6f: {  	_ =	shalt  }
0x70: {  	_ =	shalt  }
0x71: {  	_ =	shalt  }
0x72: {  	_ =	shalt  }
0x73: {  	_ =	shalt  }
0x74: {  	_ =	shalt  }
0x75: {  	_ =	shalt  }
0x76: {  	_ =	shalt  }
0x77: {  	_ =	shalt  }
0x78: {  	_ =	shalt  }
0x79: {  	_ =	shalt  }
0x7a: {  	_ =	shalt  }
0x7b: {  	_ =	shalt  }
0x7c: {  	_ =	shalt  }
0x7d: {  	_ =	shalt  }
0x7e: {  	_ =	shalt  }
0x7f: {  	_ =	shalt  }
0x80: {  	_ =	shalt  }
0x81: {  	_ =	shalt  }
0x82: {  	_ =	shalt  }
0x83: {  	_ =	shalt  }
0x84: {  	_ =	shalt  }
0x85: {  	_ =	shalt  }
0x86: {  	_ =	shalt  }
0x87: {  	_ =	shalt  }
.Lfunc_end0:
.L_simem_size_0:
called_computation.2_lowered:
.L_overlay_start_0:
0x88: {  	s2 =	sld [smem:$0x3FD9]  }
0x89: {  	s3 =	sld [smem:$0x3FFE];
	_ =	sdelay $0x1  }
0x8a: {  	s1 =	srdreg.scid  }
0x8b: {  	s0 =	sand.u32 $0x1, s1  }
0x8c: {  	s16 =	sshll.u32 s0, $0xA;
	s2 =	sadd.s32 s3, s2  }
0x8d: {  	s2 =	sadd.s32 s2, s16  }
0x8e: {  	[smem:$0x3FBB] =	sst s2  }
0x8f: {  	_ = 	snop  }
0x90: {  	(tm) =	ssettm $0x1  }
0x91: {  	s17 =	sld [smem:$0x3FFB];
	_ =	sdelay $0x3  }
0x92: {  	_ =	strace s17  }
0x93: {  	s2 =	sld [smem:$0x3FFC];
	_ =	sdelay $0x3  }
0x94: {  	_ =	strace s2  }
0x95: {  	s2 =	sld [smem:$0x3FFD];
	_ =	sdelay $0x3  }
0x96: {  	_ =	strace s2  }
0x97: {  	_ =	strace $0x8FFFFFFF  }
0x98: {  	s18 =	sld [smem:$0x3FDB];
	_ =	sdelay $0x1  }
0x99: {  	s19 =	simm.s32 $_scs_section_size  }
0x9a: {  	s4 =	simm.s32 $_size__tile_overlayer_lowered;
	s5 =	simm.s32 $_tile_overlayer_lowered  }
0x9b: {  	s22 =	simm.s32 $0x1BFF;
	s21 =	sshll.u32 s5, $0x1;
	s2 =	sadd.s32 s19, s18  }
0x9c: {  	s6 =	simm.s32 $0x0;
	s20 =	sshll.u32 s4, $0x1;
	s4 =	sadd.s32 s21, s2  }
0x9d: {  	[timem:s6], [sflag:s22] =	dma.local [hbm:s4], s20  }
0x9e: {  	_ =	swait.ge [sflag:s22], s20  }
0x9f: {  	s3 =	ssub.s32 $0x0, s20;
	[sflag:s22] =	ssyncset.done $0x0  }
0xa0: {  	[sflag:s22] =	ssyncadd.s32 s3;
	_ =	sdelay $0x1  }
0xa1: {  	s23 =	simm.s32 $0x1B8B  }
0xa2: {  	_ =	swait.ge [sflag:s23], $0x1  }
0xa3: {  	[sflag:s23] =	ssyncset.done $0x0  }
0xa4: {  	s25 =	simm.s32 $0x1B8E;
	s24 =	sld [smem:$0x3FFE];
	[sflag:s23] =	ssyncadd.s32 $0xFFFFFFFF  }
0xa5: {  	s26 =	simm.s32 $execute0_lowered;
	[smem:$0x3FD2] =	sst s25  }
0xa6: {  	s4 =	sshll.u32 s26, $0x1;
	_ =	strace $0x8000004C;
	[dreg:$0x1] =	wrdreg $0xFFFFFFFF  }
0xa7: {  	s28 =	simm.s32 $_size_execute0_lowered;
	s2 =	sadd.s32 s2, s4;
	[dreg:$0x0] =	wrdreg $0x0  }
0xa8: {  	s4 =	sshll.u32 s28, $0x1;
	[dreg:$0x2] =	wrdreg s2  }
0xa9: {  	[dreg:$0x3] =	wrdreg s4  }
0xaa: {  	[dreg:$0x4] =	wrdreg $0xC0  }
0xab: {  	_ =	task [dreg:s6], $0x5FFFF  }
0xac: {  	[dreg:$0x1] =	wrdreg $0xFFFFFFFF  }
0xad: {  	[dreg:$0x0] =	wrdreg $0x60  }
0xae: {  	[dreg:$0x2] =	wrdreg s24  }
0xaf: {  	[dreg:$0x3] =	wrdreg $0x98000  }
0xb0: {  	[dreg:$0x4] =	wrdreg $0x9  }
0xb1: {  	_ =	task.clear_ibuf [dreg:s6], $0x5FFFF;
	_ =	strace $0x9000004C  }
0xb2: {  	s29 =	simm.s32 $0x9;
	_ =	strace $0x8000004E  }
0xb3: {  	_ =	swait.ge [sflag:s29], $0x1  }
0xb4: {  	[sflag:s29] =	ssyncadd.s32 $0xFFFFFFFF  }
0xb5: {  	_ =	strace $0x9000004E  }
0xb6: {  	_ =	sfence  }
0xb7: {  	s30 =	sld [smem:$0x0];
	_ =	sdelay $0x2  }
0xb8: {  	s31 =	sshll.u32 s1, $0xD;
	s1 =	sshrl.u32 s1, $0x2  }
0xb9: {  	s3 =	sand.u32 $0x4000, s31;
	s1 =	sadd.s32 s1, s30  }
0xba: {  	s0 =	sor.u32 s3, s0;
	s1 =	sshll.u32 s1, $0x11  }
0xbb: {  	s0 =	sor.u32 s1, s0  }
0xbc: {  	s0 =	sadd.s32 $0x8F2B, s0  }
0xbd: {  	[sflag:s0] =	ssyncadd.remote.s32 $0x1  }
0xbe: {  	_ =	sfence.sel $0xFFFF  }
0xbf: {  	[dreg:$0x0] =	wrdreg $0xFFFFFFFF;
	(pc) =	sbr.abs _section_cstart, $3  }
0xc0: {  	[dreg:$0x1] =	wrdreg $0xFFFFFFFF  }
0xc1: {  	_ =	task.clear_ibuf [dreg:s6], $0x2FFFF;
	_ =	strace $0x9FFFFFFF  }
0xc2: {  	(tm) =	ssettm $0x7FFFFFFF  }
0xc3: {  	_ =	shalt  }
tec
execute0_lowered:
.L_overlay_start_1:
0x0: {  	(tag) =	ssettag $0x1  }
0x1: {  	s5 =	rddreg [dreg:$0x0]  }
0x2: {  	s2 =	rddreg [dreg:$0x1];
	s3 =	simm.s32 $0x0  }
0x3: {  	[smem:$0x7FF] =	sst s3;
	s10 =	sadd.s32 $0x1B200, s5  }
0x4: {  	s22 =	simm.s32 $0x100;
	_ =	strace $0x8000004D;
	[dreg:$0x19] =	wrdreg s10  }
0x5: {  	s23 =	simm.s32 $0xC80;
	[dreg:$0x5] =	wrdreg s22  }
0x6: {  	s0 =	srdreg.scid;
	s24 =	simm.s32 $0x180;
	[dreg:$0x6] =	wrdreg s23  }
0x7: {  	s9 =	stileid.u32;
	s25 =	simm.s32 $0xD00;
	[dreg:$0x7] =	wrdreg s24  }
0x8: {  	s11 =	simm.s32 $0x280;
	s13 =	simm.s32 $0xE00;
	[dreg:$0x8] =	wrdreg s25  }
0x9: {  	s14 =	simm.s32 $0x300;
	s16 =	simm.s32 $0xE80;
	[dreg:$0xb] =	wrdreg s11  }
0xa: {  	s17 =	simm.s32 $0x380;
	s18 =	simm.s32 $0xF00;
	[dreg:$0xc] =	wrdreg s13  }
0xb: {  	s19 =	simm.s32 $0x400;
	s15 =	sshll.u32 s9, $0x6;
	[dreg:$0xd] =	wrdreg s14  }
0xc: {  	s20 =	simm.s32 $0xF80;
	s21 =	simm.s32 $0x480;
	[dreg:$0x1a] =	wrdreg s15  }
0xd: {  	s28 =	simm.s32 $0x800;
	s29 =	simm.s32 $0x1380;
	[dreg:$0xe] =	wrdreg s16  }
0xe: {  	s30 =	simm.s32 $0x880;
	s4 =	smul.u32 $0x3000, s9;
	[dreg:$0xf] =	wrdreg s17  }
0xf: {  	s0 =	sand.u32 $0x1, s0;
	s7 =	smul.u32 $0x14000, s9;
	[dreg:$0x10] =	wrdreg s18  }
0x10: {  	s31 =	simm.s32 $0x1400;
	s1 =	smul.u32 $0x30000, s0;
	[dreg:$0x11] =	wrdreg s19  }
0x11: {  	s6 =	smul.u32 $0x140000, s0;
	s0 =	ssub.s32 $0x2, s0;
	[dreg:$0x12] =	wrdreg s20  }
0x12: {  	s10 =	simm.s32 $0xD80;
	[dreg:$0x13] =	wrdreg s21;
	s22 =	simm.s32 $0x1000  }
0x13: {  	s13 =	simm.s32 $0xC00;
	s23 =	simm.s32 $0x500;
	s14 =	simm.s32 $0x80  }
0x14: {  	s24 =	simm.s32 $0x1080;
	s25 =	simm.s32 $0x580;
	[dreg:$0xa] =	wrdreg s10  }
0x15: {  	s16 =	simm.s32 $0x5800;
	s17 =	simm.s32 $0x2;
	[dreg:$0x14] =	wrdreg s22  }
0x16: {  	s18 =	simm.s32 $0x3;
	s19 =	simm.s32 $0x600;
	[dreg:$0x15] =	wrdreg s23  }
0x17: {  	s20 =	simm.s32 $0x1180;
	s21 =	simm.s32 $0x680;
	[dreg:$0x16] =	wrdreg s24  }
0x18: {  	s26 =	sshrl.u32 s0, $0x1;
	[dreg:$0x17] =	wrdreg s25;
	s22 =	simm.s32 $0x1200  }
0x19: {  	s23 =	simm.s32 $0x700;
	s24 =	simm.s32 $0x1280;
	s25 =	simm.s32 $0x780  }
0x1a: {  	s1 =	sadd.s32 s4, s1;
	s4 =	sadd.s32 $0x1DA00, s5;
	s6 =	sadd.s32 s7, s6  }
0x1b: {  	s7 =	simm.s32 $0x200;
	s0 =	ssub.s32 s0, s26;
	s26 =	simm.s32 $0x1100  }
0x1c: {  	s1 =	sshrl.u32 s1, $0x3;
	s6 =	sshrl.u32 s6, $0x3;
	[dreg:$0x9] =	wrdreg s7  }
0x1d: {  	s7 =	sor.u32 $0x1C01, s15;
	s0 =	smax.u32 s0, $0x1;
	[dreg:$0x18] =	wrdreg s26  }
0x1e: {  	s15 =	simm.s32 $0x1800;
	s1 =	sadd.s32 s1, s5;
	[dreg:$0x1b] =	wrdreg s7  }
0x1f: {  	s26 =	simm.s32 $0x1300;
	[dreg:$0x1d] =	wrdreg s0;
	s8 =	sadd.s32 $0x3200, s1  }
0x20: {  	s5 =	sadd.s32 s6, s5;
	[dreg:$0x3] =	wrdreg s8;
	s8 =	smul.u32 $0x50000, s9  }
0x21: {  	s0 =	simm.s32 $0x1480;
	s7 =	simm.s32 $0x1500;
	s1 =	sadd.s32 $0xF200, s1  }
0x22: {  	s5 =	sadd.s32 $0x44C00, s5;
	[dreg:$0x4] =	wrdreg s1;
	s12 =	sshrl.u32 s8, $0x2  }
0x23: {  	[dreg:$0x1c] =	wrdreg s5;
	s1 =	simm.s32 $0x900;
	s6 =	sadd.s32 s12, s2  }
0x24: {  	s5 =	simm.s32 $0x980;
	s9 =	simm.s32 $0x0;
	s10 =	sshrl.u32 s6, $0x3  }
0x25: {  	s8 =	simm.s32 $0x1580;
	s12 =	simm.s32 $0x4;
	[dreg:$0x1e] =	wrdreg s10  }
.LBB2_1:
0x26: {  	[dreg:$0x1f] =	wrdreg s9  }
0x27: {  	s6 =	rddreg [dreg:$0x19]  }
0x28: {  	s11 =	rddreg [dreg:$0x1b]  }
0x29: {  	[spmem:s10], [sflag:s11] =	dma.local [hbm:s6], $0x2800  }
0x2a: {  	s10 =	simm.s32 $0x1  }
0x2b: {  	_ =	swait.ge [sflag:s10], $0x2800  }
0x2c: {  	[sflag:s10] =	ssyncset.done $0x0  }
0x2d: {  	[sflag:s10] =	ssyncadd.s32 $0xFFFFD800  }
0x2e: {  	[bflag:$0x0] =	sbarrier.arrive $0xFFFF  }
0x2f: {  	s11 =	rddreg [dreg:$0x4]  }
0x30: {  	s6 =	sadd.s32 $0x0, s11  }
0x31: {  	[tilespmem:s3], [sflag:$0x4] =	stream.linear.gather [hbm4b:s6+s3], $0xA00, $0x38;
	[tilespmem:$0x1D800] =	vst v63  }
0x32: {  	_ =	swait.ge [sflag:s12], $0xA00  }
0x33: {  	s9 =	rddreg [dreg:$0x3];
	[sflag:s12] =	ssyncset.done $0x0  }
0x34: {  	[sflag:s12] =	ssyncadd.s32 $0xFFFFF600;
	s6 =	sadd.s32 $0x0, s9  }
0x35: {  	[tilespmem:s13], [sflag:$0x4] =	stream.linear.gather [hbm4b:s6+s3], $0xA00, $0x38;
	[tilespmem:$0x1D800] =	vst v63  }
0x36: {  	_ =	swait.ge [sflag:s12], $0xA00  }
0x37: {  	[sflag:s12] =	ssyncset.done $0x0  }
0x38: {  	[sflag:s12] =	ssyncadd.s32 $0xFFFFF600  }
0x39: {  	[tilespmem:s15], [sflag:$0x2] =	stream.indirect.gather [hbm4b:s4+s14], $0x80, s3, s14, $0xb8;
	[tilespmem:$0x1D800] =	vst v63  }
0x3a: {  	_ = 	snop  }
0x3b: {  	[tilespmem:s16], [sflag:$0x3] =	stream.indirect.gather [hbm4b:s4+s14], $0x80, s14, s14, $0xb8;
	[tilespmem:$0x1D800] =	vst v63  }
0x3c: {  	_ =	swait.ge [sflag:s17], $0x4000  }
0x3d: {  	[sflag:s17] =	ssyncset.done $0x0  }
0x3e: {  	[sflag:s17] =	ssyncadd.s32 $0xFFFFC000  }
0x3f: {  	[spmem:s2] =	stream.indirect.scatter.add.f32 [tilespmem:s15], [sflag:$0x4], $0x80, s13, s14, $0xb8;
	[tilespmem:$0x1D800] =	vst v63  }
0x40: {  	_ =	swait.ge [sflag:s12], $0x4000  }
0x41: {  	[sflag:s12] =	ssyncset.done $0x0  }
0x42: {  	s10 =	rddreg [dreg:$0x5];
	[sflag:s12] =	ssyncadd.s32 $0xFFFFC000  }
0x43: {  	[tilespmem:s15], [sflag:$0x2] =	stream.indirect.gather [hbm4b:s4+s14], $0x80, s10, s14, $0xb8;
	[tilespmem:$0x1D800] =	vst v63  }
0x44: {  	_ =	swait.ge [sflag:s18], $0x4000  }
0x45: {  	[sflag:s18] =	ssyncset.done $0x0  }
0x46: {  	s11 =	rddreg [dreg:$0x6];
	[sflag:s18] =	ssyncadd.s32 $0xFFFFC000  }
0x47: {  	[spmem:s2] =	stream.indirect.scatter.add.f32 [tilespmem:s16], [sflag:$0x4], $0x80, s11, s14, $0xb8;
	[tilespmem:$0x1D800] =	vst v63  }
0x48: {  	_ =	swait.ge [sflag:s12], $0x4000  }
0x49: {  	[sflag:s12] =	ssyncset.done $0x0  }
0x4a: {  	s9 =	rddreg [dreg:$0x7];
	[sflag:s12] =	ssyncadd.s32 $0xFFFFC000  }
0x4b: {  	[tilespmem:s16], [sflag:$0x3] =	stream.indirect.gather [hbm4b:s4+s14], $0x80, s9, s14, $0xb8;
	[tilespmem:$0x1D800] =	vst v63  }
0x4c: {  	_ =	swait.ge [sflag:s17], $0x4000  }
0x4d: {  	[sflag:s17] =	ssyncset.done $0x0  }
0x4e: {  	s10 =	rddreg [dreg:$0x8];
	[sflag:s17] =	ssyncadd.s32 $0xFFFFC000  }
0x4f: {  	[spmem:s2] =	stream.indirect.scatter.add.f32 [tilespmem:s15], [sflag:$0x4], $0x80, s10, s14, $0xb8;
	[tilespmem:$0x1D800] =	vst v63  }
0x50: {  	_ =	swait.ge [sflag:s12], $0x4000  }
0x51: {  	[sflag:s12] =	ssyncset.done $0x0  }
0x52: {  	s11 =	rddreg [dreg:$0x9];
	[sflag:s12] =	ssyncadd.s32 $0xFFFFC000  }
0x53: {  	[tilespmem:s15], [sflag:$0x2] =	stream.indirect.gather [hbm4b:s4+s14], $0x80, s11, s14, $0xb8;
	[tilespmem:$0x1D800] =	vst v63  }
0x54: {  	_ =	swait.ge [sflag:s18], $0x4000  }
0x55: {  	[sflag:s18] =	ssyncset.done $0x0  }
0x56: {  	s9 =	rddreg [dreg:$0xa];
	[sflag:s18] =	ssyncadd.s32 $0xFFFFC000  }
0x57: {  	[spmem:s2] =	stream.indirect.scatter.add.f32 [tilespmem:s16], [sflag:$0x4], $0x80, s9, s14, $0xb8;
	[tilespmem:$0x1D800] =	vst v63  }
0x58: {  	_ =	swait.ge [sflag:s12], $0x4000  }
0x59: {  	[sflag:s12] =	ssyncset.done $0x0  }
0x5a: {  	s10 =	rddreg [dreg:$0xb];
	[sflag:s12] =	ssyncadd.s32 $0xFFFFC000  }
0x5b: {  	[tilespmem:s16], [sflag:$0x3] =	stream.indirect.gather [hbm4b:s4+s14], $0x80, s10, s14, $0xb8;
	[tilespmem:$0x1D800] =	vst v63  }
0x5c: {  	_ =	swait.ge [sflag:s17], $0x4000  }
0x5d: {  	[sflag:s17] =	ssyncset.done $0x0  }
0x5e: {  	s11 =	rddreg [dreg:$0xc];
	[sflag:s17] =	ssyncadd.s32 $0xFFFFC000  }
0x5f: {  	[spmem:s2] =	stream.indirect.scatter.add.f32 [tilespmem:s15], [sflag:$0x4], $0x80, s11, s14, $0xb8;
	[tilespmem:$0x1D800] =	vst v63  }
0x60: {  	_ =	swait.ge [sflag:s12], $0x4000  }
0x61: {  	[sflag:s12] =	ssyncset.done $0x0  }
0x62: {  	s9 =	rddreg [dreg:$0xd];
	[sflag:s12] =	ssyncadd.s32 $0xFFFFC000  }
0x63: {  	[tilespmem:s15], [sflag:$0x2] =	stream.indirect.gather [hbm4b:s4+s14], $0x80, s9, s14, $0xb8;
	[tilespmem:$0x1D800] =	vst v63  }
0x64: {  	_ =	swait.ge [sflag:s18], $0x4000  }
0x65: {  	[sflag:s18] =	ssyncset.done $0x0  }
0x66: {  	s10 =	rddreg [dreg:$0xe];
	[sflag:s18] =	ssyncadd.s32 $0xFFFFC000  }
0x67: {  	[spmem:s2] =	stream.indirect.scatter.add.f32 [tilespmem:s16], [sflag:$0x4], $0x80, s10, s14, $0xb8;
	[tilespmem:$0x1D800] =	vst v63  }
0x68: {  	_ =	swait.ge [sflag:s12], $0x4000  }
0x69: {  	[sflag:s12] =	ssyncset.done $0x0  }
0x6a: {  	s11 =	rddreg [dreg:$0xf];
	[sflag:s12] =	ssyncadd.s32 $0xFFFFC000  }
0x6b: {  	[tilespmem:s16], [sflag:$0x3] =	stream.indirect.gather [hbm4b:s4+s14], $0x80, s11, s14, $0xb8;
	[tilespmem:$0x1D800] =	vst v63  }
0x6c: {  	_ =	swait.ge [sflag:s17], $0x4000  }
0x6d: {  	[sflag:s17] =	ssyncset.done $0x0  }
0x6e: {  	s9 =	rddreg [dreg:$0x10];
	[sflag:s17] =	ssyncadd.s32 $0xFFFFC000  }
0x6f: {  	[spmem:s2] =	stream.indirect.scatter.add.f32 [tilespmem:s15], [sflag:$0x4], $0x80, s9, s14, $0xb8;
	[tilespmem:$0x1D800] =	vst v63  }
0x70: {  	_ =	swait.ge [sflag:s12], $0x4000  }
0x71: {  	[sflag:s12] =	ssyncset.done $0x0  }
0x72: {  	s10 =	rddreg [dreg:$0x11];
	[sflag:s12] =	ssyncadd.s32 $0xFFFFC000  }
0x73: {  	[tilespmem:s15], [sflag:$0x2] =	stream.indirect.gather [hbm4b:s4+s14], $0x80, s10, s14, $0xb8;
	[tilespmem:$0x1D800] =	vst v63  }
0x74: {  	_ =	swait.ge [sflag:s18], $0x4000  }
0x75: {  	[sflag:s18] =	ssyncset.done $0x0  }
0x76: {  	s11 =	rddreg [dreg:$0x12];
	[sflag:s18] =	ssyncadd.s32 $0xFFFFC000  }
0x77: {  	[spmem:s2] =	stream.indirect.scatter.add.f32 [tilespmem:s16], [sflag:$0x4], $0x80, s11, s14, $0xb8;
	[tilespmem:$0x1D800] =	vst v63  }
0x78: {  	_ =	swait.ge [sflag:s12], $0x4000  }
0x79: {  	[sflag:s12] =	ssyncset.done $0x0  }
0x7a: {  	s9 =	rddreg [dreg:$0x13];
	[sflag:s12] =	ssyncadd.s32 $0xFFFFC000  }
0x7b: {  	[tilespmem:s16], [sflag:$0x3] =	stream.indirect.gather [hbm4b:s4+s14], $0x80, s9, s14, $0xb8;
	[tilespmem:$0x1D800] =	vst v63  }
0x7c: {  	_ =	swait.ge [sflag:s17], $0x4000  }
0x7d: {  	[sflag:s17] =	ssyncset.done $0x0  }
0x7e: {  	s10 =	rddreg [dreg:$0x14];
	[sflag:s17] =	ssyncadd.s32 $0xFFFFC000  }
0x7f: {  	[spmem:s2] =	stream.indirect.scatter.add.f32 [tilespmem:s15], [sflag:$0x4], $0x80, s10, s14, $0xb8;
	[tilespmem:$0x1D800] =	vst v63  }
0x80: {  	_ =	swait.ge [sflag:s12], $0x4000  }
0x81: {  	[sflag:s12] =	ssyncset.done $0x0  }
0x82: {  	s11 =	rddreg [dreg:$0x15];
	[sflag:s12] =	ssyncadd.s32 $0xFFFFC000  }
0x83: {  	[tilespmem:s15], [sflag:$0x2] =	stream.indirect.gather [hbm4b:s4+s14], $0x80, s11, s14, $0xb8;
	[tilespmem:$0x1D800] =	vst v63  }
0x84: {  	_ =	swait.ge [sflag:s18], $0x4000  }
0x85: {  	[sflag:s18] =	ssyncset.done $0x0  }
0x86: {  	s9 =	rddreg [dreg:$0x16];
	[sflag:s18] =	ssyncadd.s32 $0xFFFFC000  }
0x87: {  	[spmem:s2] =	stream.indirect.scatter.add.f32 [tilespmem:s16], [sflag:$0x4], $0x80, s9, s14, $0xb8;
	[tilespmem:$0x1D800] =	vst v63  }
0x88: {  	_ =	swait.ge [sflag:s12], $0x4000  }
0x89: {  	[sflag:s12] =	ssyncset.done $0x0  }
0x8a: {  	s10 =	rddreg [dreg:$0x17];
	[sflag:s12] =	ssyncadd.s32 $0xFFFFC000  }
0x8b: {  	[tilespmem:s16], [sflag:$0x3] =	stream.indirect.gather [hbm4b:s4+s14], $0x80, s10, s14, $0xb8;
	[tilespmem:$0x1D800] =	vst v63  }
0x8c: {  	_ =	swait.ge [sflag:s17], $0x4000  }
0x8d: {  	[sflag:s17] =	ssyncset.done $0x0  }
0x8e: {  	s11 =	rddreg [dreg:$0x18];
	[sflag:s17] =	ssyncadd.s32 $0xFFFFC000  }
0x8f: {  	[spmem:s2] =	stream.indirect.scatter.add.f32 [tilespmem:s15], [sflag:$0x4], $0x80, s11, s14, $0xb8;
	[tilespmem:$0x1D800] =	vst v63  }
0x90: {  	_ =	swait.ge [sflag:s12], $0x4000  }
0x91: {  	[sflag:s12] =	ssyncset.done $0x0  }
0x92: {  	[sflag:s12] =	ssyncadd.s32 $0xFFFFC000  }
0x93: {  	[tilespmem:s15], [sflag:$0x2] =	stream.indirect.gather [hbm4b:s4+s14], $0x80, s19, s14, $0xb8;
	[tilespmem:$0x1D800] =	vst v63  }
0x94: {  	_ =	swait.ge [sflag:s18], $0x4000  }
0x95: {  	[sflag:s18] =	ssyncset.done $0x0  }
0x96: {  	[sflag:s18] =	ssyncadd.s32 $0xFFFFC000  }
0x97: {  	[spmem:s2] =	stream.indirect.scatter.add.f32 [tilespmem:s16], [sflag:$0x4], $0x80, s20, s14, $0xb8;
	[tilespmem:$0x1D800] =	vst v63  }
0x98: {  	_ =	swait.ge [sflag:s12], $0x4000  }
0x99: {  	[sflag:s12] =	ssyncset.done $0x0  }
0x9a: {  	[sflag:s12] =	ssyncadd.s32 $0xFFFFC000  }
0x9b: {  	[tilespmem:s16], [sflag:$0x3] =	stream.indirect.gather [hbm4b:s4+s14], $0x80, s21, s14, $0xb8;
	[tilespmem:$0x1D800] =	vst v63  }
0x9c: {  	_ =	swait.ge [sflag:s17], $0x4000  }
0x9d: {  	[sflag:s17] =	ssyncset.done $0x0  }
0x9e: {  	[sflag:s17] =	ssyncadd.s32 $0xFFFFC000  }
0x9f: {  	[spmem:s2] =	stream.indirect.scatter.add.f32 [tilespmem:s15], [sflag:$0x4], $0x80, s22, s14, $0xb8;
	[tilespmem:$0x1D800] =	vst v63  }
0xa0: {  	_ =	swait.ge [sflag:s12], $0x4000  }
0xa1: {  	[sflag:s12] =	ssyncset.done $0x0  }
0xa2: {  	[sflag:s12] =	ssyncadd.s32 $0xFFFFC000  }
0xa3: {  	[tilespmem:s15], [sflag:$0x2] =	stream.indirect.gather [hbm4b:s4+s14], $0x80, s23, s14, $0xb8;
	[tilespmem:$0x1D800] =	vst v63  }
0xa4: {  	_ =	swait.ge [sflag:s18], $0x4000  }
0xa5: {  	[sflag:s18] =	ssyncset.done $0x0  }
0xa6: {  	[sflag:s18] =	ssyncadd.s32 $0xFFFFC000  }
0xa7: {  	[spmem:s2] =	stream.indirect.scatter.add.f32 [tilespmem:s16], [sflag:$0x4], $0x80, s24, s14, $0xb8;
	[tilespmem:$0x1D800] =	vst v63  }
0xa8: {  	_ =	swait.ge [sflag:s12], $0x4000  }
0xa9: {  	[sflag:s12] =	ssyncset.done $0x0  }
0xaa: {  	[sflag:s12] =	ssyncadd.s32 $0xFFFFC000  }
0xab: {  	[tilespmem:s16], [sflag:$0x3] =	stream.indirect.gather [hbm4b:s4+s14], $0x80, s25, s14, $0xb8;
	[tilespmem:$0x1D800] =	vst v63  }
0xac: {  	_ =	swait.ge [sflag:s17], $0x4000  }
0xad: {  	[sflag:s17] =	ssyncset.done $0x0  }
0xae: {  	[sflag:s17] =	ssyncadd.s32 $0xFFFFC000  }
0xaf: {  	[spmem:s2] =	stream.indirect.scatter.add.f32 [tilespmem:s15], [sflag:$0x4], $0x80, s26, s14, $0xb8;
	[tilespmem:$0x1D800] =	vst v63  }
0xb0: {  	_ =	swait.ge [sflag:s12], $0x4000  }
0xb1: {  	[sflag:s12] =	ssyncset.done $0x0  }
0xb2: {  	[sflag:s12] =	ssyncadd.s32 $0xFFFFC000  }
0xb3: {  	[tilespmem:s15], [sflag:$0x2] =	stream.indirect.gather [hbm4b:s4+s14], $0x80, s28, s14, $0xb8;
	[tilespmem:$0x1D800] =	vst v63  }
0xb4: {  	_ =	swait.ge [sflag:s18], $0x4000  }
0xb5: {  	[sflag:s18] =	ssyncset.done $0x0  }
0xb6: {  	[sflag:s18] =	ssyncadd.s32 $0xFFFFC000  }
0xb7: {  	[spmem:s2] =	stream.indirect.scatter.add.f32 [tilespmem:s16], [sflag:$0x4], $0x80, s29, s14, $0xb8;
	[tilespmem:$0x1D800] =	vst v63  }
0xb8: {  	_ =	swait.ge [sflag:s12], $0x4000  }
0xb9: {  	[sflag:s12] =	ssyncset.done $0x0  }
0xba: {  	[sflag:s12] =	ssyncadd.s32 $0xFFFFC000  }
0xbb: {  	[tilespmem:s16], [sflag:$0x3] =	stream.indirect.gather [hbm4b:s4+s14], $0x80, s30, s14, $0xb8;
	[tilespmem:$0x1D800] =	vst v63  }
0xbc: {  	_ =	swait.ge [sflag:s17], $0x4000  }
0xbd: {  	[sflag:s17] =	ssyncset.done $0x0  }
0xbe: {  	[sflag:s17] =	ssyncadd.s32 $0xFFFFC000  }
0xbf: {  	[spmem:s2] =	stream.indirect.scatter.add.f32 [tilespmem:s15], [sflag:$0x4], $0x80, s31, s14, $0xb8;
	[tilespmem:$0x1D800] =	vst v63  }
0xc0: {  	_ =	swait.ge [sflag:s12], $0x4000  }
0xc1: {  	[sflag:s12] =	ssyncset.done $0x0  }
0xc2: {  	[sflag:s12] =	ssyncadd.s32 $0xFFFFC000  }
0xc3: {  	[tilespmem:s15], [sflag:$0x2] =	stream.indirect.gather [hbm4b:s4+s14], $0x80, s1, s14, $0xb8;
	[tilespmem:$0x1D800] =	vst v63  }
0xc4: {  	_ =	swait.ge [sflag:s18], $0x4000  }
0xc5: {  	[sflag:s18] =	ssyncset.done $0x0  }
0xc6: {  	[sflag:s18] =	ssyncadd.s32 $0xFFFFC000  }
0xc7: {  	[spmem:s2] =	stream.indirect.scatter.add.f32 [tilespmem:s16], [sflag:$0x4], $0x80, s0, s14, $0xb8;
	[tilespmem:$0x1D800] =	vst v63  }
0xc8: {  	_ =	swait.ge [sflag:s12], $0x4000  }
0xc9: {  	[sflag:s12] =	ssyncset.done $0x0  }
0xca: {  	[sflag:s12] =	ssyncadd.s32 $0xFFFFC000  }
0xcb: {  	[tilespmem:s16], [sflag:$0x3] =	stream.indirect.gather [hbm4b:s4+s14], $0x80, s5, s14, $0xb8;
	[tilespmem:$0x1D800] =	vst v63  }
0xcc: {  	_ =	swait.ge [sflag:s17], $0x4000  }
0xcd: {  	[sflag:s17] =	ssyncset.done $0x0  }
0xce: {  	[sflag:s17] =	ssyncadd.s32 $0xFFFFC000  }
0xcf: {  	[spmem:s2] =	stream.indirect.scatter.add.f32 [tilespmem:s15], [sflag:$0x4], $0x80, s7, s14, $0xb8;
	[tilespmem:$0x1D800] =	vst v63  }
0xd0: {  	_ =	swait.ge [sflag:s12], $0x4000  }
0xd1: {  	[sflag:s12] =	ssyncset.done $0x0  }
0xd2: {  	[sflag:s12] =	ssyncadd.s32 $0xFFFFC000  }
0xd3: {  	_ =	swait.ge [sflag:s18], $0x4000  }
0xd4: {  	[sflag:s18] =	ssyncset.done $0x0  }
0xd5: {  	[sflag:s18] =	ssyncadd.s32 $0xFFFFC000  }
0xd6: {  	[spmem:s2] =	stream.indirect.scatter.add.f32 [tilespmem:s16], [sflag:$0x4], $0x80, s8, s14, $0xb8;
	[tilespmem:$0x1D800] =	vst v63  }
0xd7: {  	s6 =	simm.s32 $0x180;
	_ =	swait.ge [sflag:s12], $0x4000  }
0xd8: {  	s11 =	simm.s32 $0x300;
	s10 =	rddreg [dreg:$0x4];
	[sflag:s12] =	ssyncset.done $0x0  }
.LBB2_2:
0xd9: {  	[sflag:s12] =	ssyncadd.s32 $0xFFFFC000;
	s10 =	sadd.s32 s6, s10  }
0xda: {  	[tilespmem:s3], [sflag:$0x4] =	stream.linear.gather [hbm4b:s10+s3], $0xA00, $0x38;
	[tilespmem:$0x1D800] =	vst v63  }
0xdb: {  	_ =	swait.ge [sflag:s12], $0xA00  }
0xdc: {  	s10 =	rddreg [dreg:$0x3];
	[sflag:s12] =	ssyncset.done $0x0  }
0xdd: {  	[sflag:s12] =	ssyncadd.s32 $0xFFFFF600;
	s10 =	sadd.s32 s6, s10  }
0xde: {  	[tilespmem:s13], [sflag:$0x4] =	stream.linear.gather [hbm4b:s10+s3], $0xA00, $0x38;
	[tilespmem:$0x1D800] =	vst v63  }
0xdf: {  	_ =	swait.ge [sflag:s12], $0xA00  }
0xe0: {  	[sflag:s12] =	ssyncset.done $0x0  }
0xe1: {  	[sflag:s12] =	ssyncadd.s32 $0xFFFFF600  }
0xe2: {  	[tilespmem:s15], [sflag:$0x2] =	stream.indirect.gather [hbm4b:s4+s14], $0x80, s3, s14, $0xb8;
	[tilespmem:$0x1D800] =	vst v63  }
0xe3: {  	_ = 	snop  }
0xe4: {  	[tilespmem:s16], [sflag:$0x3] =	stream.indirect.gather [hbm4b:s4+s14], $0x80, s14, s14, $0xb8;
	[tilespmem:$0x1D800] =	vst v63  }
0xe5: {  	_ =	swait.ge [sflag:s17], $0x4000  }
0xe6: {  	[sflag:s17] =	ssyncset.done $0x0  }
0xe7: {  	[sflag:s17] =	ssyncadd.s32 $0xFFFFC000  }
0xe8: {  	[spmem:s2] =	stream.indirect.scatter.add.f32 [tilespmem:s15], [sflag:$0x4], $0x80, s13, s14, $0xb8;
	[tilespmem:$0x1D800] =	vst v63  }
0xe9: {  	_ =	swait.ge [sflag:s12], $0x4000  }
0xea: {  	[sflag:s12] =	ssyncset.done $0x0  }
0xeb: {  	s10 =	rddreg [dreg:$0x5];
	[sflag:s12] =	ssyncadd.s32 $0xFFFFC000  }
0xec: {  	[tilespmem:s15], [sflag:$0x2] =	stream.indirect.gather [hbm4b:s4+s14], $0x80, s10, s14, $0xb8;
	[tilespmem:$0x1D800] =	vst v63  }
0xed: {  	_ =	swait.ge [sflag:s18], $0x4000  }
0xee: {  	[sflag:s18] =	ssyncset.done $0x0  }
0xef: {  	s10 =	rddreg [dreg:$0x6];
	[sflag:s18] =	ssyncadd.s32 $0xFFFFC000  }
0xf0: {  	[spmem:s2] =	stream.indirect.scatter.add.f32 [tilespmem:s16], [sflag:$0x4], $0x80, s10, s14, $0xb8;
	[tilespmem:$0x1D800] =	vst v63  }
0xf1: {  	_ =	swait.ge [sflag:s12], $0x4000  }
0xf2: {  	[sflag:s12] =	ssyncset.done $0x0  }
0xf3: {  	s10 =	rddreg [dreg:$0x7];
	[sflag:s12] =	ssyncadd.s32 $0xFFFFC000  }
0xf4: {  	[tilespmem:s16], [sflag:$0x3] =	stream.indirect.gather [hbm4b:s4+s14], $0x80, s10, s14, $0xb8;
	[tilespmem:$0x1D800] =	vst v63  }
0xf5: {  	_ =	swait.ge [sflag:s17], $0x4000  }
0xf6: {  	[sflag:s17] =	ssyncset.done $0x0  }
0xf7: {  	s10 =	rddreg [dreg:$0x8];
	[sflag:s17] =	ssyncadd.s32 $0xFFFFC000  }
0xf8: {  	[spmem:s2] =	stream.indirect.scatter.add.f32 [tilespmem:s15], [sflag:$0x4], $0x80, s10, s14, $0xb8;
	[tilespmem:$0x1D800] =	vst v63  }
0xf9: {  	_ =	swait.ge [sflag:s12], $0x4000  }
0xfa: {  	[sflag:s12] =	ssyncset.done $0x0  }
0xfb: {  	s10 =	rddreg [dreg:$0x9];
	[sflag:s12] =	ssyncadd.s32 $0xFFFFC000  }
0xfc: {  	[tilespmem:s15], [sflag:$0x2] =	stream.indirect.gather [hbm4b:s4+s14], $0x80, s10, s14, $0xb8;
	[tilespmem:$0x1D800] =	vst v63  }
0xfd: {  	_ =	swait.ge [sflag:s18], $0x4000  }
0xfe: {  	[sflag:s18] =	ssyncset.done $0x0  }
0xff: {  	s10 =	rddreg [dreg:$0xa];
	[sflag:s18] =	ssyncadd.s32 $0xFFFFC000  }
0x100: {  	[spmem:s2] =	stream.indirect.scatter.add.f32 [tilespmem:s16], [sflag:$0x4], $0x80, s10, s14, $0xb8;
	[tilespmem:$0x1D800] =	vst v63  }
0x101: {  	_ =	swait.ge [sflag:s12], $0x4000  }
0x102: {  	[sflag:s12] =	ssyncset.done $0x0  }
0x103: {  	s10 =	rddreg [dreg:$0xb];
	[sflag:s12] =	ssyncadd.s32 $0xFFFFC000  }
0x104: {  	[tilespmem:s16], [sflag:$0x3] =	stream.indirect.gather [hbm4b:s4+s14], $0x80, s10, s14, $0xb8;
	[tilespmem:$0x1D800] =	vst v63  }
0x105: {  	_ =	swait.ge [sflag:s17], $0x4000  }
0x106: {  	[sflag:s17] =	ssyncset.done $0x0  }
0x107: {  	s10 =	rddreg [dreg:$0xc];
	[sflag:s17] =	ssyncadd.s32 $0xFFFFC000  }
0x108: {  	[spmem:s2] =	stream.indirect.scatter.add.f32 [tilespmem:s15], [sflag:$0x4], $0x80, s10, s14, $0xb8;
	[tilespmem:$0x1D800] =	vst v63  }
0x109: {  	_ =	swait.ge [sflag:s12], $0x4000  }
0x10a: {  	[sflag:s12] =	ssyncset.done $0x0  }
0x10b: {  	s10 =	rddreg [dreg:$0xd];
	[sflag:s12] =	ssyncadd.s32 $0xFFFFC000  }
0x10c: {  	[tilespmem:s15], [sflag:$0x2] =	stream.indirect.gather [hbm4b:s4+s14], $0x80, s10, s14, $0xb8;
	[tilespmem:$0x1D800] =	vst v63  }
0x10d: {  	_ =	swait.ge [sflag:s18], $0x4000  }
0x10e: {  	[sflag:s18] =	ssyncset.done $0x0  }
0x10f: {  	s10 =	rddreg [dreg:$0xe];
	[sflag:s18] =	ssyncadd.s32 $0xFFFFC000  }
0x110: {  	[spmem:s2] =	stream.indirect.scatter.add.f32 [tilespmem:s16], [sflag:$0x4], $0x80, s10, s14, $0xb8;
	[tilespmem:$0x1D800] =	vst v63  }
0x111: {  	_ =	swait.ge [sflag:s12], $0x4000  }
0x112: {  	[sflag:s12] =	ssyncset.done $0x0  }
0x113: {  	s10 =	rddreg [dreg:$0xf];
	[sflag:s12] =	ssyncadd.s32 $0xFFFFC000  }
0x114: {  	[tilespmem:s16], [sflag:$0x3] =	stream.indirect.gather [hbm4b:s4+s14], $0x80, s10, s14, $0xb8;
	[tilespmem:$0x1D800] =	vst v63  }
0x115: {  	_ =	swait.ge [sflag:s17], $0x4000  }
0x116: {  	[sflag:s17] =	ssyncset.done $0x0  }
0x117: {  	s10 =	rddreg [dreg:$0x10];
	[sflag:s17] =	ssyncadd.s32 $0xFFFFC000  }
0x118: {  	[spmem:s2] =	stream.indirect.scatter.add.f32 [tilespmem:s15], [sflag:$0x4], $0x80, s10, s14, $0xb8;
	[tilespmem:$0x1D800] =	vst v63  }
0x119: {  	_ =	swait.ge [sflag:s12], $0x4000  }
0x11a: {  	[sflag:s12] =	ssyncset.done $0x0  }
0x11b: {  	s10 =	rddreg [dreg:$0x11];
	[sflag:s12] =	ssyncadd.s32 $0xFFFFC000  }
0x11c: {  	[tilespmem:s15], [sflag:$0x2] =	stream.indirect.gather [hbm4b:s4+s14], $0x80, s10, s14, $0xb8;
	[tilespmem:$0x1D800] =	vst v63  }
0x11d: {  	_ =	swait.ge [sflag:s18], $0x4000  }
0x11e: {  	[sflag:s18] =	ssyncset.done $0x0  }
0x11f: {  	s10 =	rddreg [dreg:$0x12];
	[sflag:s18] =	ssyncadd.s32 $0xFFFFC000  }
0x120: {  	[spmem:s2] =	stream.indirect.scatter.add.f32 [tilespmem:s16], [sflag:$0x4], $0x80, s10, s14, $0xb8;
	[tilespmem:$0x1D800] =	vst v63  }
0x121: {  	_ =	swait.ge [sflag:s12], $0x4000  }
0x122: {  	[sflag:s12] =	ssyncset.done $0x0  }
0x123: {  	s10 =	rddreg [dreg:$0x13];
	[sflag:s12] =	ssyncadd.s32 $0xFFFFC000  }
0x124: {  	[tilespmem:s16], [sflag:$0x3] =	stream.indirect.gather [hbm4b:s4+s14], $0x80, s10, s14, $0xb8;
	[tilespmem:$0x1D800] =	vst v63  }
0x125: {  	_ =	swait.ge [sflag:s17], $0x4000  }
0x126: {  	[sflag:s17] =	ssyncset.done $0x0  }
0x127: {  	s10 =	rddreg [dreg:$0x14];
	[sflag:s17] =	ssyncadd.s32 $0xFFFFC000  }
0x128: {  	[spmem:s2] =	stream.indirect.scatter.add.f32 [tilespmem:s15], [sflag:$0x4], $0x80, s10, s14, $0xb8;
	[tilespmem:$0x1D800] =	vst v63  }
0x129: {  	_ =	swait.ge [sflag:s12], $0x4000  }
0x12a: {  	[sflag:s12] =	ssyncset.done $0x0  }
0x12b: {  	s10 =	rddreg [dreg:$0x15];
	[sflag:s12] =	ssyncadd.s32 $0xFFFFC000  }
0x12c: {  	[tilespmem:s15], [sflag:$0x2] =	stream.indirect.gather [hbm4b:s4+s14], $0x80, s10, s14, $0xb8;
	[tilespmem:$0x1D800] =	vst v63  }
0x12d: {  	_ =	swait.ge [sflag:s18], $0x4000  }
0x12e: {  	[sflag:s18] =	ssyncset.done $0x0  }
0x12f: {  	s10 =	rddreg [dreg:$0x16];
	[sflag:s18] =	ssyncadd.s32 $0xFFFFC000  }
0x130: {  	[spmem:s2] =	stream.indirect.scatter.add.f32 [tilespmem:s16], [sflag:$0x4], $0x80, s10, s14, $0xb8;
	[tilespmem:$0x1D800] =	vst v63  }
0x131: {  	_ =	swait.ge [sflag:s12], $0x4000  }
0x132: {  	[sflag:s12] =	ssyncset.done $0x0  }
0x133: {  	s10 =	rddreg [dreg:$0x17];
	[sflag:s12] =	ssyncadd.s32 $0xFFFFC000  }
0x134: {  	[tilespmem:s16], [sflag:$0x3] =	stream.indirect.gather [hbm4b:s4+s14], $0x80, s10, s14, $0xb8;
	[tilespmem:$0x1D800] =	vst v63  }
0x135: {  	_ =	swait.ge [sflag:s17], $0x4000  }
0x136: {  	[sflag:s17] =	ssyncset.done $0x0  }
0x137: {  	s10 =	rddreg [dreg:$0x18];
	[sflag:s17] =	ssyncadd.s32 $0xFFFFC000  }
0x138: {  	[spmem:s2] =	stream.indirect.scatter.add.f32 [tilespmem:s15], [sflag:$0x4], $0x80, s10, s14, $0xb8;
	[tilespmem:$0x1D800] =	vst v63  }
0x139: {  	_ =	swait.ge [sflag:s12], $0x4000  }
0x13a: {  	[sflag:s12] =	ssyncset.done $0x0  }
0x13b: {  	[sflag:s12] =	ssyncadd.s32 $0xFFFFC000  }
0x13c: {  	[tilespmem:s15], [sflag:$0x2] =	stream.indirect.gather [hbm4b:s4+s14], $0x80, s19, s14, $0xb8;
	[tilespmem:$0x1D800] =	vst v63  }
0x13d: {  	_ =	swait.ge [sflag:s18], $0x4000  }
0x13e: {  	[sflag:s18] =	ssyncset.done $0x0  }
0x13f: {  	[sflag:s18] =	ssyncadd.s32 $0xFFFFC000  }
0x140: {  	[spmem:s2] =	stream.indirect.scatter.add.f32 [tilespmem:s16], [sflag:$0x4], $0x80, s20, s14, $0xb8;
	[tilespmem:$0x1D800] =	vst v63  }
0x141: {  	_ =	swait.ge [sflag:s12], $0x4000  }
0x142: {  	[sflag:s12] =	ssyncset.done $0x0  }
0x143: {  	[sflag:s12] =	ssyncadd.s32 $0xFFFFC000  }
0x144: {  	[tilespmem:s16], [sflag:$0x3] =	stream.indirect.gather [hbm4b:s4+s14], $0x80, s21, s14, $0xb8;
	[tilespmem:$0x1D800] =	vst v63  }
0x145: {  	_ =	swait.ge [sflag:s17], $0x4000  }
0x146: {  	[sflag:s17] =	ssyncset.done $0x0  }
0x147: {  	[sflag:s17] =	ssyncadd.s32 $0xFFFFC000  }
0x148: {  	[spmem:s2] =	stream.indirect.scatter.add.f32 [tilespmem:s15], [sflag:$0x4], $0x80, s22, s14, $0xb8;
	[tilespmem:$0x1D800] =	vst v63  }
0x149: {  	_ =	swait.ge [sflag:s12], $0x4000  }
0x14a: {  	[sflag:s12] =	ssyncset.done $0x0  }
0x14b: {  	[sflag:s12] =	ssyncadd.s32 $0xFFFFC000  }
0x14c: {  	[tilespmem:s15], [sflag:$0x2] =	stream.indirect.gather [hbm4b:s4+s14], $0x80, s23, s14, $0xb8;
	[tilespmem:$0x1D800] =	vst v63  }
0x14d: {  	_ =	swait.ge [sflag:s18], $0x4000  }
0x14e: {  	[sflag:s18] =	ssyncset.done $0x0  }
0x14f: {  	[sflag:s18] =	ssyncadd.s32 $0xFFFFC000  }
0x150: {  	[spmem:s2] =	stream.indirect.scatter.add.f32 [tilespmem:s16], [sflag:$0x4], $0x80, s24, s14, $0xb8;
	[tilespmem:$0x1D800] =	vst v63  }
0x151: {  	_ =	swait.ge [sflag:s12], $0x4000  }
0x152: {  	[sflag:s12] =	ssyncset.done $0x0  }
0x153: {  	[sflag:s12] =	ssyncadd.s32 $0xFFFFC000  }
0x154: {  	[tilespmem:s16], [sflag:$0x3] =	stream.indirect.gather [hbm4b:s4+s14], $0x80, s25, s14, $0xb8;
	[tilespmem:$0x1D800] =	vst v63  }
0x155: {  	_ =	swait.ge [sflag:s17], $0x4000  }
0x156: {  	[sflag:s17] =	ssyncset.done $0x0  }
0x157: {  	[sflag:s17] =	ssyncadd.s32 $0xFFFFC000  }
0x158: {  	[spmem:s2] =	stream.indirect.scatter.add.f32 [tilespmem:s15], [sflag:$0x4], $0x80, s26, s14, $0xb8;
	[tilespmem:$0x1D800] =	vst v63  }
0x159: {  	_ =	swait.ge [sflag:s12], $0x4000  }
0x15a: {  	[sflag:s12] =	ssyncset.done $0x0  }
0x15b: {  	[sflag:s12] =	ssyncadd.s32 $0xFFFFC000  }
0x15c: {  	[tilespmem:s15], [sflag:$0x2] =	stream.indirect.gather [hbm4b:s4+s14], $0x80, s28, s14, $0xb8;
	[tilespmem:$0x1D800] =	vst v63  }
0x15d: {  	_ =	swait.ge [sflag:s18], $0x4000  }
0x15e: {  	[sflag:s18] =	ssyncset.done $0x0  }
0x15f: {  	[sflag:s18] =	ssyncadd.s32 $0xFFFFC000  }
0x160: {  	[spmem:s2] =	stream.indirect.scatter.add.f32 [tilespmem:s16], [sflag:$0x4], $0x80, s29, s14, $0xb8;
	[tilespmem:$0x1D800] =	vst v63  }
0x161: {  	_ =	swait.ge [sflag:s12], $0x4000  }
0x162: {  	[sflag:s12] =	ssyncset.done $0x0  }
0x163: {  	[sflag:s12] =	ssyncadd.s32 $0xFFFFC000  }
0x164: {  	[tilespmem:s16], [sflag:$0x3] =	stream.indirect.gather [hbm4b:s4+s14], $0x80, s30, s14, $0xb8;
	[tilespmem:$0x1D800] =	vst v63  }
0x165: {  	_ =	swait.ge [sflag:s17], $0x4000  }
0x166: {  	[sflag:s17] =	ssyncset.done $0x0  }
0x167: {  	[sflag:s17] =	ssyncadd.s32 $0xFFFFC000  }
0x168: {  	[spmem:s2] =	stream.indirect.scatter.add.f32 [tilespmem:s15], [sflag:$0x4], $0x80, s31, s14, $0xb8;
	[tilespmem:$0x1D800] =	vst v63  }
0x169: {  	_ =	swait.ge [sflag:s12], $0x4000  }
0x16a: {  	[sflag:s12] =	ssyncset.done $0x0  }
0x16b: {  	[sflag:s12] =	ssyncadd.s32 $0xFFFFC000  }
0x16c: {  	[tilespmem:s15], [sflag:$0x2] =	stream.indirect.gather [hbm4b:s4+s14], $0x80, s1, s14, $0xb8;
	[tilespmem:$0x1D800] =	vst v63  }
0x16d: {  	_ =	swait.ge [sflag:s18], $0x4000  }
0x16e: {  	[sflag:s18] =	ssyncset.done $0x0  }
0x16f: {  	[sflag:s18] =	ssyncadd.s32 $0xFFFFC000  }
0x170: {  	[spmem:s2] =	stream.indirect.scatter.add.f32 [tilespmem:s16], [sflag:$0x4], $0x80, s0, s14, $0xb8;
	[tilespmem:$0x1D800] =	vst v63  }
0x171: {  	_ =	swait.ge [sflag:s12], $0x4000  }
0x172: {  	[sflag:s12] =	ssyncset.done $0x0  }
0x173: {  	[sflag:s12] =	ssyncadd.s32 $0xFFFFC000  }
0x174: {  	[tilespmem:s16], [sflag:$0x3] =	stream.indirect.gather [hbm4b:s4+s14], $0x80, s5, s14, $0xb8;
	[tilespmem:$0x1D800] =	vst v63  }
0x175: {  	_ =	swait.ge [sflag:s17], $0x4000  }
0x176: {  	[sflag:s17] =	ssyncset.done $0x0  }
0x177: {  	[sflag:s17] =	ssyncadd.s32 $0xFFFFC000  }
0x178: {  	[spmem:s2] =	stream.indirect.scatter.add.f32 [tilespmem:s15], [sflag:$0x4], $0x80, s7, s14, $0xb8;
	[tilespmem:$0x1D800] =	vst v63  }
0x179: {  	_ =	swait.ge [sflag:s12], $0x4000  }
0x17a: {  	[sflag:s12] =	ssyncset.done $0x0  }
0x17b: {  	[sflag:s12] =	ssyncadd.s32 $0xFFFFC000  }
0x17c: {  	p0 =	sne.s32 s11, $0x480;
	_ =	swait.ge [sflag:s18], $0x4000  }
.Ltmp0:
0x17d: {  	[sflag:s18] =	ssyncset.done $0x0;
	(pc) =	sbr.rel @p0 .LBB2_2-.Ltmp0, $4  }
0x17e: {  	[sflag:s18] =	ssyncadd.s32 $0xFFFFC000  }
0x17f: {  	[spmem:s2] =	stream.indirect.scatter.add.f32 [tilespmem:s16], [sflag:$0x4], $0x80, s8, s14, $0xb8;
	[tilespmem:$0x1D800] =	vst v63  }
0x180: {  	s9 =	smov.u32 s11;
	s11 =	sadd.s32 $0x180, s11;
	_ =	swait.ge [sflag:s12], $0x4000  }
0x181: {  	s6 =	smov.u32 s9;
	s10 =	rddreg [dreg:$0x4];
	[sflag:s12] =	ssyncset.done $0x0  }
0x182: {  	[sflag:s12] =	ssyncadd.s32 $0xFFFFC000;
	s9 =	sadd.s32 s6, s10  }
0x183: {  	[tilespmem:s3], [sflag:$0x4] =	stream.linear.gather [hbm4b:s9+s3], $0xA00, $0x38;
	[tilespmem:$0x1D800] =	vst v63  }
0x184: {  	_ =	swait.ge [sflag:s12], $0xA00  }
0x185: {  	s11 =	rddreg [dreg:$0x3];
	[sflag:s12] =	ssyncset.done $0x0  }
0x186: {  	s10 =	sadd.s32 s6, s11;
	[sflag:s12] =	ssyncadd.s32 $0xFFFFF600  }
0x187: {  	[tilespmem:s13], [sflag:$0x4] =	stream.linear.gather [hbm4b:s10+s3], $0xA00, $0x38;
	[tilespmem:$0x1D800] =	vst v63  }
0x188: {  	_ =	swait.ge [sflag:s12], $0xA00  }
0x189: {  	[sflag:s12] =	ssyncset.done $0x0  }
0x18a: {  	[sflag:s12] =	ssyncadd.s32 $0xFFFFF600  }
0x18b: {  	[tilespmem:s15], [sflag:$0x2] =	stream.indirect.gather [hbm4b:s4+s14], $0x80, s3, s14, $0xb8;
	[tilespmem:$0x1D800] =	vst v63  }
0x18c: {  	_ = 	snop  }
0x18d: {  	[tilespmem:s16], [sflag:$0x3] =	stream.indirect.gather [hbm4b:s4+s14], $0x80, s14, s14, $0xb8;
	[tilespmem:$0x1D800] =	vst v63  }
0x18e: {  	_ =	swait.ge [sflag:s17], $0x4000  }
0x18f: {  	[sflag:s17] =	ssyncset.done $0x0  }
0x190: {  	[sflag:s17] =	ssyncadd.s32 $0xFFFFC000  }
0x191: {  	[spmem:s2] =	stream.indirect.scatter.add.f32 [tilespmem:s15], [sflag:$0x4], $0x80, s13, s14, $0xb8;
	[tilespmem:$0x1D800] =	vst v63  }
0x192: {  	_ =	swait.ge [sflag:s12], $0x4000  }
0x193: {  	[sflag:s12] =	ssyncset.done $0x0  }
0x194: {  	s11 =	rddreg [dreg:$0x5];
	[sflag:s12] =	ssyncadd.s32 $0xFFFFC000  }
0x195: {  	[tilespmem:s15], [sflag:$0x2] =	stream.indirect.gather [hbm4b:s4+s14], $0x80, s11, s14, $0xb8;
	[tilespmem:$0x1D800] =	vst v63  }
0x196: {  	_ =	swait.ge [sflag:s18], $0x4000  }
0x197: {  	[sflag:s18] =	ssyncset.done $0x0  }
0x198: {  	s9 =	rddreg [dreg:$0x6];
	[sflag:s18] =	ssyncadd.s32 $0xFFFFC000  }
0x199: {  	[spmem:s2] =	stream.indirect.scatter.add.f32 [tilespmem:s16], [sflag:$0x4], $0x80, s9, s14, $0xb8;
	[tilespmem:$0x1D800] =	vst v63  }
0x19a: {  	_ =	swait.ge [sflag:s12], $0x4000  }
0x19b: {  	[sflag:s12] =	ssyncset.done $0x0  }
0x19c: {  	s10 =	rddreg [dreg:$0x7];
	[sflag:s12] =	ssyncadd.s32 $0xFFFFC000  }
0x19d: {  	[tilespmem:s16], [sflag:$0x3] =	stream.indirect.gather [hbm4b:s4+s14], $0x80, s10, s14, $0xb8;
	[tilespmem:$0x1D800] =	vst v63  }
0x19e: {  	_ =	swait.ge [sflag:s17], $0x4000  }
0x19f: {  	[sflag:s17] =	ssyncset.done $0x0  }
0x1a0: {  	s11 =	rddreg [dreg:$0x8];
	[sflag:s17] =	ssyncadd.s32 $0xFFFFC000  }
0x1a1: {  	[spmem:s2] =	stream.indirect.scatter.add.f32 [tilespmem:s15], [sflag:$0x4], $0x80, s11, s14, $0xb8;
	[tilespmem:$0x1D800] =	vst v63  }
0x1a2: {  	_ =	swait.ge [sflag:s12], $0x4000  }
0x1a3: {  	[sflag:s12] =	ssyncset.done $0x0  }
0x1a4: {  	s9 =	rddreg [dreg:$0x9];
	[sflag:s12] =	ssyncadd.s32 $0xFFFFC000  }
0x1a5: {  	[tilespmem:s15], [sflag:$0x2] =	stream.indirect.gather [hbm4b:s4+s14], $0x80, s9, s14, $0xb8;
	[tilespmem:$0x1D800] =	vst v63  }
0x1a6: {  	_ =	swait.ge [sflag:s18], $0x4000  }
0x1a7: {  	[sflag:s18] =	ssyncset.done $0x0  }
0x1a8: {  	s10 =	rddreg [dreg:$0xa];
	[sflag:s18] =	ssyncadd.s32 $0xFFFFC000  }
0x1a9: {  	[spmem:s2] =	stream.indirect.scatter.add.f32 [tilespmem:s16], [sflag:$0x4], $0x80, s10, s14, $0xb8;
	[tilespmem:$0x1D800] =	vst v63  }
0x1aa: {  	_ =	swait.ge [sflag:s12], $0x4000  }
0x1ab: {  	[sflag:s12] =	ssyncset.done $0x0  }
0x1ac: {  	s11 =	rddreg [dreg:$0xb];
	[sflag:s12] =	ssyncadd.s32 $0xFFFFC000  }
0x1ad: {  	[tilespmem:s16], [sflag:$0x3] =	stream.indirect.gather [hbm4b:s4+s14], $0x80, s11, s14, $0xb8;
	[tilespmem:$0x1D800] =	vst v63  }
0x1ae: {  	_ =	swait.ge [sflag:s17], $0x4000  }
0x1af: {  	[sflag:s17] =	ssyncset.done $0x0  }
0x1b0: {  	s9 =	rddreg [dreg:$0xc];
	[sflag:s17] =	ssyncadd.s32 $0xFFFFC000  }
0x1b1: {  	[spmem:s2] =	stream.indirect.scatter.add.f32 [tilespmem:s15], [sflag:$0x4], $0x80, s9, s14, $0xb8;
	[tilespmem:$0x1D800] =	vst v63  }
0x1b2: {  	_ =	swait.ge [sflag:s12], $0x4000  }
0x1b3: {  	[sflag:s12] =	ssyncset.done $0x0  }
0x1b4: {  	s10 =	rddreg [dreg:$0xd];
	[sflag:s12] =	ssyncadd.s32 $0xFFFFC000  }
0x1b5: {  	[tilespmem:s15], [sflag:$0x2] =	stream.indirect.gather [hbm4b:s4+s14], $0x80, s10, s14, $0xb8;
	[tilespmem:$0x1D800] =	vst v63  }
0x1b6: {  	_ =	swait.ge [sflag:s18], $0x4000  }
0x1b7: {  	[sflag:s18] =	ssyncset.done $0x0  }
0x1b8: {  	s11 =	rddreg [dreg:$0xe];
	[sflag:s18] =	ssyncadd.s32 $0xFFFFC000  }
0x1b9: {  	[spmem:s2] =	stream.indirect.scatter.add.f32 [tilespmem:s16], [sflag:$0x4], $0x80, s11, s14, $0xb8;
	[tilespmem:$0x1D800] =	vst v63  }
0x1ba: {  	_ =	swait.ge [sflag:s12], $0x4000  }
0x1bb: {  	[sflag:s12] =	ssyncset.done $0x0  }
0x1bc: {  	s9 =	rddreg [dreg:$0xf];
	[sflag:s12] =	ssyncadd.s32 $0xFFFFC000  }
0x1bd: {  	[tilespmem:s16], [sflag:$0x3] =	stream.indirect.gather [hbm4b:s4+s14], $0x80, s9, s14, $0xb8;
	[tilespmem:$0x1D800] =	vst v63  }
0x1be: {  	_ =	swait.ge [sflag:s17], $0x4000  }
0x1bf: {  	[sflag:s17] =	ssyncset.done $0x0  }
0x1c0: {  	s10 =	rddreg [dreg:$0x10];
	[sflag:s17] =	ssyncadd.s32 $0xFFFFC000  }
0x1c1: {  	[spmem:s2] =	stream.indirect.scatter.add.f32 [tilespmem:s15], [sflag:$0x4], $0x80, s10, s14, $0xb8;
	[tilespmem:$0x1D800] =	vst v63  }
0x1c2: {  	_ =	swait.ge [sflag:s12], $0x4000  }
0x1c3: {  	[sflag:s12] =	ssyncset.done $0x0  }
0x1c4: {  	s11 =	rddreg [dreg:$0x11];
	[sflag:s12] =	ssyncadd.s32 $0xFFFFC000  }
0x1c5: {  	[tilespmem:s15], [sflag:$0x2] =	stream.indirect.gather [hbm4b:s4+s14], $0x80, s11, s14, $0xb8;
	[tilespmem:$0x1D800] =	vst v63  }
0x1c6: {  	_ =	swait.ge [sflag:s18], $0x4000  }
0x1c7: {  	[sflag:s18] =	ssyncset.done $0x0  }
0x1c8: {  	s9 =	rddreg [dreg:$0x12];
	[sflag:s18] =	ssyncadd.s32 $0xFFFFC000  }
0x1c9: {  	[spmem:s2] =	stream.indirect.scatter.add.f32 [tilespmem:s16], [sflag:$0x4], $0x80, s9, s14, $0xb8;
	[tilespmem:$0x1D800] =	vst v63  }
0x1ca: {  	_ =	swait.ge [sflag:s12], $0x4000  }
0x1cb: {  	[sflag:s12] =	ssyncset.done $0x0  }
0x1cc: {  	s10 =	rddreg [dreg:$0x13];
	[sflag:s12] =	ssyncadd.s32 $0xFFFFC000  }
0x1cd: {  	[tilespmem:s16], [sflag:$0x3] =	stream.indirect.gather [hbm4b:s4+s14], $0x80, s10, s14, $0xb8;
	[tilespmem:$0x1D800] =	vst v63  }
0x1ce: {  	_ =	swait.ge [sflag:s17], $0x4000  }
0x1cf: {  	[sflag:s17] =	ssyncset.done $0x0  }
0x1d0: {  	s11 =	rddreg [dreg:$0x14];
	[sflag:s17] =	ssyncadd.s32 $0xFFFFC000  }
0x1d1: {  	[spmem:s2] =	stream.indirect.scatter.add.f32 [tilespmem:s15], [sflag:$0x4], $0x80, s11, s14, $0xb8;
	[tilespmem:$0x1D800] =	vst v63  }
0x1d2: {  	_ =	swait.ge [sflag:s12], $0x4000  }
0x1d3: {  	[sflag:s12] =	ssyncset.done $0x0  }
0x1d4: {  	s9 =	rddreg [dreg:$0x15];
	[sflag:s12] =	ssyncadd.s32 $0xFFFFC000  }
0x1d5: {  	[tilespmem:s15], [sflag:$0x2] =	stream.indirect.gather [hbm4b:s4+s14], $0x80, s9, s14, $0xb8;
	[tilespmem:$0x1D800] =	vst v63  }
0x1d6: {  	_ =	swait.ge [sflag:s18], $0x4000  }
0x1d7: {  	[sflag:s18] =	ssyncset.done $0x0  }
0x1d8: {  	s10 =	rddreg [dreg:$0x16];
	[sflag:s18] =	ssyncadd.s32 $0xFFFFC000  }
0x1d9: {  	[spmem:s2] =	stream.indirect.scatter.add.f32 [tilespmem:s16], [sflag:$0x4], $0x80, s10, s14, $0xb8;
	[tilespmem:$0x1D800] =	vst v63  }
0x1da: {  	_ =	swait.ge [sflag:s12], $0x4000  }
0x1db: {  	[sflag:s12] =	ssyncset.done $0x0  }
0x1dc: {  	s11 =	rddreg [dreg:$0x17];
	[sflag:s12] =	ssyncadd.s32 $0xFFFFC000  }
0x1dd: {  	[tilespmem:s16], [sflag:$0x3] =	stream.indirect.gather [hbm4b:s4+s14], $0x80, s11, s14, $0xb8;
	[tilespmem:$0x1D800] =	vst v63  }
0x1de: {  	_ =	swait.ge [sflag:s17], $0x4000  }
0x1df: {  	[sflag:s17] =	ssyncset.done $0x0  }
0x1e0: {  	s9 =	rddreg [dreg:$0x18];
	[sflag:s17] =	ssyncadd.s32 $0xFFFFC000  }
0x1e1: {  	[spmem:s2] =	stream.indirect.scatter.add.f32 [tilespmem:s15], [sflag:$0x4], $0x80, s9, s14, $0xb8;
	[tilespmem:$0x1D800] =	vst v63  }
0x1e2: {  	_ =	swait.ge [sflag:s12], $0x4000  }
0x1e3: {  	[sflag:s12] =	ssyncset.done $0x0  }
0x1e4: {  	[sflag:s12] =	ssyncadd.s32 $0xFFFFC000  }
0x1e5: {  	[tilespmem:s15], [sflag:$0x2] =	stream.indirect.gather [hbm4b:s4+s14], $0x80, s19, s14, $0xb8;
	[tilespmem:$0x1D800] =	vst v63  }
0x1e6: {  	_ =	swait.ge [sflag:s18], $0x4000  }
0x1e7: {  	[sflag:s18] =	ssyncset.done $0x0  }
0x1e8: {  	[sflag:s18] =	ssyncadd.s32 $0xFFFFC000  }
0x1e9: {  	[spmem:s2] =	stream.indirect.scatter.add.f32 [tilespmem:s16], [sflag:$0x4], $0x80, s20, s14, $0xb8;
	[tilespmem:$0x1D800] =	vst v63  }
0x1ea: {  	_ =	swait.ge [sflag:s12], $0x4000  }
0x1eb: {  	[sflag:s12] =	ssyncset.done $0x0  }
0x1ec: {  	[sflag:s12] =	ssyncadd.s32 $0xFFFFC000  }
0x1ed: {  	[tilespmem:s16], [sflag:$0x3] =	stream.indirect.gather [hbm4b:s4+s14], $0x80, s21, s14, $0xb8;
	[tilespmem:$0x1D800] =	vst v63  }
0x1ee: {  	_ =	swait.ge [sflag:s17], $0x4000  }
0x1ef: {  	[sflag:s17] =	ssyncset.done $0x0  }
0x1f0: {  	[sflag:s17] =	ssyncadd.s32 $0xFFFFC000  }
0x1f1: {  	[spmem:s2] =	stream.indirect.scatter.add.f32 [tilespmem:s15], [sflag:$0x4], $0x80, s22, s14, $0xb8;
	[tilespmem:$0x1D800] =	vst v63  }
0x1f2: {  	_ =	swait.ge [sflag:s12], $0x4000  }
0x1f3: {  	[sflag:s12] =	ssyncset.done $0x0  }
0x1f4: {  	[sflag:s12] =	ssyncadd.s32 $0xFFFFC000  }
0x1f5: {  	[tilespmem:s15], [sflag:$0x2] =	stream.indirect.gather [hbm4b:s4+s14], $0x80, s23, s14, $0xb8;
	[tilespmem:$0x1D800] =	vst v63  }
0x1f6: {  	_ =	swait.ge [sflag:s18], $0x4000  }
0x1f7: {  	[sflag:s18] =	ssyncset.done $0x0  }
0x1f8: {  	[sflag:s18] =	ssyncadd.s32 $0xFFFFC000  }
0x1f9: {  	[spmem:s2] =	stream.indirect.scatter.add.f32 [tilespmem:s16], [sflag:$0x4], $0x80, s24, s14, $0xb8;
	[tilespmem:$0x1D800] =	vst v63  }
0x1fa: {  	_ =	swait.ge [sflag:s12], $0x4000  }
0x1fb: {  	[sflag:s12] =	ssyncset.done $0x0  }
0x1fc: {  	[sflag:s12] =	ssyncadd.s32 $0xFFFFC000  }
0x1fd: {  	[tilespmem:s16], [sflag:$0x3] =	stream.indirect.gather [hbm4b:s4+s14], $0x80, s25, s14, $0xb8;
	[tilespmem:$0x1D800] =	vst v63  }
0x1fe: {  	_ =	swait.ge [sflag:s17], $0x4000  }
0x1ff: {  	[sflag:s17] =	ssyncset.done $0x0  }
0x200: {  	[sflag:s17] =	ssyncadd.s32 $0xFFFFC000  }
0x201: {  	[spmem:s2] =	stream.indirect.scatter.add.f32 [tilespmem:s15], [sflag:$0x4], $0x80, s26, s14, $0xb8;
	[tilespmem:$0x1D800] =	vst v63  }
0x202: {  	_ =	swait.ge [sflag:s12], $0x4000  }
0x203: {  	[sflag:s12] =	ssyncset.done $0x0  }
0x204: {  	[sflag:s12] =	ssyncadd.s32 $0xFFFFC000  }
0x205: {  	[tilespmem:s15], [sflag:$0x2] =	stream.indirect.gather [hbm4b:s4+s14], $0x80, s28, s14, $0xb8;
	[tilespmem:$0x1D800] =	vst v63  }
0x206: {  	_ =	swait.ge [sflag:s18], $0x4000  }
0x207: {  	[sflag:s18] =	ssyncset.done $0x0  }
0x208: {  	[sflag:s18] =	ssyncadd.s32 $0xFFFFC000  }
0x209: {  	[spmem:s2] =	stream.indirect.scatter.add.f32 [tilespmem:s16], [sflag:$0x4], $0x80, s29, s14, $0xb8;
	[tilespmem:$0x1D800] =	vst v63  }
0x20a: {  	_ =	swait.ge [sflag:s12], $0x4000  }
0x20b: {  	[sflag:s12] =	ssyncset.done $0x0  }
0x20c: {  	[sflag:s12] =	ssyncadd.s32 $0xFFFFC000  }
0x20d: {  	[tilespmem:s16], [sflag:$0x3] =	stream.indirect.gather [hbm4b:s4+s14], $0x80, s30, s14, $0xb8;
	[tilespmem:$0x1D800] =	vst v63  }
0x20e: {  	_ =	swait.ge [sflag:s17], $0x4000  }
0x20f: {  	[sflag:s17] =	ssyncset.done $0x0  }
0x210: {  	[sflag:s17] =	ssyncadd.s32 $0xFFFFC000  }
0x211: {  	[spmem:s2] =	stream.indirect.scatter.add.f32 [tilespmem:s15], [sflag:$0x4], $0x80, s31, s14, $0xb8;
	[tilespmem:$0x1D800] =	vst v63  }
0x212: {  	_ =	swait.ge [sflag:s12], $0x4000  }
0x213: {  	[sflag:s12] =	ssyncset.done $0x0  }
0x214: {  	[sflag:s12] =	ssyncadd.s32 $0xFFFFC000  }
0x215: {  	[tilespmem:s15], [sflag:$0x2] =	stream.indirect.gather [hbm4b:s4+s14], $0x80, s1, s14, $0xb8;
	[tilespmem:$0x1D800] =	vst v63  }
0x216: {  	_ =	swait.ge [sflag:s18], $0x4000  }
0x217: {  	[sflag:s18] =	ssyncset.done $0x0  }
0x218: {  	[sflag:s18] =	ssyncadd.s32 $0xFFFFC000  }
0x219: {  	[spmem:s2] =	stream.indirect.scatter.add.f32 [tilespmem:s16], [sflag:$0x4], $0x80, s0, s14, $0xb8;
	[tilespmem:$0x1D800] =	vst v63  }
0x21a: {  	_ =	swait.ge [sflag:s12], $0x4000  }
0x21b: {  	[sflag:s12] =	ssyncset.done $0x0  }
0x21c: {  	[sflag:s12] =	ssyncadd.s32 $0xFFFFC000  }
0x21d: {  	[tilespmem:s16], [sflag:$0x3] =	stream.indirect.gather [hbm4b:s4+s14], $0x80, s5, s14, $0xb8;
	[tilespmem:$0x1D800] =	vst v63  }
0x21e: {  	_ =	swait.ge [sflag:s17], $0x4000  }
0x21f: {  	[sflag:s17] =	ssyncset.done $0x0  }
0x220: {  	[sflag:s17] =	ssyncadd.s32 $0xFFFFC000  }
0x221: {  	[spmem:s2] =	stream.indirect.scatter.add.f32 [tilespmem:s15], [sflag:$0x4], $0x80, s7, s14, $0xb8;
	[tilespmem:$0x1D800] =	vst v63  }
0x222: {  	_ =	swait.ge [sflag:s12], $0x4000  }
0x223: {  	[sflag:s12] =	ssyncset.done $0x0  }
0x224: {  	[sflag:s12] =	ssyncadd.s32 $0xFFFFC000  }
0x225: {  	_ =	swait.ge [sflag:s18], $0x4000  }
0x226: {  	[sflag:s18] =	ssyncset.done $0x0  }
0x227: {  	[sflag:s18] =	ssyncadd.s32 $0xFFFFC000  }
0x228: {  	[spmem:s2] =	stream.indirect.scatter.add.f32 [tilespmem:s16], [sflag:$0x4], $0x80, s8, s14, $0xb8;
	[tilespmem:$0x1D800] =	vst v63  }
0x229: {  	_ =	swait.ge [sflag:s12], $0x4000  }
0x22a: {  	[sflag:s12] =	ssyncset.done $0x0  }
0x22b: {  	[sflag:s12] =	ssyncadd.s32 $0xFFFFC000  }
0x22c: {  	[bflag:$0x0] =	sbarrier.arrive $0xFFFF  }
0x22d: {  	s10 =	rddreg [dreg:$0x1a]  }
0x22e: {  	s11 =	rddreg [dreg:$0x1c]  }
0x22f: {  	s6 =	sor.u32 $0x1C04, s10;
	s10 =	rddreg [dreg:$0x1e]  }
0x230: {  	[hbm:s11], [sflag:s6] =	dma.local [spmem:s10], $0x2800  }
0x231: {  	_ =	swait.ge [sflag:s12], $0x2800  }
0x232: {  	s6 =	rddreg [dreg:$0x1f]  }
0x233: {  	s11 =	rddreg [dreg:$0x1d];
	s9 =	sadd.s32 $0x1, s6  }
0x234: {  	p0 =	sne.s32 s9, s11  }
.Ltmp1:
0x235: {  	_ = 	snop;
	(pc) =	sbr.rel @p0 .LBB2_1-.Ltmp1, $3  }
0x236: {  	_ =	sdelay $0x1  }
0x237: {  	[sflag:s12] =	ssyncset.done $0x0  }
0x238: {  	[sflag:s12] =	ssyncadd.s32 $0xFFFFD800  }
0x239: {  	_ =	sfence.sel $0x180000  }
0x23a: {  	[bflag:$0x0] =	sbarrier.arrive $0xFFFF  }
0x23b: {  	_ =	strace $0x9000004D  }
0x23c: {  	s0 =	stileid.u32;
	[bflag:$0x2] =	sbarrier.arrive $0xFFFF  }
0x23d: {  	p0 =	sne.s32 s0, $0x0;
	s0 =	rddreg [dreg:$0x2]  }
0x23e: {  	s0 =	sadd.s32 @!p0 $0x100000, s0  }
0x23f: {  	[sflag:s0] =	ssyncadd.tile.s32 @!p0 $0x1;
	_ =	shalt  }
.Lfunc_end2:
_tile_overlayer_lowered:
.L_overlay_start_2:
0x240: {  	(tag) =	ssettag $0x2  }
0x241: {  	s0 =	rddreg [dreg:$0x0];
	s2 =	stileid.u32  }
0x242: {  	s1 =	rddreg [dreg:$0x1];
	p0 =	sne.s32 s2, $0x0  }
0x243: {  	s3 =	rddreg [dreg:$0x2];
	[bflag:$0x3] =	sbarrier.arrive $0xFFFF;
	s2 =	simm.s32 @!p0 $0x1C04  }
0x244: {  	[timem:s3], [sflag:s2] =	dma.local @!p0 [hbm:s0], s1  }
0x245: {  	s0 =	simm.s32 @!p0 $0x4  }
0x246: {  	_ =	swait.ge @!p0 [sflag:s0], s1  }
0x247: {  	s1 =	ssub.s32 @!p0 $0x0, s1;
	[sflag:s0] =	ssyncset.done @!p0 $0x0  }
0x248: {  	[sflag:s0] =	ssyncadd.s32 @!p0 s1  }
0x249: {  	[bflag:$0x3] =	sbarrier.arrive $0xFFFF  }
0x24a: {  	_ =	shalt  }

// kernel: kernel.8.cloned.1.call-start
scs
__scs_entry_jumppad:
0x0: {  	(pc) =	sbr.rel $0x88, $3  }
0x1: {  	(tag) =	ssettag $0x0;
	lr =	simm.s32 $0x1  }
0x2: {  	[smem:$0x3F94] =	sst lr;
	_ =	strace $0xD0000000  }
0x3: {  	_ = 	snop  }
0x4: {  	_ = 	snop  }
0x5: {  	_ = 	snop  }
0x6: {  	_ = 	snop  }
0x7: {  	_ = 	snop  }
__scs_overlays_trampoline_lowered:
0x8: {  	[smem:$0x3FA3] =	sst s0  }
0x9: {  	[smem:$0x3FA4] =	sst s1  }
0xa: {  	[smem:$0x3FA5] =	sst s2  }
0xb: {  	[smem:$0x3FA6] =	sst s3  }
0xc: {  	[smem:$0x3FA7] =	sst s4  }
0xd: {  	[smem:$0x3FA8] =	sst s5  }
0xe: {  	[smem:$0x3FA9] =	sst s6  }
0xf: {  	[smem:$0x3FAA] =	sst s7  }
0x10: {  	[smem:$0x3FAB] =	sst s8  }
0x11: {  	[smem:$0x3FAC] =	sst s9;
	s0 =	simm.s32 @!p0 $0x0  }
0x12: {  	s1 =	sld [smem:$0x3F92];
	s0 =	simm.s32 @p0 $0x1  }
0x13: {  	[smem:$0x3FAD] =	sst s0;
	s0 =	simm.s32 @!p1 $0x0  }
0x14: {  	s2 =	sld [smem:$0x3F91];
	s0 =	simm.s32 @p1 $0x1  }
0x15: {  	[smem:$0x3FAE] =	sst s0;
	s0 =	simm.s32 @!p2 $0x0  }
0x16: {  	s3 =	sld [smem:$0x3FDB];
	s0 =	simm.s32 @p2 $0x1  }
0x17: {  	s4 =	simm.s32 $0x1BF5;
	[smem:$0x3FB0] =	sst s0  }
0x18: {  	s0 =	sld [smem:$0x3F93];
	_ =	swait.ge [sflag:s4], $0x0  }
0x19: {  	s7 =	sld [smem:$0x3F94]  }
0x1a: {  	s8 =	sadd.s32 $0xFFFFE003, lr  }
0x1b: {  	s9 =	sadd.s32 $0xFFFFFEF7, lr;
	s5 =	simm.s32 $0xFFFFFFFF;
	p2 =	slt.u32 s8, $0xFFFFF086  }
0x1c: {  	p1 =	slt.u32 s9, $0xF7A;
	s5 =	simm.s32 @!p2 $0x0  }
0x1d: {  	s5 =	simm.s32 @p1 $0x1;
	p0 =	seq.s32 s7, s2  }
0x1e: {  	s7 =	smul.u32 @!p0 $0xF7A, s2;
	p2 =	seq.s32 @!p0 s5, $0x0  }
0x1f: {  	s9 =	smul.u32 $0xF7A, s1;
	s8 =	simm.s32 @!p0 $0x1BF5;
	p2 =	por !p2, p0  }
0x20: {  	[sflag:s8] =	ssyncset.s32 @!p0 $0xFFFFF086;
	s6 =	sadd.s32 @!p0 s3, s7;
	s7 =	simm.s32 @!p0 $0x108  }
0x21: {  	s3 =	sadd.s32 s3, s9;
	s6 =	sadd.s32 @!p0 $0x88, s6;
	s7 =	simm.s32 @p2 $0x1082  }
0x22: {  	[simem:s7], [sflag:s8] =	dma.local @!p0 [hbm:s6], $0xF7A  }
0x23: {  	s9 =	sor.u32 $0xD0000000, s2;
	s6 =	simm.s32 $0x108;
	_ =	swait.ge @!p0 [sflag:s8], $0x0  }
0x24: {  	s3 =	sadd.s32 $0x88, s3;
	s6 =	simm.s32 @!p1 $0x1082;
	[sflag:s4] =	ssyncset.s32 $0xFFFFF086  }
0x25: {  	[simem:s6], [sflag:s4] =	dma.local [hbm:s3], $0xF7A  }
0x26: {  	[smem:$0x3F94] =	sst s1;
	(tag) =	ssettag s2;
	_ =	strace s9  }
0x27: {  	s1 =	sld [smem:$0x3FA4]  }
0x28: {  	s2 =	sld [smem:$0x3FA5]  }
0x29: {  	s4 =	sld [smem:$0x3FA7]  }
0x2a: {  	p0 =	seq.s32 s5, $0x0;
	s5 =	sld [smem:$0x3FA8]  }
0x2b: {  	s6 =	sld [smem:$0x3FA9]  }
0x2c: {  	s7 =	sld [smem:$0x3FAA]  }
0x2d: {  	s3 =	simm.s32 $0x108;
	s8 =	sld [smem:$0x3FAB]  }
0x2e: {  	s3 =	simm.s32 @!p0 $0x1082;
	s9 =	sld [smem:$0x3FAC]  }
0x2f: {  	lr =	sadd.s32 s0, s3;
	s0 =	sld [smem:$0x3FA3]  }
0x30: {  	s3 =	sld [smem:$0x3FA6]  }
0x31: {  	[smem:$0x3FAF] =	sst s10  }
0x32: {  	s10 =	sld [smem:$0x3FAD];
	_ =	sdelay $0x3  }
0x33: {  	p0 =	seq.s32 s10, $0x1;
	s10 =	sld [smem:$0x3FAF];
	_ =	sdelay $0x3  }
0x34: {  	[smem:$0x3FAF] =	sst s10  }
0x35: {  	s10 =	sld [smem:$0x3FAE];
	_ =	sdelay $0x3  }
0x36: {  	p1 =	seq.s32 s10, $0x1;
	s10 =	sld [smem:$0x3FAF];
	_ =	sdelay $0x3  }
0x37: {  	[smem:$0x3FAF] =	sst s10  }
0x38: {  	s10 =	sld [smem:$0x3FB0]  }
0x39: {  	_ = 	snop;
	(pc) =	sbr.ind lr, $3  }
0x3a: {  	_ = 	snop  }
0x3b: {  	_ = 	snop  }
0x3c: {  	p2 =	seq.s32 s10, $0x1;
	s10 =	sld [smem:$0x3FAF]  }
0x3d: {  	_ =	shalt  }
0x3e: {  	_ =	shalt  }
0x3f: {  	_ =	shalt  }
0x40: {  	_ =	shalt  }
0x41: {  	_ =	shalt  }
0x42: {  	_ =	shalt  }
0x43: {  	_ =	shalt  }
0x44: {  	_ =	shalt  }
0x45: {  	_ =	shalt  }
0x46: {  	_ =	shalt  }
0x47: {  	_ =	shalt  }
0x48: {  	_ =	shalt  }
0x49: {  	_ =	shalt  }
0x4a: {  	_ =	shalt  }
0x4b: {  	_ =	shalt  }
0x4c: {  	_ =	shalt  }
0x4d: {  	_ =	shalt  }
0x4e: {  	_ =	shalt  }
0x4f: {  	_ =	shalt  }
0x50: {  	_ =	shalt  }
0x51: {  	_ =	shalt  }
0x52: {  	_ =	shalt  }
0x53: {  	_ =	shalt  }
0x54: {  	_ =	shalt  }
0x55: {  	_ =	shalt  }
0x56: {  	_ =	shalt  }
0x57: {  	_ =	shalt  }
0x58: {  	_ =	shalt  }
0x59: {  	_ =	shalt  }
0x5a: {  	_ =	shalt  }
0x5b: {  	_ =	shalt  }
0x5c: {  	_ =	shalt  }
0x5d: {  	_ =	shalt  }
0x5e: {  	_ =	shalt  }
0x5f: {  	_ =	shalt  }
0x60: {  	_ =	shalt  }
0x61: {  	_ =	shalt  }
0x62: {  	_ =	shalt  }
0x63: {  	_ =	shalt  }
0x64: {  	_ =	shalt  }
0x65: {  	_ =	shalt  }
0x66: {  	_ =	shalt  }
0x67: {  	_ =	shalt  }
0x68: {  	_ =	shalt  }
0x69: {  	_ =	shalt  }
0x6a: {  	_ =	shalt  }
0x6b: {  	_ =	shalt  }
0x6c: {  	_ =	shalt  }
0x6d: {  	_ =	shalt  }
0x6e: {  	_ =	shalt  }
0x6f: {  	_ =	shalt  }
0x70: {  	_ =	shalt  }
0x71: {  	_ =	shalt  }
0x72: {  	_ =	shalt  }
0x73: {  	_ =	shalt  }
0x74: {  	_ =	shalt  }
0x75: {  	_ =	shalt  }
0x76: {  	_ =	shalt  }
0x77: {  	_ =	shalt  }
0x78: {  	_ =	shalt  }
0x79: {  	_ =	shalt  }
0x7a: {  	_ =	shalt  }
0x7b: {  	_ =	shalt  }
0x7c: {  	_ =	shalt  }
0x7d: {  	_ =	shalt  }
0x7e: {  	_ =	shalt  }
0x7f: {  	_ =	shalt  }
0x80: {  	_ =	shalt  }
0x81: {  	_ =	shalt  }
0x82: {  	_ =	shalt  }
0x83: {  	_ =	shalt  }
0x84: {  	_ =	shalt  }
0x85: {  	_ =	shalt  }
0x86: {  	_ =	shalt  }
0x87: {  	_ =	shalt  }
.Lfunc_end0:
.L_simem_size_0:
called_computation_lowered:
.L_overlay_start_0:
0x88: {  	s2 =	sld [smem:$0x3FD9]  }
0x89: {  	s3 =	sld [smem:$0x3FFE];
	_ =	sdelay $0x1  }
0x8a: {  	s1 =	srdreg.scid  }
0x8b: {  	s0 =	sand.u32 $0x1, s1  }
0x8c: {  	s17 =	sshll.u32 s0, $0xA;
	s2 =	sadd.s32 s3, s2  }
0x8d: {  	s2 =	sadd.s32 s2, s17  }
0x8e: {  	[smem:$0x3FBB] =	sst s2  }
0x8f: {  	_ = 	snop  }
0x90: {  	(tm) =	ssettm $0x1  }
0x91: {  	s18 =	sld [smem:$0x3FFB];
	_ =	sdelay $0x3  }
0x92: {  	_ =	strace s18  }
0x93: {  	s2 =	sld [smem:$0x3FFC];
	_ =	sdelay $0x3  }
0x94: {  	_ =	strace s2  }
0x95: {  	s2 =	sld [smem:$0x3FFD];
	_ =	sdelay $0x3  }
0x96: {  	_ =	strace s2  }
0x97: {  	_ =	strace $0x8FFFFFFF  }
0x98: {  	s19 =	sld [smem:$0x3FDB];
	_ =	sdelay $0x1  }
0x99: {  	s20 =	simm.s32 $_scs_section_size  }
0x9a: {  	s4 =	simm.s32 $_size__tile_overlayer_lowered;
	s5 =	simm.s32 $_tile_overlayer_lowered  }
0x9b: {  	s6 =	simm.s32 $0x1BFF;
	s21 =	sshll.u32 s5, $0x1;
	s3 =	sadd.s32 s20, s19  }
0x9c: {  	s22 =	simm.s32 $0x0;
	s4 =	sshll.u32 s4, $0x1;
	s5 =	sadd.s32 s21, s3  }
0x9d: {  	[timem:s22], [sflag:s6] =	dma.local [hbm:s5], s4  }
0x9e: {  	_ =	swait.ge [sflag:s6], s4  }
0x9f: {  	s4 =	ssub.s32 $0x0, s4;
	[sflag:s6] =	ssyncset.done $0x0  }
0xa0: {  	[sflag:s6] =	ssyncadd.s32 s4;
	_ =	sdelay $0x1  }
0xa1: {  	s23 =	simm.s32 $0x1B8B  }
0xa2: {  	_ =	swait.ge [sflag:s23], $0x1  }
0xa3: {  	[sflag:s23] =	ssyncset.done $0x0  }
0xa4: {  	[sflag:s23] =	ssyncadd.s32 $0xFFFFFFFF  }
0xa5: {  	s4 =	sld [smem:$0x0]  }
0xa6: {  	s5 =	sand.u32 $0xFFFFFFFE, s1  }
0xa7: {  	p0 =	sne.s32 s1, s5  }
0xa8: {  	s5 =	sshll.u32 @p0 s5, $0xE  }
0xa9: {  	s5 =	sadd.s32 @p0 $0x11B8D, s5;
	s6 =	sshll.u32 @p0 s4, $0x11  }
0xaa: {  	s5 =	sor.u32 @p0 s6, s5  }
0xab: {  	[sflag:s5] =	ssyncadd.remote.s32 @p0 $0x1;
	_ =	sdelay $0x1  }
0xac: {  	s5 =	simm.s32 @p0 $0x1B8D  }
0xad: {  	_ =	swait.eq @p0 [sflag:s5], $0x1  }
0xae: {  	[sflag:s5] =	ssyncadd.s32 @p0 $0xFFFFFFFF  }
0xaf: {  	s6 =	sshll.u32 @!p0 s1, $0xE  }
0xb0: {  	s6 =	sor.u32 @!p0 $0x4000, s6;
	s5 =	simm.s32 @!p0 $0x1B8D  }
0xb1: {  	s4 =	sshll.u32 @!p0 s4, $0x11;
	s6 =	sadd.s32 @!p0 $0x11B8D, s6;
	_ =	swait.eq @!p0 [sflag:s5], $0x1  }
0xb2: {  	s4 =	sor.u32 @!p0 s4, s6;
	[sflag:s5] =	ssyncadd.s32 @!p0 $0xFFFFFFFF  }
0xb3: {  	s25 =	simm.s32 $0x1B8E;
	s24 =	sld [smem:$0x3FFE];
	[sflag:s4] =	ssyncadd.remote.s32 @!p0 $0x1  }
0xb4: {  	s26 =	simm.s32 $execute0_lowered;
	[smem:$0x3FD2] =	sst s25  }
0xb5: {  	s5 =	sshll.u32 s26, $0x1;
	_ =	strace $0x80000049;
	[dreg:$0x1] =	wrdreg $0xFFFFFFFF  }
0xb6: {  	s28 =	simm.s32 $_size_execute0_lowered;
	s3 =	sadd.s32 s3, s5;
	[dreg:$0x0] =	wrdreg $0x0  }
0xb7: {  	s5 =	sshll.u32 s28, $0x1;
	[dreg:$0x2] =	wrdreg s3  }
0xb8: {  	[dreg:$0x3] =	wrdreg s5  }
0xb9: {  	[dreg:$0x4] =	wrdreg $0xC0  }
0xba: {  	_ =	task [dreg:s22], $0x5FFFF  }
0xbb: {  	[dreg:$0x1] =	wrdreg $0xFFFFFFFF  }
0xbc: {  	[dreg:$0x0] =	wrdreg $0x60  }
0xbd: {  	[dreg:$0x2] =	wrdreg s24  }
0xbe: {  	[dreg:$0x3] =	wrdreg $0x8C000  }
0xbf: {  	[dreg:$0x4] =	wrdreg $0x9  }
0xc0: {  	_ =	task.clear_ibuf [dreg:s22], $0x5FFFF;
	_ =	strace $0x90000049  }
0xc1: {  	s29 =	simm.s32 $0x9;
	_ =	strace $0x8000004B  }
0xc2: {  	_ =	swait.ge [sflag:s29], $0x1  }
0xc3: {  	[sflag:s29] =	ssyncadd.s32 $0xFFFFFFFF  }
0xc4: {  	_ =	strace $0x9000004B  }
0xc5: {  	_ =	sfence  }
0xc6: {  	s30 =	sld [smem:$0x0];
	_ =	sdelay $0x2  }
0xc7: {  	s31 =	sshll.u32 s1, $0xD;
	s1 =	sshrl.u32 s1, $0x2  }
0xc8: {  	s4 =	sand.u32 $0x4000, s31;
	s1 =	sadd.s32 s1, s30  }
0xc9: {  	s0 =	sor.u32 s4, s0;
	s1 =	sshll.u32 s1, $0x11  }
0xca: {  	s0 =	sor.u32 s1, s0  }
0xcb: {  	s0 =	sadd.s32 $0x8F2B, s0  }
0xcc: {  	[sflag:s0] =	ssyncadd.remote.s32 $0x1  }
0xcd: {  	_ =	sfence.sel $0xFFFF  }
0xce: {  	[dreg:$0x0] =	wrdreg $0xFFFFFFFF;
	(pc) =	sbr.abs _section_cstart, $3  }
0xcf: {  	[dreg:$0x1] =	wrdreg $0xFFFFFFFF  }
0xd0: {  	_ =	task.clear_ibuf [dreg:s22], $0x2FFFF;
	_ =	strace $0x9FFFFFFF  }
0xd1: {  	(tm) =	ssettm $0x7FFFFFFF  }
tec
execute0_lowered:
.L_overlay_start_1:
0x0: {  	(tag) =	ssettag $0x1  }
0x1: {  	s0 =	rddreg [dreg:$0x0];
	s1 =	srdreg.scid  }
0x2: {  	s2 =	rddreg [dreg:$0x1];
	s12 =	stileid.u32  }
0x3: {  	s3 =	simm.s32 $0x0;
	s17 =	simm.s32 $0x1;
	s18 =	simm.s32 $0x4  }
0x4: {  	s19 =	simm.s32 $0xC00;
	s20 =	simm.s32 $0x4C00;
	s21 =	simm.s32 $0x2  }
0x5: {  	s22 =	simm.s32 $0x80;
	s23 =	simm.s32 $0x3;
	s6 =	smul.u32 $0x14000, s12  }
0x6: {  	s24 =	simm.s32 $0x900;
	s25 =	simm.s32 $0x980;
	s8 =	smul.u32 $0x50000, s12  }
0x7: {  	s1 =	sand.u32 $0x1, s1;
	[smem:$0x7FF] =	sst s3;
	s11 =	smul.u32 $0x140000, s12  }
0x8: {  	s4 =	sadd.s32 $0x54FA00, s0;
	s26 =	sadd.s32 $0x1B200, s0;
	s5 =	smul.u32 $0x140000, s1  }
0x9: {  	_ =	strace $0x8000004A;
	[dreg:$0x3] =	wrdreg s26;
	s28 =	ssub.s32 $0x2, s1  }
0xa: {  	s10 =	sshll.u32 s1, $0x4;
	s1 =	smul.u32 $0x1400000, s1;
	s26 =	simm.s32 $0x0  }
0xb: {  	s9 =	sshrl.u32 s28, $0x1;
	s10 =	sor.u32 s12, s10;
	s29 =	sshrl.u32 s8, $0x2  }
0xc: {  	s7 =	sadd.s32 s6, s5;
	s5 =	sadd.s32 $0x3200, s0;
	s13 =	ssub.s32 s28, s9  }
0xd: {  	s8 =	smul.u32 $0x140000, s10;
	s16 =	sadd.s32 s29, s2;
	s1 =	sadd.s32 s11, s1  }
0xe: {  	s10 =	smul.u32 $0x3000, s10;
	s7 =	sshrl.u32 s7, $0x3;
	s14 =	sor.u32 $0xC000, s1  }
0xf: {  	s1 =	sor.u32 $0x8000, s1;
	s13 =	smax.u32 s13, $0x1;
	s16 =	sshrl.u32 s16, $0x3  }
0x10: {  	s0 =	sadd.s32 s7, s0;
	s7 =	sshll.u32 s12, $0x6;
	s11 =	sor.u32 $0x4000, s8  }
0x11: {  	s30 =	sshrl.u32 s14, $0x3;
	s31 =	sshrl.u32 s1, $0x3;
	s9 =	sor.u32 $0x1C01, s7  }
0x12: {  	s12 =	sadd.s32 $0x6DA00, s0;
	s14 =	sadd.s32 s30, s4;
	s15 =	sadd.s32 s31, s4  }
.LBB2_1:
0x13: {  	s0 =	rddreg [dreg:$0x3]  }
0x14: {  	[spmem:s16], [sflag:s9] =	dma.local [hbm:s0], $0x2800  }
0x15: {  	_ =	swait.ge [sflag:s17], $0x2800  }
0x16: {  	[sflag:s17] =	ssyncset.done $0x0  }
0x17: {  	s28 =	smov.u32 s15;
	[sflag:s17] =	ssyncadd.s32 $0xFFFFD800  }
0x18: {  	s29 =	smov.u32 s14;
	s30 =	simm.s32 $0x0;
	[bflag:$0x0] =	sbarrier.arrive $0xFFFF  }
.LBB2_2:
0x19: {  	s0 =	smul.u32 $0xC00, s30;
	_ =	sdelay $0x1  }
0x1a: {  	s0 =	sadd.s32 s10, s0  }
0x1b: {  	s0 =	sshrl.u32 s0, $0x3  }
0x1c: {  	s1 =	simm.s32 $0x0;
	s31 =	smul.u32 $0x50000, s30;
	s0 =	sadd.s32 s5, s0  }
0x1d: {  	[tilespmem:s1], [sflag:$0x4] =	stream.linear.gather [hbm4b:s0+s1], $0xA00, $0x38;
	[tilespmem:$0x1CC00] =	vst v63  }
0x1e: {  	s6 =	sadd.s32 s8, s31;
	_ =	swait.ge [sflag:s18], $0xA00  }
0x1f: {  	s0 =	sshrl.u32 s6, $0x3;
	[sflag:s18] =	ssyncset.done $0x0  }
0x20: {  	s6 =	sadd.s32 s31, s11;
	s0 =	sadd.s32 s4, s0;
	[sflag:s18] =	ssyncadd.s32 $0xFFFFF600  }
0x21: {  	[tilespmem:s19], [sflag:$0x2] =	stream.linear.gather [hbm4b:s0+s1], $0x4000, $0x38;
	[tilespmem:$0x1CC00] =	vst v63  }
0x22: {  	s0 =	sshrl.u32 s6, $0x3  }
0x23: {  	s0 =	sadd.s32 s4, s0  }
0x24: {  	[tilespmem:s20], [sflag:$0x3] =	stream.linear.gather [hbm4b:s0+s1], $0x4000, $0x38;
	[tilespmem:$0x1CC00] =	vst v63  }
0x25: {  	_ =	swait.ge [sflag:s21], $0x4000  }
0x26: {  	[sflag:s21] =	ssyncset.done $0x0  }
0x27: {  	[sflag:s21] =	ssyncadd.s32 $0xFFFFC000  }
0x28: {  	[spmem:s2] =	stream.indirect.scatter.add.f32 [tilespmem:s19], [sflag:$0x4], $0x80, s1, s22, $0xb8;
	[tilespmem:$0x1CC00] =	vst v63  }
0x29: {  	_ =	swait.ge [sflag:s18], $0x4000  }
0x2a: {  	[sflag:s18] =	ssyncset.done $0x0  }
0x2b: {  	s1 =	sadd.s32 $0x0, s28;
	[sflag:s18] =	ssyncadd.s32 $0xFFFFC000  }
0x2c: {  	[tilespmem:s19], [sflag:$0x2] =	stream.linear.gather [hbm4b:s1+s3], $0x4000, $0x38;
	[tilespmem:$0x1CC00] =	vst v63  }
0x2d: {  	_ =	swait.ge [sflag:s23], $0x4000  }
0x2e: {  	[sflag:s23] =	ssyncset.done $0x0  }
0x2f: {  	s6 =	simm.s32 $0x80;
	[sflag:s23] =	ssyncadd.s32 $0xFFFFC000  }
0x30: {  	[spmem:s2] =	stream.indirect.scatter.add.f32 [tilespmem:s20], [sflag:$0x4], $0x80, s6, s22, $0xb8;
	[tilespmem:$0x1CC00] =	vst v63  }
0x31: {  	_ =	swait.ge [sflag:s18], $0x4000  }
0x32: {  	s31 =	simm.s32 $0x1000;
	[sflag:s18] =	ssyncset.done $0x0  }
0x33: {  	s0 =	simm.s32 $0x100;
	s1 =	sadd.s32 $0x0, s29;
	[sflag:s18] =	ssyncadd.s32 $0xFFFFC000  }
.LBB2_3:
0x34: {  	[tilespmem:s20], [sflag:$0x3] =	stream.linear.gather [hbm4b:s1+s3], $0x4000, $0x38;
	[tilespmem:$0x1CC00] =	vst v63  }
0x35: {  	s1 =	smov.u32 s31  }
0x36: {  	p0 =	sne.s32 s31, $0x8000;
	s31 =	sadd.s32 $0x1000, s31;
	_ =	swait.ge [sflag:s21], $0x4000  }
0x37: {  	[sflag:s21] =	ssyncset.done $0x0  }
0x38: {  	[sflag:s21] =	ssyncadd.s32 $0xFFFFC000  }
0x39: {  	[spmem:s2] =	stream.indirect.scatter.add.f32 [tilespmem:s19], [sflag:$0x4], $0x80, s0, s22, $0xb8;
	[tilespmem:$0x1CC00] =	vst v63  }
0x3a: {  	_ =	swait.ge [sflag:s18], $0x4000  }
0x3b: {  	[sflag:s18] =	ssyncset.done $0x0  }
0x3c: {  	s6 =	sadd.s32 s1, s28;
	[sflag:s18] =	ssyncadd.s32 $0xFFFFC000  }
0x3d: {  	[tilespmem:s19], [sflag:$0x2] =	stream.linear.gather [hbm4b:s6+s3], $0x4000, $0x38;
	[tilespmem:$0x1CC00] =	vst v63  }
0x3e: {  	_ =	swait.ge [sflag:s23], $0x4000  }
0x3f: {  	[sflag:s23] =	ssyncset.done $0x0  }
.Ltmp0:
0x40: {  	s6 =	sadd.s32 $0x80, s0;
	[sflag:s23] =	ssyncadd.s32 $0xFFFFC000;
	(pc) =	sbr.rel @p0 .LBB2_3-.Ltmp0, $4  }
0x41: {  	[spmem:s2] =	stream.indirect.scatter.add.f32 [tilespmem:s20], [sflag:$0x4], $0x80, s6, s22, $0xb8;
	[tilespmem:$0x1CC00] =	vst v63  }
0x42: {  	_ =	swait.ge [sflag:s18], $0x4000  }
0x43: {  	[sflag:s18] =	ssyncset.done $0x0  }
0x44: {  	s1 =	sadd.s32 s1, s29;
	s0 =	sadd.s32 $0x100, s0;
	[sflag:s18] =	ssyncadd.s32 $0xFFFFC000  }
0x45: {  	[tilespmem:s20], [sflag:$0x3] =	stream.linear.gather [hbm4b:s1+s3], $0x4000, $0x38;
	[tilespmem:$0x1CC00] =	vst v63  }
0x46: {  	_ =	swait.ge [sflag:s21], $0x4000  }
0x47: {  	[sflag:s21] =	ssyncset.done $0x0  }
0x48: {  	[sflag:s21] =	ssyncadd.s32 $0xFFFFC000  }
0x49: {  	[spmem:s2] =	stream.indirect.scatter.add.f32 [tilespmem:s19], [sflag:$0x4], $0x80, s24, s22, $0xb8;
	[tilespmem:$0x1CC00] =	vst v63  }
0x4a: {  	_ =	swait.ge [sflag:s18], $0x4000  }
0x4b: {  	[sflag:s18] =	ssyncset.done $0x0  }
0x4c: {  	[sflag:s18] =	ssyncadd.s32 $0xFFFFC000  }
0x4d: {  	s30 =	sadd.s32 $0x1, s30;
	_ =	swait.ge [sflag:s23], $0x4000  }
0x4e: {  	p0 =	sne.s32 s30, $0x4;
	[sflag:s23] =	ssyncset.done $0x0  }
.Ltmp1:
0x4f: {  	[sflag:s23] =	ssyncadd.s32 $0xFFFFC000;
	(pc) =	sbr.rel @p0 .LBB2_2-.Ltmp1, $4  }
0x50: {  	[spmem:s2] =	stream.indirect.scatter.add.f32 [tilespmem:s20], [sflag:$0x4], $0x80, s25, s22, $0xb8;
	[tilespmem:$0x1CC00] =	vst v63  }
0x51: {  	_ =	swait.ge [sflag:s18], $0x4000  }
0x52: {  	[sflag:s18] =	ssyncset.done $0x0  }
0x53: {  	s29 =	sadd.s32 $0xA000, s29;
	s28 =	sadd.s32 $0xA000, s28;
	[sflag:s18] =	ssyncadd.s32 $0xFFFFC000  }
0x54: {  	s26 =	sadd.s32 $0x1, s26  }
0x55: {  	p0 =	sne.s32 s26, s13  }
.Ltmp2:
0x56: {  	[bflag:$0x0] =	sbarrier.arrive $0xFFFF;
	s0 =	sor.u32 $0x1C04, s7;
	(pc) =	sbr.rel @p0 .LBB2_1-.Ltmp2, $4  }
0x57: {  	[hbm:s12], [sflag:s0] =	dma.local [spmem:s16], $0x2800  }
0x58: {  	_ =	swait.ge [sflag:s18], $0x2800  }
0x59: {  	[sflag:s18] =	ssyncset.done $0x0  }
0x5a: {  	[sflag:s18] =	ssyncadd.s32 $0xFFFFD800  }
0x5b: {  	_ =	sfence.sel $0x180000  }
0x5c: {  	[bflag:$0x0] =	sbarrier.arrive $0xFFFF  }
0x5d: {  	_ =	strace $0x9000004A  }
0x5e: {  	s0 =	stileid.u32;
	[bflag:$0x2] =	sbarrier.arrive $0xFFFF  }
0x5f: {  	p0 =	sne.s32 s0, $0x0;
	s0 =	rddreg [dreg:$0x2]  }
0x60: {  	s0 =	sadd.s32 @!p0 $0x100000, s0  }
0x61: {  	[sflag:s0] =	ssyncadd.tile.s32 @!p0 $0x1;
	_ =	shalt  }
.Lfunc_end2:
_tile_overlayer_lowered:
.L_overlay_start_2:
0x62: {  	(tag) =	ssettag $0x2  }
0x63: {  	s0 =	rddreg [dreg:$0x0];
	s2 =	stileid.u32  }
0x64: {  	s1 =	rddreg [dreg:$0x1];
	p0 =	sne.s32 s2, $0x0  }
0x65: {  	s3 =	rddreg [dreg:$0x2];
	[bflag:$0x3] =	sbarrier.arrive $0xFFFF;
	s2 =	simm.s32 @!p0 $0x1C04  }
0x66: {  	[timem:s3], [sflag:s2] =	dma.local @!p0 [hbm:s0], s1  }
0x67: {  	s0 =	simm.s32 @!p0 $0x4  }
0x68: {  	_ =	swait.ge @!p0 [sflag:s0], s1  }
0x69: {  	s1 =	ssub.s32 @!p0 $0x0, s1;
	[sflag:s0] =	ssyncset.done @!p0 $0x0  }
0x6a: {  	[sflag:s0] =	ssyncadd.s32 @!p0 s1  }
0x6b: {  	[bflag:$0x3] =	sbarrier.arrive $0xFFFF  }
0x6c: {  	_ =	shalt  }

</sc_bundles>
